<compile_context>
chip_gen: v7x
topology: tpu7x:2x2x1
jax: 0.10.2.dev20260603
libtpu: 0.0.44.dev20260713+nightly
codegen_flags: <defaults>
</compile_context>

<pallas_src>
import jax
import jax.numpy as jnp
from jax import lax
from jax.experimental import pallas as pl
from jax.experimental.pallas import tpu as pltpu
from jax.experimental.pallas import tpu_sc as plsc

NCLS = 100000
EMD = 256
ALPHA = 0.1
NROW = 16384
BCOL = 1024

NWORK = 32
CPT = NCLS // NWORK
WSZ = 192
NWIN = -(-CPT // WSZ)
WMAGIC = 43691
BATCH = 32
TRASH = WSZ
LANES = 16
SEG = 2048


def _sload(ref, i):
  return ref[pl.ds(i, LANES)][0]


def _sc_update_body(rows_hbm, tgt_hbm, nc_ref,
                    tgtc, own, win, table, counts, rowbuf, oldbuf,
                    idxb, posb, clsb, invb, pres_pos, pres_cnt, sem, sem2):
  cid = lax.axis_index("c")
  sid = lax.axis_index("s")
  wid = sid * 2 + cid
  lo = wid * CPT

  lane = lax.iota(jnp.int32, LANES)
  zeros_i = jnp.zeros((LANES,), jnp.int32)
  zeros_f = jnp.zeros((LANES,), jnp.float32)
  one_row = jnp.where(lane == 0, 1.0, 0.0).astype(jnp.float32)

  def _zi(i, c):
    win[pl.ds(i * LANES, LANES)] = zeros_i
    return c
  lax.fori_loop(0, (NROW + LANES) // LANES, _zi, 0)

  def _zt(i, c):
    for ch in range(EMD // LANES):
      table[i, pl.ds(ch * LANES, LANES)] = zeros_f
    counts[pl.ds(i * LANES, LANES)] = zeros_f
    return c
  lax.fori_loop(0, WSZ + 1, _zt, 0)

  def seg_body(seg, cur):
    pltpu.sync_copy(tgt_hbm.at[pl.ds(seg * SEG, SEG)], tgtc)

    def scan_body(ch, cur):
      t = tgtc[pl.ds(ch * LANES, LANES)]
      rel = t - lo
      m = (rel >= 0) & (rel < CPT)
      rid = seg * SEG + ch * LANES + lane
      v = (rel * 16384) + rid
      mi = m.astype(jnp.int32)
      pos = plsc.cumsum(mi) - 1
      dest = jnp.where(m, cur + pos, NROW)
      plsc.store_scatter(own, [dest], v)
      return cur + jnp.sum(mi)
    return lax.fori_loop(0, SEG // LANES, scan_body, cur)
  own_cnt = lax.fori_loop(0, NROW // SEG, seg_body, 0)
  own_chunks = (own_cnt + (LANES - 1)) >> 4

  def window_body(w, pend):
    def wscan_body(ch, cur):
      vo = own[pl.ds(ch * LANES, LANES)]
      valid = (ch * LANES + lane) < own_cnt
      wv = ((vo >> 14) * WMAGIC) >> 23
      m = (wv == w) & valid
      mi = m.astype(jnp.int32)
      pos = plsc.cumsum(mi) - 1
      dest = jnp.where(m, cur + pos, NROW)
      plsc.store_scatter(win, [dest], vo)
      return cur + jnp.sum(mi)
    k = lax.fori_loop(0, own_chunks, wscan_body, 0)

    nb = (k + (BATCH - 1)) >> 5
    def batch_body(b, _c):
      b0 = b * BATCH
      for ch in range(BATCH // LANES):
        vw = win[pl.ds(b0 + ch * LANES, LANES)]
        valid = (b0 + ch * LANES + lane) < k
        relw = (vw >> 14) - w * WSZ
        idxb[pl.ds(ch * LANES, LANES)] = vw & (16384 - 1)
        posb[pl.ds(ch * LANES, LANES)] = jnp.where(valid, relw, TRASH)
      pltpu.async_copy(rows_hbm.at[idxb], rowbuf, sem).wait()

      def acc_body(r, _r):
        pr = _sload(posb, r)
        for ch in range(EMD // LANES):
          tv = table[pr, pl.ds(ch * LANES, LANES)]
          rv = rowbuf[r, pl.ds(ch * LANES, LANES)]
          table[pr, pl.ds(ch * LANES, LANES)] = tv + rv
        counts[pl.ds(pr * LANES, LANES)] = (
            counts[pl.ds(pr * LANES, LANES)] + one_row)
        return _r
      lax.fori_loop(0, BATCH, acc_body, 0)
      return _c
    lax.fori_loop(0, nb, batch_body, 0)

    base = lo + w * WSZ
    def pres_body(chv, p):
      c_idx = chv * LANES + lane
      cnt = plsc.load_gather(counts, [c_idx * LANES])
      m = cnt > 0.0
      mi = m.astype(jnp.int32)
      pos = plsc.cumsum(mi) - 1
      dest = jnp.where(m, p + pos, WSZ + LANES)
      plsc.store_scatter(pres_pos, [dest], c_idx)
      plsc.store_scatter(pres_cnt, [dest], cnt)
      return p + jnp.sum(mi)
    p = lax.fori_loop(0, WSZ // LANES, pres_body, 0)

    last = jnp.maximum(p - 1, 0)
    last_pos = _sload(pres_pos, last)
    last_cnt = _sload(pres_cnt, last)

    nb2 = (p + (BATCH - 1)) >> 5
    def blend_body(b, pend):
      b0 = b * BATCH
      @pl.when(pend > 0)
      def _():
        pltpu.make_async_copy(oldbuf, nc_ref.at[clsb], sem2).wait()
      for ch in range(BATCH // LANES):
        off = b0 + ch * LANES
        valid = (off + lane) < p
        pos16 = jnp.where(valid, pres_pos[pl.ds(off, LANES)], last_pos)
        cnt16 = jnp.where(valid, pres_cnt[pl.ds(off, LANES)], last_cnt)
        posb[pl.ds(ch * LANES, LANES)] = pos16
        clsb[pl.ds(ch * LANES, LANES)] = base + pos16
        invb[pl.ds(ch * LANES, LANES)] = ALPHA / cnt16
      pltpu.async_copy(nc_ref.at[clsb], oldbuf, sem).wait()

      def row_body(r, _r):
        pr = _sload(posb, r)
        iv = _sload(invb, r)
        for ch in range(EMD // LANES):
          old = oldbuf[r, pl.ds(ch * LANES, LANES)]
          tv = table[pr, pl.ds(ch * LANES, LANES)]
          oldbuf[r, pl.ds(ch * LANES, LANES)] = old * (1.0 - ALPHA) + tv * iv
        return _r
      lax.fori_loop(0, BATCH, row_body, 0)

      def zero_body(r, _r):
        pr = _sload(posb, r)
        for ch in range(EMD // LANES):
          table[pr, pl.ds(ch * LANES, LANES)] = zeros_f
        counts[pl.ds(pr * LANES, LANES)] = zeros_f
        return _r
      lax.fori_loop(0, jnp.minimum(BATCH, p - b0), zero_body, 0)

      pltpu.async_copy(oldbuf, nc_ref.at[clsb], sem2)
      return 1
    pend2 = lax.fori_loop(0, nb2, blend_body, pend)

    for ch in range(EMD // LANES):
      table[TRASH, pl.ds(ch * LANES, LANES)] = zeros_f
    counts[pl.ds(TRASH * LANES, LANES)] = zeros_f
    return pend2

  pend_fin = lax.fori_loop(0, NWIN, window_body, 0)

  @pl.when(pend_fin > 0)
  def _():
    pltpu.make_async_copy(oldbuf, nc_ref.at[clsb], sem2).wait()


def _make_sc_update():
  mesh = plsc.VectorSubcoreMesh(core_axis_name="c", subcore_axis_name="s")
  return pl.kernel(
      _sc_update_body,
      out_type=(),
      mesh=mesh,
      scratch_types=[
          pltpu.VMEM((SEG,), jnp.int32),
          pltpu.VMEM((NROW + LANES,), jnp.int32),
          pltpu.VMEM((NROW + LANES,), jnp.int32),
          pltpu.VMEM((WSZ + 1, EMD), jnp.float32),
          pltpu.VMEM(((WSZ + 1) * LANES,), jnp.float32),
          pltpu.VMEM((BATCH, EMD), jnp.float32),
          pltpu.VMEM((BATCH, EMD), jnp.float32),
          pltpu.VMEM((BATCH,), jnp.int32),
          pltpu.VMEM((BATCH + LANES,), jnp.int32),
          pltpu.VMEM((BATCH,), jnp.int32),
          pltpu.VMEM((BATCH + LANES,), jnp.float32),
          pltpu.VMEM((WSZ + 2 * LANES,), jnp.int32),
          pltpu.VMEM((WSZ + 2 * LANES,), jnp.float32),
          pltpu.SemaphoreType.DMA,
          pltpu.SemaphoreType.DMA,
      ],
      compiler_params=pltpu.CompilerParams(needs_layout_passes=False),
      name="sc_center_update",
  )


def _dt_gather_body(tgt_hbm, nc_hbm, g_out, idxg, gbuf, sem):
  cid = lax.axis_index("c")
  sid = lax.axis_index("s")
  wid = sid * 2 + cid
  off = wid * (BCOL // NWORK)
  pltpu.sync_copy(tgt_hbm.at[pl.ds(off, BCOL // NWORK)], idxg)
  pltpu.async_copy(nc_hbm.at[idxg], gbuf, sem).wait()
  pltpu.sync_copy(gbuf, g_out.at[pl.ds(off, BCOL // NWORK)])


def _make_dt_gather():
  mesh = plsc.VectorSubcoreMesh(core_axis_name="c", subcore_axis_name="s")
  return pl.kernel(
      _dt_gather_body,
      out_type=jax.ShapeDtypeStruct((BCOL, EMD), jnp.float32),
      mesh=mesh,
      scratch_types=[
          pltpu.VMEM((BCOL // NWORK,), jnp.int32),
          pltpu.VMEM((BCOL // NWORK, EMD), jnp.float32),
          pltpu.SemaphoreType.DMA,
      ],
      compiler_params=pltpu.CompilerParams(needs_layout_passes=False),
      name="dt_gather",
  )


TILE = 1024
NTILE = -(-NCLS // TILE)


def _colsum_body(nc_ref, xcol_ref, colsum_ref, xn_s):
  j = pl.program_id(0)

  @pl.when(j == 0)
  def _():
    x = xcol_ref[...]
    nrm = jnp.sqrt(jnp.sum(x * x, axis=1, keepdims=True))
    xn_s[...] = x / jnp.maximum(nrm, 1e-12)
    colsum_ref[...] = jnp.zeros_like(colsum_ref)

  rows = j * TILE + lax.broadcasted_iota(jnp.int32, (TILE, 1), 0)
  maskr = rows < NCLS
  c = jnp.where(maskr, nc_ref[...], 0.0)
  nrm = jnp.sqrt(jnp.sum(c * c, axis=1, keepdims=True))
  cn = c / jnp.maximum(nrm, 1e-12)
  dist = lax.dot_general(cn, xn_s[...], (((1,), (1,)), ((), ())),
                         preferred_element_type=jnp.float32)
  e = jnp.where(maskr, jnp.exp(dist), 0.0)
  colsum_ref[...] += jnp.sum(e, axis=0, keepdims=True)


def _make_colsum():
  return pl.pallas_call(
      _colsum_body,
      grid=(NTILE,),
      in_specs=[
          pl.BlockSpec((TILE, EMD), lambda j: (j, 0)),
          pl.BlockSpec((BCOL, EMD), lambda j: (0, 0)),
      ],
      out_specs=pl.BlockSpec((1, BCOL), lambda j: (0, 0)),
      out_shape=jax.ShapeDtypeStruct((1, BCOL), jnp.float32),
      scratch_shapes=[pltpu.VMEM((BCOL, EMD), jnp.float32)],
      compiler_params=pltpu.CompilerParams(
          dimension_semantics=("arbitrary",)),
      name="colsum_dist",
  )


def _smooth_body(ep_ref, colsum_ref, g_ref, xcol_ref, out_ref):
  ep = ep_ref[0]
  x = xcol_ref[...]
  xn = x / jnp.maximum(jnp.sqrt(jnp.sum(x * x, axis=1, keepdims=True)), 1e-12)
  g = g_ref[...]
  gn = g / jnp.maximum(jnp.sqrt(jnp.sum(g * g, axis=1, keepdims=True)), 1e-12)
  dgx = lax.dot_general(gn, xn, (((1,), (1,)), ((), ())),
                        preferred_element_type=jnp.float32)
  rows = lax.broadcasted_iota(jnp.int32, (BCOL, 1), 0)
  cols = lax.broadcasted_iota(jnp.int32, (BCOL, BCOL), 1)
  dt = jnp.sum(jnp.where(rows == cols, dgx, 0.0), axis=0, keepdims=True)
  denom = jnp.float32(NCLS) + colsum_ref[...]
  s = (1.0 + jnp.exp(dt)) / denom
  sm = jnp.minimum(jnp.exp(s * ep.astype(jnp.float32)) / NCLS, 0.1)
  out_ref[...] = jnp.where(ep == 0, 0.0, sm)


def _make_smooth():
  return pl.pallas_call(
      _smooth_body,
      in_specs=[
          pl.BlockSpec(memory_space=pltpu.SMEM),
          pl.BlockSpec((1, BCOL), lambda: (0, 0)),
          pl.BlockSpec((BCOL, EMD), lambda: (0, 0)),
          pl.BlockSpec((BCOL, EMD), lambda: (0, 0)),
      ],
      out_specs=pl.BlockSpec((1, BCOL), lambda: (0, 0)),
      out_shape=jax.ShapeDtypeStruct((1, BCOL), jnp.float32),
      name="smooth_rate",
  )


_sc_update = _make_sc_update()
_dt_gather = _make_dt_gather()
_colsum = _make_colsum()
_smooth = _make_smooth()


def kernel(inputs_col, targets_col, inputs_row, target_row, epoch, center):
  tgt_row = target_row.astype(jnp.int32)
  tgt_col = targets_col.astype(jnp.int32)

  nc_ref = jax.new_ref(center)
  _sc_update(inputs_row, tgt_row, nc_ref)
  new_center = nc_ref[...]

  colsum = _colsum(new_center, inputs_col)
  g = _dt_gather(tgt_col, new_center)
  ep = jnp.asarray(epoch, jnp.int32).reshape(1)
  smooth = _smooth(ep, colsum, g, inputs_col).reshape(BCOL)
  return (new_center, smooth)

# --- scband reference (transcript-rebuilt; emitter-appended) ---
"""Pipeline reference for scband-dynamic-smooth-44461501448989 (READ-ONLY COPY).

The authoritative reference and input builder live on the scoring server;
editing this copy changes nothing except your own understanding.
"""

import jax, jax.numpy as jnp
import numpy as np

NUM_CLASSES = 100000
EMD = 256
ALPHA = 0.1


def _l2norm(x):
    n = jnp.sqrt(jnp.sum(x * x, axis=1, keepdims=True))
    return x / jnp.maximum(n, 1e-12)


def setup_inputs(seed: int = 0) -> dict:
    key = jax.random.key(seed)
    k1, k2, k3, k4, k5 = jax.random.split(key, 5)
    inputs_col = jax.random.normal(k1, (1024, EMD), dtype=jnp.float32)
    targets_col = jax.random.randint(k2, (1024,), 0, NUM_CLASSES, dtype=jnp.int64)
    inputs_row = jax.random.normal(k3, (16384, EMD), dtype=jnp.float32)
    target_row = jax.random.randint(k4, (16384,), 0, NUM_CLASSES, dtype=jnp.int64)
    epoch = 5
    # learned/persistent buffer: class centers, init matches torch.rand(...)/num_classes
    center = jax.random.uniform(k5, (NUM_CLASSES, EMD), dtype=jnp.float32) / NUM_CLASSES
    return {"inputs_col": inputs_col, "targets_col": targets_col,
            "inputs_row": inputs_row, "target_row": target_row,
            "epoch": epoch, "center": center}


def reference(inputs_col, targets_col, inputs_row, target_row, epoch, center):
    # update_center: per-class EMA with the mean of rows belonging to that class,
    # only for classes present in target_row (scatter/segment reduce)
    sums = jax.ops.segment_sum(inputs_row, target_row, num_segments=NUM_CLASSES)
    counts = jax.ops.segment_sum(jnp.ones((inputs_row.shape[0],), dtype=inputs_row.dtype),
                                 target_row, num_segments=NUM_CLASSES)
    means = sums / jnp.maximum(counts, 1.0)[:, None]
    present = (counts > 0)[:, None]
    new_center = jnp.where(present, (1.0 - ALPHA) * center + ALPHA * means, center)
    # cosine_dist(center, inputs_col)
    dist = _l2norm(new_center) @ _l2norm(inputs_col).T  # [NUM_CLASSES, B_col]
    all_sim_exp = 1.0 + jnp.exp(dist)
    softmax_loss = all_sim_exp / jnp.sum(all_sim_exp, axis=0, keepdims=True)
    # gather softmax_loss[targets_col[i], i] per column i, then clamp at 0.1
    s = softmax_loss[targets_col, jnp.arange(targets_col.shape[0])]
    smooth_val = jnp.minimum(jnp.exp(s * epoch) / NUM_CLASSES, 0.1)
    smooth_rate = jnp.where(epoch == 0, jnp.zeros_like(smooth_val), smooth_val)
    return (new_center, smooth_rate)

if __name__ == "__main__":
    import jax
    _d = setup_inputs()
    print(jax.jit(kernel)(*tuple(_d.values())))

</pallas_src>

<mosaic_0001>
#map = affine_map<(d0, d1) -> (0, 0)>
#map1 = affine_map<(d0, d1) -> (0)>
module attributes {stable_mosaic.version = 14 : i64} {
  func.func @new_body(%arg0: i32, %arg1: i32, %arg2: memref<16384x256xf32, #tpu.memory_space<hbm>>, %arg3: memref<16384xi32, #tpu.memory_space<hbm>>, %arg4: memref<100000x256xf32, #tpu.memory_space<hbm>>, %arg5: memref<100000x256xf32, #tpu.memory_space<hbm>>, %arg6: memref<2048xi32, #tpu.memory_space<vmem>>, %arg7: memref<16400xi32, #tpu.memory_space<vmem>>, %arg8: memref<16400xi32, #tpu.memory_space<vmem>>, %arg9: memref<193x256xf32, #tpu.memory_space<vmem>>, %arg10: memref<3088xf32, #tpu.memory_space<vmem>>, %arg11: memref<32x256xf32, #tpu.memory_space<vmem>>, %arg12: memref<32x256xf32, #tpu.memory_space<vmem>>, %arg13: memref<32xi32, #tpu.memory_space<vmem>>, %arg14: memref<48xi32, #tpu.memory_space<vmem>>, %arg15: memref<32xi32, #tpu.memory_space<vmem>>, %arg16: memref<48xf32, #tpu.memory_space<vmem>>, %arg17: memref<224xi32, #tpu.memory_space<vmem>>, %arg18: memref<224xf32, #tpu.memory_space<vmem>>, %arg19: memref<!tpu.dma_semaphore, #tpu.memory_space<semaphore_mem>>, %arg20: memref<!tpu.dma_semaphore, #tpu.memory_space<semaphore_mem>>) attributes {dimension_semantics = [#tpu.dimension_semantics<core_parallel>, #tpu.dimension_semantics<subcore_parallel>], iteration_bounds = array<i64: 2, 16>, scalar_prefetch = 0 : i64, scratch_operands = 15 : i64, tpu.core_type = #tpu.core_type<sc_vector_subcore>, window_params = [{transform_indices = #map}, {transform_indices = #map1}, {transform_indices = #map}, {transform_indices = #map}]} {
    %mul3A = arith.constant 2 : i32
    %mul3A_0 = arith.muli %arg1, %mul3A : i32
    %add3A = arith.addi %mul3A_0, %arg0 : i32
    %mul3A_1 = arith.constant 3125 : i32
    %mul3A_2 = arith.muli %add3A, %mul3A_1 : i32
    %iota3A = tpu.iota {dimensions = array<i32: 0>} : vector<16xi32>
    %broadcast_in_dim3A = arith.constant 0 : i32
    %broadcast_in_dim3A_3 = vector.broadcast %broadcast_in_dim3A : i32 to vector<16xi32>
    %broadcast_in_dim3A_4 = arith.constant 0.000000e+00 : f32
    %broadcast_in_dim3A_5 = vector.broadcast %broadcast_in_dim3A_4 : f32 to vector<16xf32>
    %eq3A = arith.constant 0 : i32
    %eq3A_6 = vector.broadcast %eq3A : i32 to vector<16xi32>
    %eq3A_7 = arith.cmpi eq, %iota3A, %eq3A_6 : vector<16xi32>
    %jit3A = arith.constant 1.000000e+00 : f32
    %jit3A_8 = arith.constant 0.000000e+00 : f32
    %broadcast_in_dim3A_9 = vector.broadcast %jit3A : f32 to vector<16xf32>
    %broadcast_in_dim3A_10 = vector.broadcast %jit3A_8 : f32 to vector<16xf32>
    %select_n3A = arith.select %eq3A_7, %broadcast_in_dim3A_9, %broadcast_in_dim3A_10 : vector<16xi1>, vector<16xf32>
    %scan3A = arith.constant 0 : i32
    %scan3A_11 = arith.constant 0 : i32
    %scan3A_12 = arith.constant 1025 : i32
    %scan3A_13 = arith.addi %scan3A_11, %scan3A_12 : i32
    %scan3A_14 = arith.constant 1 : i32
    scf.for %scan3A_41 = %scan3A_11 to %scan3A_13 step %scan3A_14  : i32 {
      %mul3A_42 = arith.constant 16 : i32
      %mul3A_43 = arith.muli %scan3A_41, %mul3A_42 : i32
      %swap3A = arith.index_cast %mul3A_43 : i32 to index
      %swap3A_44 = tpu.vector_load %arg8[%swap3A] {strides = array<i32>} : memref<16400xi32, #tpu.memory_space<vmem>>, vector<16xi32>,
      tpu.vector_store %arg8[%swap3A], %broadcast_in_dim3A_3 {strides = array<i32>} : memref<16400xi32, #tpu.memory_space<vmem>>, vector<16xi32>,
    }
    %scan3A_15 = arith.constant 1025 : i32
    %scan3A_16 = arith.constant 0 : i32
    %scan3A_17 = arith.constant 0 : i32
    %scan3A_18 = arith.constant 193 : i32
    %scan3A_19 = arith.addi %scan3A_17, %scan3A_18 : i32
    %scan3A_20 = arith.constant 1 : i32
    scf.for %scan3A_41 = %scan3A_17 to %scan3A_19 step %scan3A_20  : i32 {
      %swap3A = arith.index_cast %scan3A_41 : i32 to index
      %swap3A_42 = arith.constant 0 : index
      %swap3A_43 = tpu.vector_load %arg9[%swap3A, %swap3A_42] {strides = array<i32>} : memref<193x256xf32, #tpu.memory_space<vmem>>, vector<16xf32>,
      tpu.vector_store %arg9[%swap3A, %swap3A_42], %broadcast_in_dim3A_5 {strides = array<i32>} : memref<193x256xf32, #tpu.memory_space<vmem>>, vector<16xf32>,
      %swap3A_44 = arith.index_cast %scan3A_41 : i32 to index
      %swap3A_45 = arith.constant 16 : index
      %swap3A_46 = tpu.vector_load %arg9[%swap3A_44, %swap3A_45] {strides = array<i32>} : memref<193x256xf32, #tpu.memory_space<vmem>>, vector<16xf32>,
      tpu.vector_store %arg9[%swap3A_44, %swap3A_45], %broadcast_in_dim3A_5 {strides = array<i32>} : memref<193x256xf32, #tpu.memory_space<vmem>>, vector<16xf32>,
      %swap3A_47 = arith.index_cast %scan3A_41 : i32 to index
      %swap3A_48 = arith.constant 32 : index
      %swap3A_49 = tpu.vector_load %arg9[%swap3A_47, %swap3A_48] {strides = array<i32>} : memref<193x256xf32, #tpu.memory_space<vmem>>, vector<16xf32>,
      tpu.vector_store %arg9[%swap3A_47, %swap3A_48], %broadcast_in_dim3A_5 {strides = array<i32>} : memref<193x256xf32, #tpu.memory_space<vmem>>, vector<16xf32>,
      %swap3A_50 = arith.index_cast %scan3A_41 : i32 to index
      %swap3A_51 = arith.constant 48 : index
      %swap3A_52 = tpu.vector_load %arg9[%swap3A_50, %swap3A_51] {strides = array<i32>} : memref<193x256xf32, #tpu.memory_space<vmem>>, vector<16xf32>,
      tpu.vector_store %arg9[%swap3A_50, %swap3A_51], %broadcast_in_dim3A_5 {strides = array<i32>} : memref<193x256xf32, #tpu.memory_space<vmem>>, vector<16xf32>,
      %swap3A_53 = arith.index_cast %scan3A_41 : i32 to index
      %swap3A_54 = arith.constant 64 : index
      %swap3A_55 = tpu.vector_load %arg9[%swap3A_53, %swap3A_54] {strides = array<i32>} : memref<193x256xf32, #tpu.memory_space<vmem>>, vector<16xf32>,
      tpu.vector_store %arg9[%swap3A_53, %swap3A_54], %broadcast_in_dim3A_5 {strides = array<i32>} : memref<193x256xf32, #tpu.memory_space<vmem>>, vector<16xf32>,
      %swap3A_56 = arith.index_cast %scan3A_41 : i32 to index
      %swap3A_57 = arith.constant 80 : index
      %swap3A_58 = tpu.vector_load %arg9[%swap3A_56, %swap3A_57] {strides = array<i32>} : memref<193x256xf32, #tpu.memory_space<vmem>>, vector<16xf32>,
      tpu.vector_store %arg9[%swap3A_56, %swap3A_57], %broadcast_in_dim3A_5 {strides = array<i32>} : memref<193x256xf32, #tpu.memory_space<vmem>>, vector<16xf32>,
      %swap3A_59 = arith.index_cast %scan3A_41 : i32 to index
      %swap3A_60 = arith.constant 96 : index
      %swap3A_61 = tpu.vector_load %arg9[%swap3A_59, %swap3A_60] {strides = array<i32>} : memref<193x256xf32, #tpu.memory_space<vmem>>, vector<16xf32>,
      tpu.vector_store %arg9[%swap3A_59, %swap3A_60], %broadcast_in_dim3A_5 {strides = array<i32>} : memref<193x256xf32, #tpu.memory_space<vmem>>, vector<16xf32>,
      %swap3A_62 = arith.index_cast %scan3A_41 : i32 to index
      %swap3A_63 = arith.constant 112 : index
      %swap3A_64 = tpu.vector_load %arg9[%swap3A_62, %swap3A_63] {strides = array<i32>} : memref<193x256xf32, #tpu.memory_space<vmem>>, vector<16xf32>,
      tpu.vector_store %arg9[%swap3A_62, %swap3A_63], %broadcast_in_dim3A_5 {strides = array<i32>} : memref<193x256xf32, #tpu.memory_space<vmem>>, vector<16xf32>,
      %swap3A_65 = arith.index_cast %scan3A_41 : i32 to index
      %swap3A_66 = arith.constant 128 : index
      %swap3A_67 = tpu.vector_load %arg9[%swap3A_65, %swap3A_66] {strides = array<i32>} : memref<193x256xf32, #tpu.memory_space<vmem>>, vector<16xf32>,
      tpu.vector_store %arg9[%swap3A_65, %swap3A_66], %broadcast_in_dim3A_5 {strides = array<i32>} : memref<193x256xf32, #tpu.memory_space<vmem>>, vector<16xf32>,
      %swap3A_68 = arith.index_cast %scan3A_41 : i32 to index
      %swap3A_69 = arith.constant 144 : index
      %swap3A_70 = tpu.vector_load %arg9[%swap3A_68, %swap3A_69] {strides = array<i32>} : memref<193x256xf32, #tpu.memory_space<vmem>>, vector<16xf32>,
      tpu.vector_store %arg9[%swap3A_68, %swap3A_69], %broadcast_in_dim3A_5 {strides = array<i32>} : memref<193x256xf32, #tpu.memory_space<vmem>>, vector<16xf32>,
      %swap3A_71 = arith.index_cast %scan3A_41 : i32 to index
      %swap3A_72 = arith.constant 160 : index
      %swap3A_73 = tpu.vector_load %arg9[%swap3A_71, %swap3A_72] {strides = array<i32>} : memref<193x256xf32, #tpu.memory_space<vmem>>, vector<16xf32>,
      tpu.vector_store %arg9[%swap3A_71, %swap3A_72], %broadcast_in_dim3A_5 {strides = array<i32>} : memref<193x256xf32, #tpu.memory_space<vmem>>, vector<16xf32>,
      %swap3A_74 = arith.index_cast %scan3A_41 : i32 to index
      %swap3A_75 = arith.constant 176 : index
      %swap3A_76 = tpu.vector_load %arg9[%swap3A_74, %swap3A_75] {strides = array<i32>} : memref<193x256xf32, #tpu.memory_space<vmem>>, vector<16xf32>,
      tpu.vector_store %arg9[%swap3A_74, %swap3A_75], %broadcast_in_dim3A_5 {strides = array<i32>} : memref<193x256xf32, #tpu.memory_space<vmem>>, vector<16xf32>,
      %swap3A_77 = arith.index_cast %scan3A_41 : i32 to index
      %swap3A_78 = arith.constant 192 : index
      %swap3A_79 = tpu.vector_load %arg9[%swap3A_77, %swap3A_78] {strides = array<i32>} : memref<193x256xf32, #tpu.memory_space<vmem>>, vector<16xf32>,
      tpu.vector_store %arg9[%swap3A_77, %swap3A_78], %broadcast_in_dim3A_5 {strides = array<i32>} : memref<193x256xf32, #tpu.memory_space<vmem>>, vector<16xf32>,
      %swap3A_80 = arith.index_cast %scan3A_41 : i32 to index
      %swap3A_81 = arith.constant 208 : index
      %swap3A_82 = tpu.vector_load %arg9[%swap3A_80, %swap3A_81] {strides = array<i32>} : memref<193x256xf32, #tpu.memory_space<vmem>>, vector<16xf32>,
      tpu.vector_store %arg9[%swap3A_80, %swap3A_81], %broadcast_in_dim3A_5 {strides = array<i32>} : memref<193x256xf32, #tpu.memory_space<vmem>>, vector<16xf32>,
      %swap3A_83 = arith.index_cast %scan3A_41 : i32 to index
      %swap3A_84 = arith.constant 224 : index
      %swap3A_85 = tpu.vector_load %arg9[%swap3A_83, %swap3A_84] {strides = array<i32>} : memref<193x256xf32, #tpu.memory_space<vmem>>, vector<16xf32>,
      tpu.vector_store %arg9[%swap3A_83, %swap3A_84], %broadcast_in_dim3A_5 {strides = array<i32>} : memref<193x256xf32, #tpu.memory_space<vmem>>, vector<16xf32>,
      %swap3A_86 = arith.index_cast %scan3A_41 : i32 to index
      %swap3A_87 = arith.constant 240 : index
      %swap3A_88 = tpu.vector_load %arg9[%swap3A_86, %swap3A_87] {strides = array<i32>} : memref<193x256xf32, #tpu.memory_space<vmem>>, vector<16xf32>,
      tpu.vector_store %arg9[%swap3A_86, %swap3A_87], %broadcast_in_dim3A_5 {strides = array<i32>} : memref<193x256xf32, #tpu.memory_space<vmem>>, vector<16xf32>,
      %mul3A_89 = arith.constant 16 : i32
      %mul3A_90 = arith.muli %scan3A_41, %mul3A_89 : i32
      %swap3A_91 = arith.index_cast %mul3A_90 : i32 to index
      %swap3A_92 = tpu.vector_load %arg10[%swap3A_91] {strides = array<i32>} : memref<3088xf32, #tpu.memory_space<vmem>>, vector<16xf32>,
      tpu.vector_store %arg10[%swap3A_91], %broadcast_in_dim3A_5 {strides = array<i32>} : memref<3088xf32, #tpu.memory_space<vmem>>, vector<16xf32>,
    }
    %scan3A_21 = arith.constant 193 : i32
    %scan3A_22 = arith.constant 0 : i32
    %scan3A_23 = arith.constant 0 : i32
    %scan3A_24 = arith.constant 8 : i32
    %scan3A_25 = arith.addi %scan3A_23, %scan3A_24 : i32
    %scan3A_26 = arith.constant 1 : i32
    %scan3A_27 = scf.for %scan3A_41 = %scan3A_23 to %scan3A_25 step %scan3A_26 iter_args(%scan3A_42 = %scan3A_22) -> (i32)  : i32 {
      %mul3A_43 = arith.constant 2048 : i32
      %mul3A_44 = arith.muli %scan3A_41, %mul3A_43 : i32
      "tpu.region"() ({
        %run_scoped3A = tpu.sem_alloc : memref<!tpu.dma_semaphore, #tpu.memory_space<semaphore_mem>>
        %dma_start3A = tpu.memref_slice %arg3[%mul3A_44] : memref<16384xi32, #tpu.memory_space<hbm>> -> memref<2048xi32, #tpu.memory_space<hbm>>
        %dma_start3A_51 = tpu.memref_slice %arg3[%mul3A_44] : memref<16384xi32, #tpu.memory_space<hbm>> -> memref<2048xi32, #tpu.memory_space<hbm>>
        tpu.enqueue_dma source(%dma_start3A_51 : memref<2048xi32, #tpu.memory_space<hbm>>) target(%arg6 : memref<2048xi32, #tpu.memory_space<vmem>>) target_semaphore(%run_scoped3A : memref<!tpu.dma_semaphore, #tpu.memory_space<semaphore_mem>>)
        %dma_wait3A = tpu.memref_slice %arg3[%mul3A_44] : memref<16384xi32, #tpu.memory_space<hbm>> -> memref<2048xi32, #tpu.memory_space<hbm>>
        %dma_wait3A_52 = tpu.memref_slice %arg3[%mul3A_44] : memref<16384xi32, #tpu.memory_space<hbm>> -> memref<2048xi32, #tpu.memory_space<hbm>>
        tpu.wait_dma2 semaphore(%run_scoped3A : memref<!tpu.dma_semaphore, #tpu.memory_space<semaphore_mem>>) src(%dma_wait3A_52 : memref<2048xi32, #tpu.memory_space<hbm>>) dst(%arg6 : memref<2048xi32, #tpu.memory_space<vmem>>)
        tpu.yield
      }) : () -> ()
      %scan3A_45 = arith.constant 0 : i32
      %scan3A_46 = arith.constant 128 : i32
      %scan3A_47 = arith.addi %scan3A_45, %scan3A_46 : i32
      %scan3A_48 = arith.constant 1 : i32
      %scan3A_49 = scf.for %scan3A_51 = %scan3A_45 to %scan3A_47 step %scan3A_48 iter_args(%scan3A_52 = %scan3A_42) -> (i32)  : i32 {
        %mul3A_53 = arith.constant 16 : i32
        %mul3A_54 = arith.muli %scan3A_51, %mul3A_53 : i32
        %get3A = arith.index_cast %mul3A_54 : i32 to index
        %get3A_55 = tpu.vector_load %arg6[%get3A] {strides = array<i32>} : memref<2048xi32, #tpu.memory_space<vmem>>, vector<16xi32>,
        %sub3A = vector.broadcast %mul3A_2 : i32 to vector<16xi32>
        %sub3A_56 = arith.subi %get3A_55, %sub3A : vector<16xi32>
        %ge3A = arith.constant 0 : i32
        %ge3A_57 = vector.broadcast %ge3A : i32 to vector<16xi32>
        %ge3A_58 = arith.cmpi sge, %sub3A_56, %ge3A_57 : vector<16xi32>
        %lt3A = arith.constant 3125 : i32
        %lt3A_59 = vector.broadcast %lt3A : i32 to vector<16xi32>
        %lt3A_60 = arith.cmpi slt, %sub3A_56, %lt3A_59 : vector<16xi32>
        %and3A = arith.andi %ge3A_58, %lt3A_60 : vector<16xi1>
        %mul3A_61 = arith.constant 2048 : i32
        %mul3A_62 = arith.muli %scan3A_41, %mul3A_61 : i32
        %mul3A_63 = arith.constant 16 : i32
        %mul3A_64 = arith.muli %scan3A_51, %mul3A_63 : i32
        %add3A_65 = arith.addi %mul3A_62, %mul3A_64 : i32
        %add3A_66 = vector.broadcast %add3A_65 : i32 to vector<16xi32>
        %add3A_67 = arith.addi %add3A_66, %iota3A : vector<16xi32>
        %mul3A_68 = arith.constant 16384 : i32
        %mul3A_69 = vector.broadcast %mul3A_68 : i32 to vector<16xi32>
        %mul3A_70 = arith.muli %sub3A_56, %mul3A_69 : vector<16xi32>
        %add3A_71 = arith.addi %mul3A_70, %add3A_67 : vector<16xi32>
        %convert_element_type3A_72 = arith.extui %and3A : vector<16xi1> to vector<16xi32>
        %broadcast_in_dim3A_73 = arith.constant true
        %broadcast_in_dim3A_74 = vector.broadcast %broadcast_in_dim3A_73 : i1 to vector<16xi1>
        %masked_cumsum3A = tpu.scan <sum>, %convert_element_type3A_72 masked %broadcast_in_dim3A_74 : vector<16xi32>, vector<16xi1> -> vector<16xi32>
        %sub3A_75 = arith.constant 1 : i32
        %sub3A_76 = vector.broadcast %sub3A_75 : i32 to vector<16xi32>
        %sub3A_77 = arith.subi %masked_cumsum3A, %sub3A_76 : vector<16xi32>
        %add3A_78 = vector.broadcast %scan3A_52 : i32 to vector<16xi32>
        %add3A_79 = arith.addi %add3A_78, %sub3A_77 : vector<16xi32>
        %jit3A_80 = arith.constant 16384 : i32
        %broadcast_in_dim3A_81 = vector.broadcast %jit3A_80 : i32 to vector<16xi32>
        %select_n3A_82 = arith.select %and3A, %add3A_79, %broadcast_in_dim3A_81 : vector<16xi1>, vector<16xi32>
        tpu.vector_store_idx %arg7[%select_n3A_82], %add3A_71 : memref<16400xi32, #tpu.memory_space<vmem>>[vector<16xi32>], vector<16xi32>,
        %reduce_sum3A = arith.constant true
        %reduce_sum3A_83 = vector.broadcast %reduce_sum3A : i1 to vector<16xi1>
        %reduce_sum3A_84 = tpu.scan <sum>, %convert_element_type3A_72 masked %reduce_sum3A_83 : vector<16xi32>, vector<16xi1> -> vector<16xi32>
        %reduce_sum3A_85 = vector.extract %reduce_sum3A_84[15] : i32 from vector<16xi32>
        %add3A_86 = arith.addi %scan3A_52, %reduce_sum3A_85 : i32
        scf.yield %add3A_86 : i32
      }
      %scan3A_50 = arith.constant 128 : i32
      scf.yield %scan3A_49 : i32
    }
    %scan3A_28 = arith.constant 8 : i32
    %add3A_29 = arith.constant 15 : i32
    %add3A_30 = arith.addi %scan3A_27, %add3A_29 : i32
    %shift_right_arithmetic3A = arith.constant 4 : i32
    %shift_right_arithmetic3A_31 = arith.shrsi %add3A_30, %shift_right_arithmetic3A : i32
    %scan3A_32 = arith.constant 0 : i32
    %scan3A_33 = arith.constant 0 : i32
    %scan3A_34 = arith.constant 17 : i32
    %scan3A_35 = arith.addi %scan3A_33, %scan3A_34 : i32
    %scan3A_36 = arith.constant 1 : i32
    %scan3A_37 = scf.for %scan3A_41 = %scan3A_33 to %scan3A_35 step %scan3A_36 iter_args(%scan3A_42 = %scan3A_32) -> (i32)  : i32 {
      %while3A = arith.constant 0 : i32
      %while3A_43 = arith.constant 0 : i32
      %while3A_44 = arith.subi %shift_right_arithmetic3A_31, %while3A : i32
      %while3A_45 = arith.addi %while3A, %while3A_44 : i32
      %while3A_46 = arith.constant 1 : i32
      %while3A_47 = arith.divsi %while3A_44, %while3A_46 : i32
      %while3A_48 = arith.muli %while3A_47, %while3A_46 : i32
      %while3A_49 = arith.addi %while3A, %while3A_48 : i32
      %while3A_50 = arith.constant 1 : i32
      %while3A_51 = scf.for %while3A_165 = %while3A to %while3A_49 step %while3A_50 iter_args(%while3A_166 = %while3A_43) -> (i32)  : i32 {
        %mul3A_167 = arith.constant 16 : i32
        %mul3A_168 = arith.muli %while3A_165, %mul3A_167 : i32
        %get3A_169 = arith.index_cast %mul3A_168 : i32 to index
        %get3A_170 = tpu.vector_load %arg7[%get3A_169] {strides = array<i32>} : memref<16400xi32, #tpu.memory_space<vmem>>, vector<16xi32>,
        %mul3A_171 = arith.constant 16 : i32
        %mul3A_172 = arith.muli %while3A_165, %mul3A_171 : i32
        %add3A_173 = vector.broadcast %mul3A_172 : i32 to vector<16xi32>
        %add3A_174 = arith.addi %add3A_173, %iota3A : vector<16xi32>
        %lt3A = vector.broadcast %scan3A_27 : i32 to vector<16xi32>
        %lt3A_175 = arith.cmpi slt, %add3A_174, %lt3A : vector<16xi32>
        %shift_right_arithmetic3A_176 = arith.constant 14 : i32
        %shift_right_arithmetic3A_177 = vector.broadcast %shift_right_arithmetic3A_176 : i32 to vector<16xi32>
        %shift_right_arithmetic3A_178 = arith.shrsi %get3A_170, %shift_right_arithmetic3A_177 : vector<16xi32>
        %mul3A_179 = arith.constant 43691 : i32
        %mul3A_180 = vector.broadcast %mul3A_179 : i32 to vector<16xi32>
        %mul3A_181 = arith.muli %shift_right_arithmetic3A_178, %mul3A_180 : vector<16xi32>
        %shift_right_arithmetic3A_182 = arith.constant 23 : i32
        %shift_right_arithmetic3A_183 = vector.broadcast %shift_right_arithmetic3A_182 : i32 to vector<16xi32>
        %shift_right_arithmetic3A_184 = arith.shrsi %mul3A_181, %shift_right_arithmetic3A_183 : vector<16xi32>
        %eq3A_185 = vector.broadcast %scan3A_41 : i32 to vector<16xi32>
        %eq3A_186 = arith.cmpi eq, %shift_right_arithmetic3A_184, %eq3A_185 : vector<16xi32>
        %and3A = arith.andi %eq3A_186, %lt3A_175 : vector<16xi1>
        %convert_element_type3A_187 = arith.extui %and3A : vector<16xi1> to vector<16xi32>
        %broadcast_in_dim3A_188 = arith.constant true
        %broadcast_in_dim3A_189 = vector.broadcast %broadcast_in_dim3A_188 : i1 to vector<16xi1>
        %masked_cumsum3A = tpu.scan <sum>, %convert_element_type3A_187 masked %broadcast_in_dim3A_189 : vector<16xi32>, vector<16xi1> -> vector<16xi32>
        %sub3A_190 = arith.constant 1 : i32
        %sub3A_191 = vector.broadcast %sub3A_190 : i32 to vector<16xi32>
        %sub3A_192 = arith.subi %masked_cumsum3A, %sub3A_191 : vector<16xi32>
        %add3A_193 = vector.broadcast %while3A_166 : i32 to vector<16xi32>
        %add3A_194 = arith.addi %add3A_193, %sub3A_192 : vector<16xi32>
        %jit3A_195 = arith.constant 16384 : i32
        %broadcast_in_dim3A_196 = vector.broadcast %jit3A_195 : i32 to vector<16xi32>
        %select_n3A_197 = arith.select %and3A, %add3A_194, %broadcast_in_dim3A_196 : vector<16xi1>, vector<16xi32>
        tpu.vector_store_idx %arg8[%select_n3A_197], %get3A_170 : memref<16400xi32, #tpu.memory_space<vmem>>[vector<16xi32>], vector<16xi32>,
        %reduce_sum3A = arith.constant true
        %reduce_sum3A_198 = vector.broadcast %reduce_sum3A : i1 to vector<16xi1>
        %reduce_sum3A_199 = tpu.scan <sum>, %convert_element_type3A_187 masked %reduce_sum3A_198 : vector<16xi32>, vector<16xi1> -> vector<16xi32>
        %reduce_sum3A_200 = vector.extract %reduce_sum3A_199[15] : i32 from vector<16xi32>
        %add3A_201 = arith.addi %while3A_166, %reduce_sum3A_200 : i32
        scf.yield %add3A_201 : i32
      }
      %while3A_52 = arith.constant 1 : i32
      %while3A_53 = scf.for %while3A_165 = %while3A_49 to %while3A_45 step %while3A_52 iter_args(%while3A_166 = %while3A_51) -> (i32)  : i32 {
        %mul3A_167 = arith.constant 16 : i32
        %mul3A_168 = arith.muli %while3A_165, %mul3A_167 : i32
        %get3A_169 = arith.index_cast %mul3A_168 : i32 to index
        %get3A_170 = tpu.vector_load %arg7[%get3A_169] {strides = array<i32>} : memref<16400xi32, #tpu.memory_space<vmem>>, vector<16xi32>,
        %mul3A_171 = arith.constant 16 : i32
        %mul3A_172 = arith.muli %while3A_165, %mul3A_171 : i32
        %add3A_173 = vector.broadcast %mul3A_172 : i32 to vector<16xi32>
        %add3A_174 = arith.addi %add3A_173, %iota3A : vector<16xi32>
        %lt3A = vector.broadcast %scan3A_27 : i32 to vector<16xi32>
        %lt3A_175 = arith.cmpi slt, %add3A_174, %lt3A : vector<16xi32>
        %shift_right_arithmetic3A_176 = arith.constant 14 : i32
        %shift_right_arithmetic3A_177 = vector.broadcast %shift_right_arithmetic3A_176 : i32 to vector<16xi32>
        %shift_right_arithmetic3A_178 = arith.shrsi %get3A_170, %shift_right_arithmetic3A_177 : vector<16xi32>
        %mul3A_179 = arith.constant 43691 : i32
        %mul3A_180 = vector.broadcast %mul3A_179 : i32 to vector<16xi32>
        %mul3A_181 = arith.muli %shift_right_arithmetic3A_178, %mul3A_180 : vector<16xi32>
        %shift_right_arithmetic3A_182 = arith.constant 23 : i32
        %shift_right_arithmetic3A_183 = vector.broadcast %shift_right_arithmetic3A_182 : i32 to vector<16xi32>
        %shift_right_arithmetic3A_184 = arith.shrsi %mul3A_181, %shift_right_arithmetic3A_183 : vector<16xi32>
        %eq3A_185 = vector.broadcast %scan3A_41 : i32 to vector<16xi32>
        %eq3A_186 = arith.cmpi eq, %shift_right_arithmetic3A_184, %eq3A_185 : vector<16xi32>
        %and3A = arith.andi %eq3A_186, %lt3A_175 : vector<16xi1>
        %convert_element_type3A_187 = arith.extui %and3A : vector<16xi1> to vector<16xi32>
        %broadcast_in_dim3A_188 = arith.constant true
        %broadcast_in_dim3A_189 = vector.broadcast %broadcast_in_dim3A_188 : i1 to vector<16xi1>
        %masked_cumsum3A = tpu.scan <sum>, %convert_element_type3A_187 masked %broadcast_in_dim3A_189 : vector<16xi32>, vector<16xi1> -> vector<16xi32>
        %sub3A_190 = arith.constant 1 : i32
        %sub3A_191 = vector.broadcast %sub3A_190 : i32 to vector<16xi32>
        %sub3A_192 = arith.subi %masked_cumsum3A, %sub3A_191 : vector<16xi32>
        %add3A_193 = vector.broadcast %while3A_166 : i32 to vector<16xi32>
        %add3A_194 = arith.addi %add3A_193, %sub3A_192 : vector<16xi32>
        %jit3A_195 = arith.constant 16384 : i32
        %broadcast_in_dim3A_196 = vector.broadcast %jit3A_195 : i32 to vector<16xi32>
        %select_n3A_197 = arith.select %and3A, %add3A_194, %broadcast_in_dim3A_196 : vector<16xi1>, vector<16xi32>
        tpu.vector_store_idx %arg8[%select_n3A_197], %get3A_170 : memref<16400xi32, #tpu.memory_space<vmem>>[vector<16xi32>], vector<16xi32>,
        %reduce_sum3A = arith.constant true
        %reduce_sum3A_198 = vector.broadcast %reduce_sum3A : i1 to vector<16xi1>
        %reduce_sum3A_199 = tpu.scan <sum>, %convert_element_type3A_187 masked %reduce_sum3A_198 : vector<16xi32>, vector<16xi1> -> vector<16xi32>
        %reduce_sum3A_200 = vector.extract %reduce_sum3A_199[15] : i32 from vector<16xi32>
        %add3A_201 = arith.addi %while3A_166, %reduce_sum3A_200 : i32
        scf.yield %add3A_201 : i32
      }
      %add3A_54 = arith.constant 31 : i32
      %add3A_55 = arith.addi %while3A_53, %add3A_54 : i32
      %shift_right_arithmetic3A_56 = arith.constant 5 : i32
      %shift_right_arithmetic3A_57 = arith.shrsi %add3A_55, %shift_right_arithmetic3A_56 : i32
      %while3A_58 = arith.constant 0 : i32
      %while3A_59 = arith.constant 0 : i32
      %while3A_60 = arith.subi %shift_right_arithmetic3A_57, %while3A_59 : i32
      %while3A_61 = arith.addi %while3A_59, %while3A_60 : i32
      %while3A_62 = arith.constant 1 : i32
      %while3A_63 = arith.divsi %while3A_60, %while3A_62 : i32
      %while3A_64 = arith.muli %while3A_63, %while3A_62 : i32
      %while3A_65 = arith.addi %while3A_59, %while3A_64 : i32
      %while3A_66 = arith.constant 1 : i32
      scf.for %while3A_165 = %while3A_59 to %while3A_65 step %while3A_66  : i32 {
        %mul3A_166 = arith.constant 32 : i32
        %mul3A_167 = arith.muli %while3A_165, %mul3A_166 : i32
        %add3A_168 = arith.constant 0 : i32
        %add3A_169 = arith.addi %mul3A_167, %add3A_168 : i32
        %get3A_170 = arith.index_cast %add3A_169 : i32 to index
        %get3A_171 = tpu.vector_load %arg8[%get3A_170] {strides = array<i32>} : memref<16400xi32, #tpu.memory_space<vmem>>, vector<16xi32>,
        %add3A_172 = arith.constant 0 : i32
        %add3A_173 = arith.addi %mul3A_167, %add3A_172 : i32
        %add3A_174 = vector.broadcast %add3A_173 : i32 to vector<16xi32>
        %add3A_175 = arith.addi %add3A_174, %iota3A : vector<16xi32>
        %lt3A = vector.broadcast %while3A_53 : i32 to vector<16xi32>
        %lt3A_176 = arith.cmpi slt, %add3A_175, %lt3A : vector<16xi32>
        %shift_right_arithmetic3A_177 = arith.constant 14 : i32
        %shift_right_arithmetic3A_178 = vector.broadcast %shift_right_arithmetic3A_177 : i32 to vector<16xi32>
        %shift_right_arithmetic3A_179 = arith.shrsi %get3A_171, %shift_right_arithmetic3A_178 : vector<16xi32>
        %mul3A_180 = arith.constant 192 : i32
        %mul3A_181 = arith.muli %scan3A_41, %mul3A_180 : i32
        %sub3A_182 = vector.broadcast %mul3A_181 : i32 to vector<16xi32>
        %sub3A_183 = arith.subi %shift_right_arithmetic3A_179, %sub3A_182 : vector<16xi32>
        %and3A = arith.constant 16383 : i32
        %and3A_184 = vector.broadcast %and3A : i32 to vector<16xi32>
        %and3A_185 = arith.andi %get3A_171, %and3A_184 : vector<16xi32>
        %swap3A_186 = arith.constant 0 : index
        %swap3A_187 = tpu.vector_load %arg13[%swap3A_186] {strides = array<i32>} : memref<32xi32, #tpu.memory_space<vmem>>, vector<16xi32>,
        tpu.vector_store %arg13[%swap3A_186], %and3A_185 {strides = array<i32>} : memref<32xi32, #tpu.memory_space<vmem>>, vector<16xi32>,
        %jit3A_188 = arith.constant 192 : i32
        %broadcast_in_dim3A_189 = vector.broadcast %jit3A_188 : i32 to vector<16xi32>
        %select_n3A_190 = arith.select %lt3A_176, %sub3A_183, %broadcast_in_dim3A_189 : vector<16xi1>, vector<16xi32>
        %swap3A_191 = arith.constant 0 : index
        %swap3A_192 = tpu.vector_load %arg14[%swap3A_191] {strides = array<i32>} : memref<48xi32, #tpu.memory_space<vmem>>, vector<16xi32>,
        tpu.vector_store %arg14[%swap3A_191], %select_n3A_190 {strides = array<i32>} : memref<48xi32, #tpu.memory_space<vmem>>, vector<16xi32>,
        %add3A_193 = arith.constant 16 : i32
        %add3A_194 = arith.addi %mul3A_167, %add3A_193 : i32
        %get3A_195 = arith.index_cast %add3A_194 : i32 to index
        %get3A_196 = tpu.vector_load %arg8[%get3A_195] {strides = array<i32>} : memref<16400xi32, #tpu.memory_space<vmem>>, vector<16xi32>,
        %add3A_197 = arith.constant 16 : i32
        %add3A_198 = arith.addi %mul3A_167, %add3A_197 : i32
        %add3A_199 = vector.broadcast %add3A_198 : i32 to vector<16xi32>
        %add3A_200 = arith.addi %add3A_199, %iota3A : vector<16xi32>
        %lt3A_201 = vector.broadcast %while3A_53 : i32 to vector<16xi32>
        %lt3A_202 = arith.cmpi slt, %add3A_200, %lt3A_201 : vector<16xi32>
        %shift_right_arithmetic3A_203 = arith.constant 14 : i32
        %shift_right_arithmetic3A_204 = vector.broadcast %shift_right_arithmetic3A_203 : i32 to vector<16xi32>
        %shift_right_arithmetic3A_205 = arith.shrsi %get3A_196, %shift_right_arithmetic3A_204 : vector<16xi32>
        %mul3A_206 = arith.constant 192 : i32
        %mul3A_207 = arith.muli %scan3A_41, %mul3A_206 : i32
        %sub3A_208 = vector.broadcast %mul3A_207 : i32 to vector<16xi32>
        %sub3A_209 = arith.subi %shift_right_arithmetic3A_205, %sub3A_208 : vector<16xi32>
        %and3A_210 = arith.constant 16383 : i32
        %and3A_211 = vector.broadcast %and3A_210 : i32 to vector<16xi32>
        %and3A_212 = arith.andi %get3A_196, %and3A_211 : vector<16xi32>
        %swap3A_213 = arith.constant 16 : index
        %swap3A_214 = tpu.vector_load %arg13[%swap3A_213] {strides = array<i32>} : memref<32xi32, #tpu.memory_space<vmem>>, vector<16xi32>,
        tpu.vector_store %arg13[%swap3A_213], %and3A_212 {strides = array<i32>} : memref<32xi32, #tpu.memory_space<vmem>>, vector<16xi32>,
        %jit3A_215 = arith.constant 192 : i32
        %broadcast_in_dim3A_216 = vector.broadcast %jit3A_215 : i32 to vector<16xi32>
        %select_n3A_217 = arith.select %lt3A_202, %sub3A_209, %broadcast_in_dim3A_216 : vector<16xi1>, vector<16xi32>
        %swap3A_218 = arith.constant 16 : index
        %swap3A_219 = tpu.vector_load %arg14[%swap3A_218] {strides = array<i32>} : memref<48xi32, #tpu.memory_space<vmem>>, vector<16xi32>,
        tpu.vector_store %arg14[%swap3A_218], %select_n3A_217 {strides = array<i32>} : memref<48xi32, #tpu.memory_space<vmem>>, vector<16xi32>,
        %dma_start3A = arith.constant 0 : i32
        %dma_start3A_220 = arith.constant 0 : i32
        %dma_start3A_221 = tpu.memref_slice %arg2[%dma_start3A, %dma_start3A_220] : memref<16384x256xf32, #tpu.memory_space<hbm>> -> memref<16384x256xf32, #tpu.memory_space<hbm>>
        tpu.enqueue_indirect_dma source(%dma_start3A_221 : memref<16384x256xf32, #tpu.memory_space<hbm>>) target(%arg11 : memref<32x256xf32, #tpu.memory_space<vmem>>) offsets(%arg13 : memref<32xi32, #tpu.memory_space<vmem>>) semaphore(%arg19 : memref<!tpu.dma_semaphore, #tpu.memory_space<semaphore_mem>>)
        %dma_wait3A = arith.constant 0 : i32
        %dma_wait3A_222 = arith.constant 0 : i32
        %dma_wait3A_223 = tpu.memref_slice %arg2[%dma_wait3A, %dma_wait3A_222] : memref<16384x256xf32, #tpu.memory_space<hbm>> -> memref<16384x256xf32, #tpu.memory_space<hbm>>
        tpu.wait_indirect_dma semaphore(%arg19 : memref<!tpu.dma_semaphore, #tpu.memory_space<semaphore_mem>>) src(%dma_wait3A_223 : memref<16384x256xf32, #tpu.memory_space<hbm>>) dst(%arg11 : memref<32x256xf32, #tpu.memory_space<vmem>>)
        %scan3A_224 = arith.constant 0 : i32
        %scan3A_225 = arith.constant 0 : i32
        %scan3A_226 = arith.constant 32 : i32
        %scan3A_227 = arith.addi %scan3A_225, %scan3A_226 : i32
        %scan3A_228 = arith.constant 1 : i32
        scf.for %scan3A_230 = %scan3A_225 to %scan3A_227 step %scan3A_228  : i32 {
          %get3A_231 = arith.index_cast %scan3A_230 : i32 to index
          %get3A_232 = tpu.vector_load %arg14[%get3A_231] {strides = array<i32>} : memref<48xi32, #tpu.memory_space<vmem>>, vector<16xi32>,
          %slice3A_233 = vector.extract_strided_slice %get3A_232 {offsets = [0], sizes = [1], strides = [1]} : vector<16xi32> to vector<1xi32>
          %squeeze3A_234 = vector.extract %slice3A_233[0] : i32 from vector<1xi32>
          %get3A_235 = arith.index_cast %squeeze3A_234 : i32 to index
          %get3A_236 = arith.constant 0 : index
          %get3A_237 = tpu.vector_load %arg9[%get3A_235, %get3A_236] {strides = array<i32>} : memref<193x256xf32, #tpu.memory_space<vmem>>, vector<16xf32>,
          %get3A_238 = arith.index_cast %scan3A_230 : i32 to index
          %get3A_239 = arith.constant 0 : index
          %get3A_240 = tpu.vector_load %arg11[%get3A_238, %get3A_239] {strides = array<i32>} : memref<32x256xf32, #tpu.memory_space<vmem>>, vector<16xf32>,
          %add3A_241 = arith.addf %get3A_237, %get3A_240 : vector<16xf32>
          %swap3A_242 = arith.index_cast %squeeze3A_234 : i32 to index
          %swap3A_243 = arith.constant 0 : index
          %swap3A_244 = tpu.vector_load %arg9[%swap3A_242, %swap3A_243] {strides = array<i32>} : memref<193x256xf32, #tpu.memory_space<vmem>>, vector<16xf32>,
          tpu.vector_store %arg9[%swap3A_242, %swap3A_243], %add3A_241 {strides = array<i32>} : memref<193x256xf32, #tpu.memory_space<vmem>>, vector<16xf32>,
          %get3A_245 = arith.index_cast %squeeze3A_234 : i32 to index
          %get3A_246 = arith.constant 16 : index
          %get3A_247 = tpu.vector_load %arg9[%get3A_245, %get3A_246] {strides = array<i32>} : memref<193x256xf32, #tpu.memory_space<vmem>>, vector<16xf32>,
          %get3A_248 = arith.index_cast %scan3A_230 : i32 to index
          %get3A_249 = arith.constant 16 : index
          %get3A_250 = tpu.vector_load %arg11[%get3A_248, %get3A_249] {strides = array<i32>} : memref<32x256xf32, #tpu.memory_space<vmem>>, vector<16xf32>,
          %add3A_251 = arith.addf %get3A_247, %get3A_250 : vector<16xf32>
          %swap3A_252 = arith.index_cast %squeeze3A_234 : i32 to index
          %swap3A_253 = arith.constant 16 : index
          %swap3A_254 = tpu.vector_load %arg9[%swap3A_252, %swap3A_253] {strides = array<i32>} : memref<193x256xf32, #tpu.memory_space<vmem>>, vector<16xf32>,
          tpu.vector_store %arg9[%swap3A_252, %swap3A_253], %add3A_251 {strides = array<i32>} : memref<193x256xf32, #tpu.memory_space<vmem>>, vector<16xf32>,
          %get3A_255 = arith.index_cast %squeeze3A_234 : i32 to index
          %get3A_256 = arith.constant 32 : index
          %get3A_257 = tpu.vector_load %arg9[%get3A_255, %get3A_256] {strides = array<i32>} : memref<193x256xf32, #tpu.memory_space<vmem>>, vector<16xf32>,
          %get3A_258 = arith.index_cast %scan3A_230 : i32 to index
          %get3A_259 = arith.constant 32 : index
          %get3A_260 = tpu.vector_load %arg11[%get3A_258, %get3A_259] {strides = array<i32>} : memref<32x256xf32, #tpu.memory_space<vmem>>, vector<16xf32>,
          %add3A_261 = arith.addf %get3A_257, %get3A_260 : vector<16xf32>
          %swap3A_262 = arith.index_cast %squeeze3A_234 : i32 to index
          %swap3A_263 = arith.constant 32 : index
          %swap3A_264 = tpu.vector_load %arg9[%swap3A_262, %swap3A_263] {strides = array<i32>} : memref<193x256xf32, #tpu.memory_space<vmem>>, vector<16xf32>,
          tpu.vector_store %arg9[%swap3A_262, %swap3A_263], %add3A_261 {strides = array<i32>} : memref<193x256xf32, #tpu.memory_space<vmem>>, vector<16xf32>,
          %get3A_265 = arith.index_cast %squeeze3A_234 : i32 to index
          %get3A_266 = arith.constant 48 : index
          %get3A_267 = tpu.vector_load %arg9[%get3A_265, %get3A_266] {strides = array<i32>} : memref<193x256xf32, #tpu.memory_space<vmem>>, vector<16xf32>,
          %get3A_268 = arith.index_cast %scan3A_230 : i32 to index
          %get3A_269 = arith.constant 48 : index
          %get3A_270 = tpu.vector_load %arg11[%get3A_268, %get3A_269] {strides = array<i32>} : memref<32x256xf32, #tpu.memory_space<vmem>>, vector<16xf32>,
          %add3A_271 = arith.addf %get3A_267, %get3A_270 : vector<16xf32>
          %swap3A_272 = arith.index_cast %squeeze3A_234 : i32 to index
          %swap3A_273 = arith.constant 48 : index
          %swap3A_274 = tpu.vector_load %arg9[%swap3A_272, %swap3A_273] {strides = array<i32>} : memref<193x256xf32, #tpu.memory_space<vmem>>, vector<16xf32>,
          tpu.vector_store %arg9[%swap3A_272, %swap3A_273], %add3A_271 {strides = array<i32>} : memref<193x256xf32, #tpu.memory_space<vmem>>, vector<16xf32>,
          %get3A_275 = arith.index_cast %squeeze3A_234 : i32 to index
          %get3A_276 = arith.constant 64 : index
          %get3A_277 = tpu.vector_load %arg9[%get3A_275, %get3A_276] {strides = array<i32>} : memref<193x256xf32, #tpu.memory_space<vmem>>, vector<16xf32>,
          %get3A_278 = arith.index_cast %scan3A_230 : i32 to index
          %get3A_279 = arith.constant 64 : index
          %get3A_280 = tpu.vector_load %arg11[%get3A_278, %get3A_279] {strides = array<i32>} : memref<32x256xf32, #tpu.memory_space<vmem>>, vector<16xf32>,
          %add3A_281 = arith.addf %get3A_277, %get3A_280 : vector<16xf32>
          %swap3A_282 = arith.index_cast %squeeze3A_234 : i32 to index
          %swap3A_283 = arith.constant 64 : index
          %swap3A_284 = tpu.vector_load %arg9[%swap3A_282, %swap3A_283] {strides = array<i32>} : memref<193x256xf32, #tpu.memory_space<vmem>>, vector<16xf32>,
          tpu.vector_store %arg9[%swap3A_282, %swap3A_283], %add3A_281 {strides = array<i32>} : memref<193x256xf32, #tpu.memory_space<vmem>>, vector<16xf32>,
          %get3A_285 = arith.index_cast %squeeze3A_234 : i32 to index
          %get3A_286 = arith.constant 80 : index
          %get3A_287 = tpu.vector_load %arg9[%get3A_285, %get3A_286] {strides = array<i32>} : memref<193x256xf32, #tpu.memory_space<vmem>>, vector<16xf32>,
          %get3A_288 = arith.index_cast %scan3A_230 : i32 to index
          %get3A_289 = arith.constant 80 : index
          %get3A_290 = tpu.vector_load %arg11[%get3A_288, %get3A_289] {strides = array<i32>} : memref<32x256xf32, #tpu.memory_space<vmem>>, vector<16xf32>,
          %add3A_291 = arith.addf %get3A_287, %get3A_290 : vector<16xf32>
          %swap3A_292 = arith.index_cast %squeeze3A_234 : i32 to index
          %swap3A_293 = arith.constant 80 : index
          %swap3A_294 = tpu.vector_load %arg9[%swap3A_292, %swap3A_293] {strides = array<i32>} : memref<193x256xf32, #tpu.memory_space<vmem>>, vector<16xf32>,
          tpu.vector_store %arg9[%swap3A_292, %swap3A_293], %add3A_291 {strides = array<i32>} : memref<193x256xf32, #tpu.memory_space<vmem>>, vector<16xf32>,
          %get3A_295 = arith.index_cast %squeeze3A_234 : i32 to index
          %get3A_296 = arith.constant 96 : index
          %get3A_297 = tpu.vector_load %arg9[%get3A_295, %get3A_296] {strides = array<i32>} : memref<193x256xf32, #tpu.memory_space<vmem>>, vector<16xf32>,
          %get3A_298 = arith.index_cast %scan3A_230 : i32 to index
          %get3A_299 = arith.constant 96 : index
          %get3A_300 = tpu.vector_load %arg11[%get3A_298, %get3A_299] {strides = array<i32>} : memref<32x256xf32, #tpu.memory_space<vmem>>, vector<16xf32>,
          %add3A_301 = arith.addf %get3A_297, %get3A_300 : vector<16xf32>
          %swap3A_302 = arith.index_cast %squeeze3A_234 : i32 to index
          %swap3A_303 = arith.constant 96 : index
          %swap3A_304 = tpu.vector_load %arg9[%swap3A_302, %swap3A_303] {strides = array<i32>} : memref<193x256xf32, #tpu.memory_space<vmem>>, vector<16xf32>,
          tpu.vector_store %arg9[%swap3A_302, %swap3A_303], %add3A_301 {strides = array<i32>} : memref<193x256xf32, #tpu.memory_space<vmem>>, vector<16xf32>,
          %get3A_305 = arith.index_cast %squeeze3A_234 : i32 to index
          %get3A_306 = arith.constant 112 : index
          %get3A_307 = tpu.vector_load %arg9[%get3A_305, %get3A_306] {strides = array<i32>} : memref<193x256xf32, #tpu.memory_space<vmem>>, vector<16xf32>,
          %get3A_308 = arith.index_cast %scan3A_230 : i32 to index
          %get3A_309 = arith.constant 112 : index
          %get3A_310 = tpu.vector_load %arg11[%get3A_308, %get3A_309] {strides = array<i32>} : memref<32x256xf32, #tpu.memory_space<vmem>>, vector<16xf32>,
          %add3A_311 = arith.addf %get3A_307, %get3A_310 : vector<16xf32>
          %swap3A_312 = arith.index_cast %squeeze3A_234 : i32 to index
          %swap3A_313 = arith.constant 112 : index
          %swap3A_314 = tpu.vector_load %arg9[%swap3A_312, %swap3A_313] {strides = array<i32>} : memref<193x256xf32, #tpu.memory_space<vmem>>, vector<16xf32>,
          tpu.vector_store %arg9[%swap3A_312, %swap3A_313], %add3A_311 {strides = array<i32>} : memref<193x256xf32, #tpu.memory_space<vmem>>, vector<16xf32>,
          %get3A_315 = arith.index_cast %squeeze3A_234 : i32 to index
          %get3A_316 = arith.constant 128 : index
          %get3A_317 = tpu.vector_load %arg9[%get3A_315, %get3A_316] {strides = array<i32>} : memref<193x256xf32, #tpu.memory_space<vmem>>, vector<16xf32>,
          %get3A_318 = arith.index_cast %scan3A_230 : i32 to index
          %get3A_319 = arith.constant 128 : index
          %get3A_320 = tpu.vector_load %arg11[%get3A_318, %get3A_319] {strides = array<i32>} : memref<32x256xf32, #tpu.memory_space<vmem>>, vector<16xf32>,
          %add3A_321 = arith.addf %get3A_317, %get3A_320 : vector<16xf32>
          %swap3A_322 = arith.index_cast %squeeze3A_234 : i32 to index
          %swap3A_323 = arith.constant 128 : index
          %swap3A_324 = tpu.vector_load %arg9[%swap3A_322, %swap3A_323] {strides = array<i32>} : memref<193x256xf32, #tpu.memory_space<vmem>>, vector<16xf32>,
          tpu.vector_store %arg9[%swap3A_322, %swap3A_323], %add3A_321 {strides = array<i32>} : memref<193x256xf32, #tpu.memory_space<vmem>>, vector<16xf32>,
          %get3A_325 = arith.index_cast %squeeze3A_234 : i32 to index
          %get3A_326 = arith.constant 144 : index
          %get3A_327 = tpu.vector_load %arg9[%get3A_325, %get3A_326] {strides = array<i32>} : memref<193x256xf32, #tpu.memory_space<vmem>>, vector<16xf32>,
          %get3A_328 = arith.index_cast %scan3A_230 : i32 to index
          %get3A_329 = arith.constant 144 : index
          %get3A_330 = tpu.vector_load %arg11[%get3A_328, %get3A_329] {strides = array<i32>} : memref<32x256xf32, #tpu.memory_space<vmem>>, vector<16xf32>,
          %add3A_331 = arith.addf %get3A_327, %get3A_330 : vector<16xf32>
          %swap3A_332 = arith.index_cast %squeeze3A_234 : i32 to index
          %swap3A_333 = arith.constant 144 : index
          %swap3A_334 = tpu.vector_load %arg9[%swap3A_332, %swap3A_333] {strides = array<i32>} : memref<193x256xf32, #tpu.memory_space<vmem>>, vector<16xf32>,
          tpu.vector_store %arg9[%swap3A_332, %swap3A_333], %add3A_331 {strides = array<i32>} : memref<193x256xf32, #tpu.memory_space<vmem>>, vector<16xf32>,
          %get3A_335 = arith.index_cast %squeeze3A_234 : i32 to index
          %get3A_336 = arith.constant 160 : index
          %get3A_337 = tpu.vector_load %arg9[%get3A_335, %get3A_336] {strides = array<i32>} : memref<193x256xf32, #tpu.memory_space<vmem>>, vector<16xf32>,
          %get3A_338 = arith.index_cast %scan3A_230 : i32 to index
          %get3A_339 = arith.constant 160 : index
          %get3A_340 = tpu.vector_load %arg11[%get3A_338, %get3A_339] {strides = array<i32>} : memref<32x256xf32, #tpu.memory_space<vmem>>, vector<16xf32>,
          %add3A_341 = arith.addf %get3A_337, %get3A_340 : vector<16xf32>
          %swap3A_342 = arith.index_cast %squeeze3A_234 : i32 to index
          %swap3A_343 = arith.constant 160 : index
          %swap3A_344 = tpu.vector_load %arg9[%swap3A_342, %swap3A_343] {strides = array<i32>} : memref<193x256xf32, #tpu.memory_space<vmem>>, vector<16xf32>,
          tpu.vector_store %arg9[%swap3A_342, %swap3A_343], %add3A_341 {strides = array<i32>} : memref<193x256xf32, #tpu.memory_space<vmem>>, vector<16xf32>,
          %get3A_345 = arith.index_cast %squeeze3A_234 : i32 to index
          %get3A_346 = arith.constant 176 : index
          %get3A_347 = tpu.vector_load %arg9[%get3A_345, %get3A_346] {strides = array<i32>} : memref<193x256xf32, #tpu.memory_space<vmem>>, vector<16xf32>,
          %get3A_348 = arith.index_cast %scan3A_230 : i32 to index
          %get3A_349 = arith.constant 176 : index
          %get3A_350 = tpu.vector_load %arg11[%get3A_348, %get3A_349] {strides = array<i32>} : memref<32x256xf32, #tpu.memory_space<vmem>>, vector<16xf32>,
          %add3A_351 = arith.addf %get3A_347, %get3A_350 : vector<16xf32>
          %swap3A_352 = arith.index_cast %squeeze3A_234 : i32 to index
          %swap3A_353 = arith.constant 176 : index
          %swap3A_354 = tpu.vector_load %arg9[%swap3A_352, %swap3A_353] {strides = array<i32>} : memref<193x256xf32, #tpu.memory_space<vmem>>, vector<16xf32>,
          tpu.vector_store %arg9[%swap3A_352, %swap3A_353], %add3A_351 {strides = array<i32>} : memref<193x256xf32, #tpu.memory_space<vmem>>, vector<16xf32>,
          %get3A_355 = arith.index_cast %squeeze3A_234 : i32 to index
          %get3A_356 = arith.constant 192 : index
          %get3A_357 = tpu.vector_load %arg9[%get3A_355, %get3A_356] {strides = array<i32>} : memref<193x256xf32, #tpu.memory_space<vmem>>, vector<16xf32>,
          %get3A_358 = arith.index_cast %scan3A_230 : i32 to index
          %get3A_359 = arith.constant 192 : index
          %get3A_360 = tpu.vector_load %arg11[%get3A_358, %get3A_359] {strides = array<i32>} : memref<32x256xf32, #tpu.memory_space<vmem>>, vector<16xf32>,
          %add3A_361 = arith.addf %get3A_357, %get3A_360 : vector<16xf32>
          %swap3A_362 = arith.index_cast %squeeze3A_234 : i32 to index
          %swap3A_363 = arith.constant 192 : index
          %swap3A_364 = tpu.vector_load %arg9[%swap3A_362, %swap3A_363] {strides = array<i32>} : memref<193x256xf32, #tpu.memory_space<vmem>>, vector<16xf32>,
          tpu.vector_store %arg9[%swap3A_362, %swap3A_363], %add3A_361 {strides = array<i32>} : memref<193x256xf32, #tpu.memory_space<vmem>>, vector<16xf32>,
          %get3A_365 = arith.index_cast %squeeze3A_234 : i32 to index
          %get3A_366 = arith.constant 208 : index
          %get3A_367 = tpu.vector_load %arg9[%get3A_365, %get3A_366] {strides = array<i32>} : memref<193x256xf32, #tpu.memory_space<vmem>>, vector<16xf32>,
          %get3A_368 = arith.index_cast %scan3A_230 : i32 to index
          %get3A_369 = arith.constant 208 : index
          %get3A_370 = tpu.vector_load %arg11[%get3A_368, %get3A_369] {strides = array<i32>} : memref<32x256xf32, #tpu.memory_space<vmem>>, vector<16xf32>,
          %add3A_371 = arith.addf %get3A_367, %get3A_370 : vector<16xf32>
          %swap3A_372 = arith.index_cast %squeeze3A_234 : i32 to index
          %swap3A_373 = arith.constant 208 : index
          %swap3A_374 = tpu.vector_load %arg9[%swap3A_372, %swap3A_373] {strides = array<i32>} : memref<193x256xf32, #tpu.memory_space<vmem>>, vector<16xf32>,
          tpu.vector_store %arg9[%swap3A_372, %swap3A_373], %add3A_371 {strides = array<i32>} : memref<193x256xf32, #tpu.memory_space<vmem>>, vector<16xf32>,
          %get3A_375 = arith.index_cast %squeeze3A_234 : i32 to index
          %get3A_376 = arith.constant 224 : index
          %get3A_377 = tpu.vector_load %arg9[%get3A_375, %get3A_376] {strides = array<i32>} : memref<193x256xf32, #tpu.memory_space<vmem>>, vector<16xf32>,
          %get3A_378 = arith.index_cast %scan3A_230 : i32 to index
          %get3A_379 = arith.constant 224 : index
          %get3A_380 = tpu.vector_load %arg11[%get3A_378, %get3A_379] {strides = array<i32>} : memref<32x256xf32, #tpu.memory_space<vmem>>, vector<16xf32>,
          %add3A_381 = arith.addf %get3A_377, %get3A_380 : vector<16xf32>
          %swap3A_382 = arith.index_cast %squeeze3A_234 : i32 to index
          %swap3A_383 = arith.constant 224 : index
          %swap3A_384 = tpu.vector_load %arg9[%swap3A_382, %swap3A_383] {strides = array<i32>} : memref<193x256xf32, #tpu.memory_space<vmem>>, vector<16xf32>,
          tpu.vector_store %arg9[%swap3A_382, %swap3A_383], %add3A_381 {strides = array<i32>} : memref<193x256xf32, #tpu.memory_space<vmem>>, vector<16xf32>,
          %get3A_385 = arith.index_cast %squeeze3A_234 : i32 to index
          %get3A_386 = arith.constant 240 : index
          %get3A_387 = tpu.vector_load %arg9[%get3A_385, %get3A_386] {strides = array<i32>} : memref<193x256xf32, #tpu.memory_space<vmem>>, vector<16xf32>,
          %get3A_388 = arith.index_cast %scan3A_230 : i32 to index
          %get3A_389 = arith.constant 240 : index
          %get3A_390 = tpu.vector_load %arg11[%get3A_388, %get3A_389] {strides = array<i32>} : memref<32x256xf32, #tpu.memory_space<vmem>>, vector<16xf32>,
          %add3A_391 = arith.addf %get3A_387, %get3A_390 : vector<16xf32>
          %swap3A_392 = arith.index_cast %squeeze3A_234 : i32 to index
          %swap3A_393 = arith.constant 240 : index
          %swap3A_394 = tpu.vector_load %arg9[%swap3A_392, %swap3A_393] {strides = array<i32>} : memref<193x256xf32, #tpu.memory_space<vmem>>, vector<16xf32>,
          tpu.vector_store %arg9[%swap3A_392, %swap3A_393], %add3A_391 {strides = array<i32>} : memref<193x256xf32, #tpu.memory_space<vmem>>, vector<16xf32>,
          %mul3A_395 = arith.constant 16 : i32
          %mul3A_396 = arith.muli %squeeze3A_234, %mul3A_395 : i32
          %get3A_397 = arith.index_cast %mul3A_396 : i32 to index
          %get3A_398 = tpu.vector_load %arg10[%get3A_397] {strides = array<i32>} : memref<3088xf32, #tpu.memory_space<vmem>>, vector<16xf32>,
          %add3A_399 = arith.addf %get3A_398, %select_n3A : vector<16xf32>
          %mul3A_400 = arith.constant 16 : i32
          %mul3A_401 = arith.muli %squeeze3A_234, %mul3A_400 : i32
          %swap3A_402 = arith.index_cast %mul3A_401 : i32 to index
          %swap3A_403 = tpu.vector_load %arg10[%swap3A_402] {strides = array<i32>} : memref<3088xf32, #tpu.memory_space<vmem>>, vector<16xf32>,
          tpu.vector_store %arg10[%swap3A_402], %add3A_399 {strides = array<i32>} : memref<3088xf32, #tpu.memory_space<vmem>>, vector<16xf32>,
        }
        %scan3A_229 = arith.constant 32 : i32
      }
      %while3A_67 = arith.constant 1 : i32
      scf.for %while3A_165 = %while3A_65 to %while3A_61 step %while3A_67  : i32 {
        %mul3A_166 = arith.constant 32 : i32
        %mul3A_167 = arith.muli %while3A_165, %mul3A_166 : i32
        %add3A_168 = arith.constant 0 : i32
        %add3A_169 = arith.addi %mul3A_167, %add3A_168 : i32
        %get3A_170 = arith.index_cast %add3A_169 : i32 to index
        %get3A_171 = tpu.vector_load %arg8[%get3A_170] {strides = array<i32>} : memref<16400xi32, #tpu.memory_space<vmem>>, vector<16xi32>,
        %add3A_172 = arith.constant 0 : i32
        %add3A_173 = arith.addi %mul3A_167, %add3A_172 : i32
        %add3A_174 = vector.broadcast %add3A_173 : i32 to vector<16xi32>
        %add3A_175 = arith.addi %add3A_174, %iota3A : vector<16xi32>
        %lt3A = vector.broadcast %while3A_53 : i32 to vector<16xi32>
        %lt3A_176 = arith.cmpi slt, %add3A_175, %lt3A : vector<16xi32>
        %shift_right_arithmetic3A_177 = arith.constant 14 : i32
        %shift_right_arithmetic3A_178 = vector.broadcast %shift_right_arithmetic3A_177 : i32 to vector<16xi32>
        %shift_right_arithmetic3A_179 = arith.shrsi %get3A_171, %shift_right_arithmetic3A_178 : vector<16xi32>
        %mul3A_180 = arith.constant 192 : i32
        %mul3A_181 = arith.muli %scan3A_41, %mul3A_180 : i32
        %sub3A_182 = vector.broadcast %mul3A_181 : i32 to vector<16xi32>
        %sub3A_183 = arith.subi %shift_right_arithmetic3A_179, %sub3A_182 : vector<16xi32>
        %and3A = arith.constant 16383 : i32
        %and3A_184 = vector.broadcast %and3A : i32 to vector<16xi32>
        %and3A_185 = arith.andi %get3A_171, %and3A_184 : vector<16xi32>
        %swap3A_186 = arith.constant 0 : index
        %swap3A_187 = tpu.vector_load %arg13[%swap3A_186] {strides = array<i32>} : memref<32xi32, #tpu.memory_space<vmem>>, vector<16xi32>,
        tpu.vector_store %arg13[%swap3A_186], %and3A_185 {strides = array<i32>} : memref<32xi32, #tpu.memory_space<vmem>>, vector<16xi32>,
        %jit3A_188 = arith.constant 192 : i32
        %broadcast_in_dim3A_189 = vector.broadcast %jit3A_188 : i32 to vector<16xi32>
        %select_n3A_190 = arith.select %lt3A_176, %sub3A_183, %broadcast_in_dim3A_189 : vector<16xi1>, vector<16xi32>
        %swap3A_191 = arith.constant 0 : index
        %swap3A_192 = tpu.vector_load %arg14[%swap3A_191] {strides = array<i32>} : memref<48xi32, #tpu.memory_space<vmem>>, vector<16xi32>,
        tpu.vector_store %arg14[%swap3A_191], %select_n3A_190 {strides = array<i32>} : memref<48xi32, #tpu.memory_space<vmem>>, vector<16xi32>,
        %add3A_193 = arith.constant 16 : i32
        %add3A_194 = arith.addi %mul3A_167, %add3A_193 : i32
        %get3A_195 = arith.index_cast %add3A_194 : i32 to index
        %get3A_196 = tpu.vector_load %arg8[%get3A_195] {strides = array<i32>} : memref<16400xi32, #tpu.memory_space<vmem>>, vector<16xi32>,
        %add3A_197 = arith.constant 16 : i32
        %add3A_198 = arith.addi %mul3A_167, %add3A_197 : i32
        %add3A_199 = vector.broadcast %add3A_198 : i32 to vector<16xi32>
        %add3A_200 = arith.addi %add3A_199, %iota3A : vector<16xi32>
        %lt3A_201 = vector.broadcast %while3A_53 : i32 to vector<16xi32>
        %lt3A_202 = arith.cmpi slt, %add3A_200, %lt3A_201 : vector<16xi32>
        %shift_right_arithmetic3A_203 = arith.constant 14 : i32
        %shift_right_arithmetic3A_204 = vector.broadcast %shift_right_arithmetic3A_203 : i32 to vector<16xi32>
        %shift_right_arithmetic3A_205 = arith.shrsi %get3A_196, %shift_right_arithmetic3A_204 : vector<16xi32>
        %mul3A_206 = arith.constant 192 : i32
        %mul3A_207 = arith.muli %scan3A_41, %mul3A_206 : i32
        %sub3A_208 = vector.broadcast %mul3A_207 : i32 to vector<16xi32>
        %sub3A_209 = arith.subi %shift_right_arithmetic3A_205, %sub3A_208 : vector<16xi32>
        %and3A_210 = arith.constant 16383 : i32
        %and3A_211 = vector.broadcast %and3A_210 : i32 to vector<16xi32>
        %and3A_212 = arith.andi %get3A_196, %and3A_211 : vector<16xi32>
        %swap3A_213 = arith.constant 16 : index
        %swap3A_214 = tpu.vector_load %arg13[%swap3A_213] {strides = array<i32>} : memref<32xi32, #tpu.memory_space<vmem>>, vector<16xi32>,
        tpu.vector_store %arg13[%swap3A_213], %and3A_212 {strides = array<i32>} : memref<32xi32, #tpu.memory_space<vmem>>, vector<16xi32>,
        %jit3A_215 = arith.constant 192 : i32
        %broadcast_in_dim3A_216 = vector.broadcast %jit3A_215 : i32 to vector<16xi32>
        %select_n3A_217 = arith.select %lt3A_202, %sub3A_209, %broadcast_in_dim3A_216 : vector<16xi1>, vector<16xi32>
        %swap3A_218 = arith.constant 16 : index
        %swap3A_219 = tpu.vector_load %arg14[%swap3A_218] {strides = array<i32>} : memref<48xi32, #tpu.memory_space<vmem>>, vector<16xi32>,
        tpu.vector_store %arg14[%swap3A_218], %select_n3A_217 {strides = array<i32>} : memref<48xi32, #tpu.memory_space<vmem>>, vector<16xi32>,
        %dma_start3A = arith.constant 0 : i32
        %dma_start3A_220 = arith.constant 0 : i32
        %dma_start3A_221 = tpu.memref_slice %arg2[%dma_start3A, %dma_start3A_220] : memref<16384x256xf32, #tpu.memory_space<hbm>> -> memref<16384x256xf32, #tpu.memory_space<hbm>>
        tpu.enqueue_indirect_dma source(%dma_start3A_221 : memref<16384x256xf32, #tpu.memory_space<hbm>>) target(%arg11 : memref<32x256xf32, #tpu.memory_space<vmem>>) offsets(%arg13 : memref<32xi32, #tpu.memory_space<vmem>>) semaphore(%arg19 : memref<!tpu.dma_semaphore, #tpu.memory_space<semaphore_mem>>)
        %dma_wait3A = arith.constant 0 : i32
        %dma_wait3A_222 = arith.constant 0 : i32
        %dma_wait3A_223 = tpu.memref_slice %arg2[%dma_wait3A, %dma_wait3A_222] : memref<16384x256xf32, #tpu.memory_space<hbm>> -> memref<16384x256xf32, #tpu.memory_space<hbm>>
        tpu.wait_indirect_dma semaphore(%arg19 : memref<!tpu.dma_semaphore, #tpu.memory_space<semaphore_mem>>) src(%dma_wait3A_223 : memref<16384x256xf32, #tpu.memory_space<hbm>>) dst(%arg11 : memref<32x256xf32, #tpu.memory_space<vmem>>)
        %scan3A_224 = arith.constant 0 : i32
        %scan3A_225 = arith.constant 0 : i32
        %scan3A_226 = arith.constant 32 : i32
        %scan3A_227 = arith.addi %scan3A_225, %scan3A_226 : i32
        %scan3A_228 = arith.constant 1 : i32
        scf.for %scan3A_230 = %scan3A_225 to %scan3A_227 step %scan3A_228  : i32 {
          %get3A_231 = arith.index_cast %scan3A_230 : i32 to index
          %get3A_232 = tpu.vector_load %arg14[%get3A_231] {strides = array<i32>} : memref<48xi32, #tpu.memory_space<vmem>>, vector<16xi32>,
          %slice3A_233 = vector.extract_strided_slice %get3A_232 {offsets = [0], sizes = [1], strides = [1]} : vector<16xi32> to vector<1xi32>
          %squeeze3A_234 = vector.extract %slice3A_233[0] : i32 from vector<1xi32>
          %get3A_235 = arith.index_cast %squeeze3A_234 : i32 to index
          %get3A_236 = arith.constant 0 : index
          %get3A_237 = tpu.vector_load %arg9[%get3A_235, %get3A_236] {strides = array<i32>} : memref<193x256xf32, #tpu.memory_space<vmem>>, vector<16xf32>,
          %get3A_238 = arith.index_cast %scan3A_230 : i32 to index
          %get3A_239 = arith.constant 0 : index
          %get3A_240 = tpu.vector_load %arg11[%get3A_238, %get3A_239] {strides = array<i32>} : memref<32x256xf32, #tpu.memory_space<vmem>>, vector<16xf32>,
          %add3A_241 = arith.addf %get3A_237, %get3A_240 : vector<16xf32>
          %swap3A_242 = arith.index_cast %squeeze3A_234 : i32 to index
          %swap3A_243 = arith.constant 0 : index
          %swap3A_244 = tpu.vector_load %arg9[%swap3A_242, %swap3A_243] {strides = array<i32>} : memref<193x256xf32, #tpu.memory_space<vmem>>, vector<16xf32>,
          tpu.vector_store %arg9[%swap3A_242, %swap3A_243], %add3A_241 {strides = array<i32>} : memref<193x256xf32, #tpu.memory_space<vmem>>, vector<16xf32>,
          %get3A_245 = arith.index_cast %squeeze3A_234 : i32 to index
          %get3A_246 = arith.constant 16 : index
          %get3A_247 = tpu.vector_load %arg9[%get3A_245, %get3A_246] {strides = array<i32>} : memref<193x256xf32, #tpu.memory_space<vmem>>, vector<16xf32>,
          %get3A_248 = arith.index_cast %scan3A_230 : i32 to index
          %get3A_249 = arith.constant 16 : index
          %get3A_250 = tpu.vector_load %arg11[%get3A_248, %get3A_249] {strides = array<i32>} : memref<32x256xf32, #tpu.memory_space<vmem>>, vector<16xf32>,
          %add3A_251 = arith.addf %get3A_247, %get3A_250 : vector<16xf32>
          %swap3A_252 = arith.index_cast %squeeze3A_234 : i32 to index
          %swap3A_253 = arith.constant 16 : index
          %swap3A_254 = tpu.vector_load %arg9[%swap3A_252, %swap3A_253] {strides = array<i32>} : memref<193x256xf32, #tpu.memory_space<vmem>>, vector<16xf32>,
          tpu.vector_store %arg9[%swap3A_252, %swap3A_253], %add3A_251 {strides = array<i32>} : memref<193x256xf32, #tpu.memory_space<vmem>>, vector<16xf32>,
          %get3A_255 = arith.index_cast %squeeze3A_234 : i32 to index
          %get3A_256 = arith.constant 32 : index
          %get3A_257 = tpu.vector_load %arg9[%get3A_255, %get3A_256] {strides = array<i32>} : memref<193x256xf32, #tpu.memory_space<vmem>>, vector<16xf32>,
          %get3A_258 = arith.index_cast %scan3A_230 : i32 to index
          %get3A_259 = arith.constant 32 : index
          %get3A_260 = tpu.vector_load %arg11[%get3A_258, %get3A_259] {strides = array<i32>} : memref<32x256xf32, #tpu.memory_space<vmem>>, vector<16xf32>,
          %add3A_261 = arith.addf %get3A_257, %get3A_260 : vector<16xf32>
          %swap3A_262 = arith.index_cast %squeeze3A_234 : i32 to index
          %swap3A_263 = arith.constant 32 : index
          %swap3A_264 = tpu.vector_load %arg9[%swap3A_262, %swap3A_263] {strides = array<i32>} : memref<193x256xf32, #tpu.memory_space<vmem>>, vector<16xf32>,
          tpu.vector_store %arg9[%swap3A_262, %swap3A_263], %add3A_261 {strides = array<i32>} : memref<193x256xf32, #tpu.memory_space<vmem>>, vector<16xf32>,
          %get3A_265 = arith.index_cast %squeeze3A_234 : i32 to index
          %get3A_266 = arith.constant 48 : index
          %get3A_267 = tpu.vector_load %arg9[%get3A_265, %get3A_266] {strides = array<i32>} : memref<193x256xf32, #tpu.memory_space<vmem>>, vector<16xf32>,
          %get3A_268 = arith.index_cast %scan3A_230 : i32 to index
          %get3A_269 = arith.constant 48 : index
          %get3A_270 = tpu.vector_load %arg11[%get3A_268, %get3A_269] {strides = array<i32>} : memref<32x256xf32, #tpu.memory_space<vmem>>, vector<16xf32>,
          %add3A_271 = arith.addf %get3A_267, %get3A_270 : vector<16xf32>
          %swap3A_272 = arith.index_cast %squeeze3A_234 : i32 to index
          %swap3A_273 = arith.constant 48 : index
          %swap3A_274 = tpu.vector_load %arg9[%swap3A_272, %swap3A_273] {strides = array<i32>} : memref<193x256xf32, #tpu.memory_space<vmem>>, vector<16xf32>,
          tpu.vector_store %arg9[%swap3A_272, %swap3A_273], %add3A_271 {strides = array<i32>} : memref<193x256xf32, #tpu.memory_space<vmem>>, vector<16xf32>,
          %get3A_275 = arith.index_cast %squeeze3A_234 : i32 to index
          %get3A_276 = arith.constant 64 : index
          %get3A_277 = tpu.vector_load %arg9[%get3A_275, %get3A_276] {strides = array<i32>} : memref<193x256xf32, #tpu.memory_space<vmem>>, vector<16xf32>,
          %get3A_278 = arith.index_cast %scan3A_230 : i32 to index
          %get3A_279 = arith.constant 64 : index
          %get3A_280 = tpu.vector_load %arg11[%get3A_278, %get3A_279] {strides = array<i32>} : memref<32x256xf32, #tpu.memory_space<vmem>>, vector<16xf32>,
          %add3A_281 = arith.addf %get3A_277, %get3A_280 : vector<16xf32>
          %swap3A_282 = arith.index_cast %squeeze3A_234 : i32 to index
          %swap3A_283 = arith.constant 64 : index
          %swap3A_284 = tpu.vector_load %arg9[%swap3A_282, %swap3A_283] {strides = array<i32>} : memref<193x256xf32, #tpu.memory_space<vmem>>, vector<16xf32>,
          tpu.vector_store %arg9[%swap3A_282, %swap3A_283], %add3A_281 {strides = array<i32>} : memref<193x256xf32, #tpu.memory_space<vmem>>, vector<16xf32>,
          %get3A_285 = arith.index_cast %squeeze3A_234 : i32 to index
          %get3A_286 = arith.constant 80 : index
          %get3A_287 = tpu.vector_load %arg9[%get3A_285, %get3A_286] {strides = array<i32>} : memref<193x256xf32, #tpu.memory_space<vmem>>, vector<16xf32>,
          %get3A_288 = arith.index_cast %scan3A_230 : i32 to index
          %get3A_289 = arith.constant 80 : index
          %get3A_290 = tpu.vector_load %arg11[%get3A_288, %get3A_289] {strides = array<i32>} : memref<32x256xf32, #tpu.memory_space<vmem>>, vector<16xf32>,
          %add3A_291 = arith.addf %get3A_287, %get3A_290 : vector<16xf32>
          %swap3A_292 = arith.index_cast %squeeze3A_234 : i32 to index
          %swap3A_293 = arith.constant 80 : index
          %swap3A_294 = tpu.vector_load %arg9[%swap3A_292, %swap3A_293] {strides = array<i32>} : memref<193x256xf32, #tpu.memory_space<vmem>>, vector<16xf32>,
          tpu.vector_store %arg9[%swap3A_292, %swap3A_293], %add3A_291 {strides = array<i32>} : memref<193x256xf32, #tpu.memory_space<vmem>>, vector<16xf32>,
          %get3A_295 = arith.index_cast %squeeze3A_234 : i32 to index
          %get3A_296 = arith.constant 96 : index
          %get3A_297 = tpu.vector_load %arg9[%get3A_295, %get3A_296] {strides = array<i32>} : memref<193x256xf32, #tpu.memory_space<vmem>>, vector<16xf32>,
          %get3A_298 = arith.index_cast %scan3A_230 : i32 to index
          %get3A_299 = arith.constant 96 : index
          %get3A_300 = tpu.vector_load %arg11[%get3A_298, %get3A_299] {strides = array<i32>} : memref<32x256xf32, #tpu.memory_space<vmem>>, vector<16xf32>,
          %add3A_301 = arith.addf %get3A_297, %get3A_300 : vector<16xf32>
          %swap3A_302 = arith.index_cast %squeeze3A_234 : i32 to index
          %swap3A_303 = arith.constant 96 : index
          %swap3A_304 = tpu.vector_load %arg9[%swap3A_302, %swap3A_303] {strides = array<i32>} : memref<193x256xf32, #tpu.memory_space<vmem>>, vector<16xf32>,
          tpu.vector_store %arg9[%swap3A_302, %swap3A_303], %add3A_301 {strides = array<i32>} : memref<193x256xf32, #tpu.memory_space<vmem>>, vector<16xf32>,
          %get3A_305 = arith.index_cast %squeeze3A_234 : i32 to index
          %get3A_306 = arith.constant 112 : index
          %get3A_307 = tpu.vector_load %arg9[%get3A_305, %get3A_306] {strides = array<i32>} : memref<193x256xf32, #tpu.memory_space<vmem>>, vector<16xf32>,
          %get3A_308 = arith.index_cast %scan3A_230 : i32 to index
          %get3A_309 = arith.constant 112 : index
          %get3A_310 = tpu.vector_load %arg11[%get3A_308, %get3A_309] {strides = array<i32>} : memref<32x256xf32, #tpu.memory_space<vmem>>, vector<16xf32>,
          %add3A_311 = arith.addf %get3A_307, %get3A_310 : vector<16xf32>
          %swap3A_312 = arith.index_cast %squeeze3A_234 : i32 to index
          %swap3A_313 = arith.constant 112 : index
          %swap3A_314 = tpu.vector_load %arg9[%swap3A_312, %swap3A_313] {strides = array<i32>} : memref<193x256xf32, #tpu.memory_space<vmem>>, vector<16xf32>,
          tpu.vector_store %arg9[%swap3A_312, %swap3A_313], %add3A_311 {strides = array<i32>} : memref<193x256xf32, #tpu.memory_space<vmem>>, vector<16xf32>,
          %get3A_315 = arith.index_cast %squeeze3A_234 : i32 to index
          %get3A_316 = arith.constant 128 : index
          %get3A_317 = tpu.vector_load %arg9[%get3A_315, %get3A_316] {strides = array<i32>} : memref<193x256xf32, #tpu.memory_space<vmem>>, vector<16xf32>,
          %get3A_318 = arith.index_cast %scan3A_230 : i32 to index
          %get3A_319 = arith.constant 128 : index
          %get3A_320 = tpu.vector_load %arg11[%get3A_318, %get3A_319] {strides = array<i32>} : memref<32x256xf32, #tpu.memory_space<vmem>>, vector<16xf32>,
          %add3A_321 = arith.addf %get3A_317, %get3A_320 : vector<16xf32>
          %swap3A_322 = arith.index_cast %squeeze3A_234 : i32 to index
          %swap3A_323 = arith.constant 128 : index
          %swap3A_324 = tpu.vector_load %arg9[%swap3A_322, %swap3A_323] {strides = array<i32>} : memref<193x256xf32, #tpu.memory_space<vmem>>, vector<16xf32>,
          tpu.vector_store %arg9[%swap3A_322, %swap3A_323], %add3A_321 {strides = array<i32>} : memref<193x256xf32, #tpu.memory_space<vmem>>, vector<16xf32>,
          %get3A_325 = arith.index_cast %squeeze3A_234 : i32 to index
          %get3A_326 = arith.constant 144 : index
          %get3A_327 = tpu.vector_load %arg9[%get3A_325, %get3A_326] {strides = array<i32>} : memref<193x256xf32, #tpu.memory_space<vmem>>, vector<16xf32>,
          %get3A_328 = arith.index_cast %scan3A_230 : i32 to index
          %get3A_329 = arith.constant 144 : index
          %get3A_330 = tpu.vector_load %arg11[%get3A_328, %get3A_329] {strides = array<i32>} : memref<32x256xf32, #tpu.memory_space<vmem>>, vector<16xf32>,
          %add3A_331 = arith.addf %get3A_327, %get3A_330 : vector<16xf32>
          %swap3A_332 = arith.index_cast %squeeze3A_234 : i32 to index
          %swap3A_333 = arith.constant 144 : index
          %swap3A_334 = tpu.vector_load %arg9[%swap3A_332, %swap3A_333] {strides = array<i32>} : memref<193x256xf32, #tpu.memory_space<vmem>>, vector<16xf32>,
          tpu.vector_store %arg9[%swap3A_332, %swap3A_333], %add3A_331 {strides = array<i32>} : memref<193x256xf32, #tpu.memory_space<vmem>>, vector<16xf32>,
          %get3A_335 = arith.index_cast %squeeze3A_234 : i32 to index
          %get3A_336 = arith.constant 160 : index
          %get3A_337 = tpu.vector_load %arg9[%get3A_335, %get3A_336] {strides = array<i32>} : memref<193x256xf32, #tpu.memory_space<vmem>>, vector<16xf32>,
          %get3A_338 = arith.index_cast %scan3A_230 : i32 to index
          %get3A_339 = arith.constant 160 : index
          %get3A_340 = tpu.vector_load %arg11[%get3A_338, %get3A_339] {strides = array<i32>} : memref<32x256xf32, #tpu.memory_space<vmem>>, vector<16xf32>,
          %add3A_341 = arith.addf %get3A_337, %get3A_340 : vector<16xf32>
          %swap3A_342 = arith.index_cast %squeeze3A_234 : i32 to index
          %swap3A_343 = arith.constant 160 : index
          %swap3A_344 = tpu.vector_load %arg9[%swap3A_342, %swap3A_343] {strides = array<i32>} : memref<193x256xf32, #tpu.memory_space<vmem>>, vector<16xf32>,
          tpu.vector_store %arg9[%swap3A_342, %swap3A_343], %add3A_341 {strides = array<i32>} : memref<193x256xf32, #tpu.memory_space<vmem>>, vector<16xf32>,
          %get3A_345 = arith.index_cast %squeeze3A_234 : i32 to index
          %get3A_346 = arith.constant 176 : index
          %get3A_347 = tpu.vector_load %arg9[%get3A_345, %get3A_346] {strides = array<i32>} : memref<193x256xf32, #tpu.memory_space<vmem>>, vector<16xf32>,
          %get3A_348 = arith.index_cast %scan3A_230 : i32 to index
          %get3A_349 = arith.constant 176 : index
          %get3A_350 = tpu.vector_load %arg11[%get3A_348, %get3A_349] {strides = array<i32>} : memref<32x256xf32, #tpu.memory_space<vmem>>, vector<16xf32>,
          %add3A_351 = arith.addf %get3A_347, %get3A_350 : vector<16xf32>
          %swap3A_352 = arith.index_cast %squeeze3A_234 : i32 to index
          %swap3A_353 = arith.constant 176 : index
          %swap3A_354 = tpu.vector_load %arg9[%swap3A_352, %swap3A_353] {strides = array<i32>} : memref<193x256xf32, #tpu.memory_space<vmem>>, vector<16xf32>,
          tpu.vector_store %arg9[%swap3A_352, %swap3A_353], %add3A_351 {strides = array<i32>} : memref<193x256xf32, #tpu.memory_space<vmem>>, vector<16xf32>,
          %get3A_355 = arith.index_cast %squeeze3A_234 : i32 to index
          %get3A_356 = arith.constant 192 : index
          %get3A_357 = tpu.vector_load %arg9[%get3A_355, %get3A_356] {strides = array<i32>} : memref<193x256xf32, #tpu.memory_space<vmem>>, vector<16xf32>,
          %get3A_358 = arith.index_cast %scan3A_230 : i32 to index
          %get3A_359 = arith.constant 192 : index
          %get3A_360 = tpu.vector_load %arg11[%get3A_358, %get3A_359] {strides = array<i32>} : memref<32x256xf32, #tpu.memory_space<vmem>>, vector<16xf32>,
          %add3A_361 = arith.addf %get3A_357, %get3A_360 : vector<16xf32>
          %swap3A_362 = arith.index_cast %squeeze3A_234 : i32 to index
          %swap3A_363 = arith.constant 192 : index
          %swap3A_364 = tpu.vector_load %arg9[%swap3A_362, %swap3A_363] {strides = array<i32>} : memref<193x256xf32, #tpu.memory_space<vmem>>, vector<16xf32>,
          tpu.vector_store %arg9[%swap3A_362, %swap3A_363], %add3A_361 {strides = array<i32>} : memref<193x256xf32, #tpu.memory_space<vmem>>, vector<16xf32>,
          %get3A_365 = arith.index_cast %squeeze3A_234 : i32 to index
          %get3A_366 = arith.constant 208 : index
          %get3A_367 = tpu.vector_load %arg9[%get3A_365, %get3A_366] {strides = array<i32>} : memref<193x256xf32, #tpu.memory_space<vmem>>, vector<16xf32>,
          %get3A_368 = arith.index_cast %scan3A_230 : i32 to index
          %get3A_369 = arith.constant 208 : index
          %get3A_370 = tpu.vector_load %arg11[%get3A_368, %get3A_369] {strides = array<i32>} : memref<32x256xf32, #tpu.memory_space<vmem>>, vector<16xf32>,
          %add3A_371 = arith.addf %get3A_367, %get3A_370 : vector<16xf32>
          %swap3A_372 = arith.index_cast %squeeze3A_234 : i32 to index
          %swap3A_373 = arith.constant 208 : index
          %swap3A_374 = tpu.vector_load %arg9[%swap3A_372, %swap3A_373] {strides = array<i32>} : memref<193x256xf32, #tpu.memory_space<vmem>>, vector<16xf32>,
          tpu.vector_store %arg9[%swap3A_372, %swap3A_373], %add3A_371 {strides = array<i32>} : memref<193x256xf32, #tpu.memory_space<vmem>>, vector<16xf32>,
          %get3A_375 = arith.index_cast %squeeze3A_234 : i32 to index
          %get3A_376 = arith.constant 224 : index
          %get3A_377 = tpu.vector_load %arg9[%get3A_375, %get3A_376] {strides = array<i32>} : memref<193x256xf32, #tpu.memory_space<vmem>>, vector<16xf32>,
          %get3A_378 = arith.index_cast %scan3A_230 : i32 to index
          %get3A_379 = arith.constant 224 : index
          %get3A_380 = tpu.vector_load %arg11[%get3A_378, %get3A_379] {strides = array<i32>} : memref<32x256xf32, #tpu.memory_space<vmem>>, vector<16xf32>,
          %add3A_381 = arith.addf %get3A_377, %get3A_380 : vector<16xf32>
          %swap3A_382 = arith.index_cast %squeeze3A_234 : i32 to index
          %swap3A_383 = arith.constant 224 : index
          %swap3A_384 = tpu.vector_load %arg9[%swap3A_382, %swap3A_383] {strides = array<i32>} : memref<193x256xf32, #tpu.memory_space<vmem>>, vector<16xf32>,
          tpu.vector_store %arg9[%swap3A_382, %swap3A_383], %add3A_381 {strides = array<i32>} : memref<193x256xf32, #tpu.memory_space<vmem>>, vector<16xf32>,
          %get3A_385 = arith.index_cast %squeeze3A_234 : i32 to index
          %get3A_386 = arith.constant 240 : index
          %get3A_387 = tpu.vector_load %arg9[%get3A_385, %get3A_386] {strides = array<i32>} : memref<193x256xf32, #tpu.memory_space<vmem>>, vector<16xf32>,
          %get3A_388 = arith.index_cast %scan3A_230 : i32 to index
          %get3A_389 = arith.constant 240 : index
          %get3A_390 = tpu.vector_load %arg11[%get3A_388, %get3A_389] {strides = array<i32>} : memref<32x256xf32, #tpu.memory_space<vmem>>, vector<16xf32>,
          %add3A_391 = arith.addf %get3A_387, %get3A_390 : vector<16xf32>
          %swap3A_392 = arith.index_cast %squeeze3A_234 : i32 to index
          %swap3A_393 = arith.constant 240 : index
          %swap3A_394 = tpu.vector_load %arg9[%swap3A_392, %swap3A_393] {strides = array<i32>} : memref<193x256xf32, #tpu.memory_space<vmem>>, vector<16xf32>,
          tpu.vector_store %arg9[%swap3A_392, %swap3A_393], %add3A_391 {strides = array<i32>} : memref<193x256xf32, #tpu.memory_space<vmem>>, vector<16xf32>,
          %mul3A_395 = arith.constant 16 : i32
          %mul3A_396 = arith.muli %squeeze3A_234, %mul3A_395 : i32
          %get3A_397 = arith.index_cast %mul3A_396 : i32 to index
          %get3A_398 = tpu.vector_load %arg10[%get3A_397] {strides = array<i32>} : memref<3088xf32, #tpu.memory_space<vmem>>, vector<16xf32>,
          %add3A_399 = arith.addf %get3A_398, %select_n3A : vector<16xf32>
          %mul3A_400 = arith.constant 16 : i32
          %mul3A_401 = arith.muli %squeeze3A_234, %mul3A_400 : i32
          %swap3A_402 = arith.index_cast %mul3A_401 : i32 to index
          %swap3A_403 = tpu.vector_load %arg10[%swap3A_402] {strides = array<i32>} : memref<3088xf32, #tpu.memory_space<vmem>>, vector<16xf32>,
          tpu.vector_store %arg10[%swap3A_402], %add3A_399 {strides = array<i32>} : memref<3088xf32, #tpu.memory_space<vmem>>, vector<16xf32>,
        }
        %scan3A_229 = arith.constant 32 : i32
      }
      %mul3A_68 = arith.constant 192 : i32
      %mul3A_69 = arith.muli %scan3A_41, %mul3A_68 : i32
      %add3A_70 = arith.addi %mul3A_2, %mul3A_69 : i32
      %scan3A_71 = arith.constant 0 : i32
      %scan3A_72 = arith.constant 0 : i32
      %scan3A_73 = arith.constant 12 : i32
      %scan3A_74 = arith.addi %scan3A_72, %scan3A_73 : i32
      %scan3A_75 = arith.constant 1 : i32
      %scan3A_76 = scf.for %scan3A_165 = %scan3A_72 to %scan3A_74 step %scan3A_75 iter_args(%scan3A_166 = %scan3A_71) -> (i32)  : i32 {
        %mul3A_167 = arith.constant 16 : i32
        %mul3A_168 = arith.muli %scan3A_165, %mul3A_167 : i32
        %add3A_169 = vector.broadcast %mul3A_168 : i32 to vector<16xi32>
        %add3A_170 = arith.addi %add3A_169, %iota3A : vector<16xi32>
        %mul3A_171 = arith.constant 16 : i32
        %mul3A_172 = vector.broadcast %mul3A_171 : i32 to vector<16xi32>
        %mul3A_173 = arith.muli %add3A_170, %mul3A_172 : vector<16xi32>
        %gather3A = tpu.vector_load_idx %arg10[%mul3A_173] : memref<3088xf32, #tpu.memory_space<vmem>>[vector<16xi32>], vector<16xf32>,
        %gt3A_174 = arith.constant 0.000000e+00 : f32
        %gt3A_175 = vector.broadcast %gt3A_174 : f32 to vector<16xf32>
        %gt3A_176 = arith.cmpf ogt, %gather3A, %gt3A_175 : vector<16xf32>
        %convert_element_type3A_177 = arith.extui %gt3A_176 : vector<16xi1> to vector<16xi32>
        %broadcast_in_dim3A_178 = arith.constant true
        %broadcast_in_dim3A_179 = vector.broadcast %broadcast_in_dim3A_178 : i1 to vector<16xi1>
        %masked_cumsum3A = tpu.scan <sum>, %convert_element_type3A_177 masked %broadcast_in_dim3A_179 : vector<16xi32>, vector<16xi1> -> vector<16xi32>
        %sub3A_180 = arith.constant 1 : i32
        %sub3A_181 = vector.broadcast %sub3A_180 : i32 to vector<16xi32>
        %sub3A_182 = arith.subi %masked_cumsum3A, %sub3A_181 : vector<16xi32>
        %add3A_183 = vector.broadcast %scan3A_166 : i32 to vector<16xi32>
        %add3A_184 = arith.addi %add3A_183, %sub3A_182 : vector<16xi32>
        %jit3A_185 = arith.constant 208 : i32
        %broadcast_in_dim3A_186 = vector.broadcast %jit3A_185 : i32 to vector<16xi32>
        %select_n3A_187 = arith.select %gt3A_176, %add3A_184, %broadcast_in_dim3A_186 : vector<16xi1>, vector<16xi32>
        tpu.vector_store_idx %arg17[%select_n3A_187], %add3A_170 : memref<224xi32, #tpu.memory_space<vmem>>[vector<16xi32>], vector<16xi32>,
        tpu.vector_store_idx %arg18[%select_n3A_187], %gather3A : memref<224xf32, #tpu.memory_space<vmem>>[vector<16xi32>], vector<16xf32>,
        %reduce_sum3A = arith.constant true
        %reduce_sum3A_188 = vector.broadcast %reduce_sum3A : i1 to vector<16xi1>
        %reduce_sum3A_189 = tpu.scan <sum>, %convert_element_type3A_177 masked %reduce_sum3A_188 : vector<16xi32>, vector<16xi1> -> vector<16xi32>
        %reduce_sum3A_190 = vector.extract %reduce_sum3A_189[15] : i32 from vector<16xi32>
        %add3A_191 = arith.addi %scan3A_166, %reduce_sum3A_190 : i32
        scf.yield %add3A_191 : i32
      }
      %scan3A_77 = arith.constant 12 : i32
      %sub3A = arith.constant 1 : i32
      %sub3A_78 = arith.subi %scan3A_76, %sub3A : i32
      %max3A = arith.constant 0 : i32
      %max3A_79 = arith.maxsi %sub3A_78, %max3A : i32
      %get3A = arith.index_cast %max3A_79 : i32 to index
      %get3A_80 = tpu.vector_load %arg17[%get3A] {strides = array<i32>} : memref<224xi32, #tpu.memory_space<vmem>>, vector<16xi32>,
      %slice3A = vector.extract_strided_slice %get3A_80 {offsets = [0], sizes = [1], strides = [1]} : vector<16xi32> to vector<1xi32>
      %squeeze3A = vector.extract %slice3A[0] : i32 from vector<1xi32>
      %get3A_81 = arith.index_cast %max3A_79 : i32 to index
      %get3A_82 = tpu.vector_load %arg18[%get3A_81] {strides = array<i32>} : memref<224xf32, #tpu.memory_space<vmem>>, vector<16xf32>,
      %slice3A_83 = vector.extract_strided_slice %get3A_82 {offsets = [0], sizes = [1], strides = [1]} : vector<16xf32> to vector<1xf32>
      %squeeze3A_84 = vector.extract %slice3A_83[0] : f32 from vector<1xf32>
      %add3A_85 = arith.constant 31 : i32
      %add3A_86 = arith.addi %scan3A_76, %add3A_85 : i32
      %shift_right_arithmetic3A_87 = arith.constant 5 : i32
      %shift_right_arithmetic3A_88 = arith.shrsi %add3A_86, %shift_right_arithmetic3A_87 : i32
      %while3A_89 = arith.constant 0 : i32
      %while3A_90 = arith.subi %shift_right_arithmetic3A_88, %while3A_89 : i32
      %while3A_91 = arith.addi %while3A_89, %while3A_90 : i32
      %while3A_92 = arith.constant 1 : i32
      %while3A_93 = arith.divsi %while3A_90, %while3A_92 : i32
      %while3A_94 = arith.muli %while3A_93, %while3A_92 : i32
      %while3A_95 = arith.addi %while3A_89, %while3A_94 : i32
      %while3A_96 = arith.constant 1 : i32
      %while3A_97 = scf.for %while3A_165 = %while3A_89 to %while3A_95 step %while3A_96 iter_args(%while3A_166 = %scan3A_42) -> (i32)  : i32 {
        %mul3A_167 = arith.constant 32 : i32
        %mul3A_168 = arith.muli %while3A_165, %mul3A_167 : i32
        %gt3A_169 = arith.constant 0 : i32
        %gt3A_170 = arith.cmpi sgt, %while3A_166, %gt3A_169 : i32
        %convert_element_type3A_171 = arith.extui %gt3A_170 : i1 to i32
        %cond3A_172 = arith.constant 0 : i32
        %cond3A_173 = arith.cmpi ne, %convert_element_type3A_171, %cond3A_172 : i32
        scf.if %cond3A_173 {
          %dma_wait3A_248 = arith.constant 0 : i32
          %dma_wait3A_249 = arith.constant 0 : i32
          %dma_wait3A_250 = tpu.memref_slice %arg4[%dma_wait3A_248, %dma_wait3A_249] : memref<100000x256xf32, #tpu.memory_space<hbm>> -> memref<100000x256xf32, #tpu.memory_space<hbm>>
          tpu.wait_indirect_dma semaphore(%arg20 : memref<!tpu.dma_semaphore, #tpu.memory_space<semaphore_mem>>) src(%arg12 : memref<32x256xf32, #tpu.memory_space<vmem>>) dst(%dma_wait3A_250 : memref<100000x256xf32, #tpu.memory_space<hbm>>)
        } else {
        }
        %add3A_174 = arith.constant 0 : i32
        %add3A_175 = arith.addi %mul3A_168, %add3A_174 : i32
        %add3A_176 = vector.broadcast %add3A_175 : i32 to vector<16xi32>
        %add3A_177 = arith.addi %add3A_176, %iota3A : vector<16xi32>
        %lt3A = vector.broadcast %scan3A_76 : i32 to vector<16xi32>
        %lt3A_178 = arith.cmpi slt, %add3A_177, %lt3A : vector<16xi32>
        %get3A_179 = arith.index_cast %add3A_175 : i32 to index
        %get3A_180 = tpu.vector_load %arg17[%get3A_179] {strides = array<i32>} : memref<224xi32, #tpu.memory_space<vmem>>, vector<16xi32>,
        %broadcast_in_dim3A_181 = vector.broadcast %squeeze3A : i32 to vector<16xi32>
        %select_n3A_182 = arith.select %lt3A_178, %get3A_180, %broadcast_in_dim3A_181 : vector<16xi1>, vector<16xi32>
        %get3A_183 = arith.index_cast %add3A_175 : i32 to index
        %get3A_184 = tpu.vector_load %arg18[%get3A_183] {strides = array<i32>} : memref<224xf32, #tpu.memory_space<vmem>>, vector<16xf32>,
        %broadcast_in_dim3A_185 = vector.broadcast %squeeze3A_84 : f32 to vector<16xf32>
        %select_n3A_186 = arith.select %lt3A_178, %get3A_184, %broadcast_in_dim3A_185 : vector<16xi1>, vector<16xf32>
        %swap3A_187 = arith.constant 0 : index
        %swap3A_188 = tpu.vector_load %arg14[%swap3A_187] {strides = array<i32>} : memref<48xi32, #tpu.memory_space<vmem>>, vector<16xi32>,
        tpu.vector_store %arg14[%swap3A_187], %select_n3A_182 {strides = array<i32>} : memref<48xi32, #tpu.memory_space<vmem>>, vector<16xi32>,
        %add3A_189 = vector.broadcast %add3A_70 : i32 to vector<16xi32>
        %add3A_190 = arith.addi %add3A_189, %select_n3A_182 : vector<16xi32>
        %swap3A_191 = arith.constant 0 : index
        %swap3A_192 = tpu.vector_load %arg15[%swap3A_191] {strides = array<i32>} : memref<32xi32, #tpu.memory_space<vmem>>, vector<16xi32>,
        tpu.vector_store %arg15[%swap3A_191], %add3A_190 {strides = array<i32>} : memref<32xi32, #tpu.memory_space<vmem>>, vector<16xi32>,
        %div3A = arith.constant 1.000000e-01 : f32
        %div3A_193 = vector.broadcast %div3A : f32 to vector<16xf32>
        %div3A_194 = arith.divf %div3A_193, %select_n3A_186 : vector<16xf32>
        %swap3A_195 = arith.constant 0 : index
        %swap3A_196 = tpu.vector_load %arg16[%swap3A_195] {strides = array<i32>} : memref<48xf32, #tpu.memory_space<vmem>>, vector<16xf32>,
        tpu.vector_store %arg16[%swap3A_195], %div3A_194 {strides = array<i32>} : memref<48xf32, #tpu.memory_space<vmem>>, vector<16xf32>,
        %add3A_197 = arith.constant 16 : i32
        %add3A_198 = arith.addi %mul3A_168, %add3A_197 : i32
        %add3A_199 = vector.broadcast %add3A_198 : i32 to vector<16xi32>
        %add3A_200 = arith.addi %add3A_199, %iota3A : vector<16xi32>
        %lt3A_201 = vector.broadcast %scan3A_76 : i32 to vector<16xi32>
        %lt3A_202 = arith.cmpi slt, %add3A_200, %lt3A_201 : vector<16xi32>
        %get3A_203 = arith.index_cast %add3A_198 : i32 to index
        %get3A_204 = tpu.vector_load %arg17[%get3A_203] {strides = array<i32>} : memref<224xi32, #tpu.memory_space<vmem>>, vector<16xi32>,
        %broadcast_in_dim3A_205 = vector.broadcast %squeeze3A : i32 to vector<16xi32>
        %select_n3A_206 = arith.select %lt3A_202, %get3A_204, %broadcast_in_dim3A_205 : vector<16xi1>, vector<16xi32>
        %get3A_207 = arith.index_cast %add3A_198 : i32 to index
        %get3A_208 = tpu.vector_load %arg18[%get3A_207] {strides = array<i32>} : memref<224xf32, #tpu.memory_space<vmem>>, vector<16xf32>,
        %broadcast_in_dim3A_209 = vector.broadcast %squeeze3A_84 : f32 to vector<16xf32>
        %select_n3A_210 = arith.select %lt3A_202, %get3A_208, %broadcast_in_dim3A_209 : vector<16xi1>, vector<16xf32>
        %swap3A_211 = arith.constant 16 : index
        %swap3A_212 = tpu.vector_load %arg14[%swap3A_211] {strides = array<i32>} : memref<48xi32, #tpu.memory_space<vmem>>, vector<16xi32>,
        tpu.vector_store %arg14[%swap3A_211], %select_n3A_206 {strides = array<i32>} : memref<48xi32, #tpu.memory_space<vmem>>, vector<16xi32>,
        %add3A_213 = vector.broadcast %add3A_70 : i32 to vector<16xi32>
        %add3A_214 = arith.addi %add3A_213, %select_n3A_206 : vector<16xi32>
        %swap3A_215 = arith.constant 16 : index
        %swap3A_216 = tpu.vector_load %arg15[%swap3A_215] {strides = array<i32>} : memref<32xi32, #tpu.memory_space<vmem>>, vector<16xi32>,
        tpu.vector_store %arg15[%swap3A_215], %add3A_214 {strides = array<i32>} : memref<32xi32, #tpu.memory_space<vmem>>, vector<16xi32>,
        %div3A_217 = arith.constant 1.000000e-01 : f32
        %div3A_218 = vector.broadcast %div3A_217 : f32 to vector<16xf32>
        %div3A_219 = arith.divf %div3A_218, %select_n3A_210 : vector<16xf32>
        %swap3A_220 = arith.constant 16 : index
        %swap3A_221 = tpu.vector_load %arg16[%swap3A_220] {strides = array<i32>} : memref<48xf32, #tpu.memory_space<vmem>>, vector<16xf32>,
        tpu.vector_store %arg16[%swap3A_220], %div3A_219 {strides = array<i32>} : memref<48xf32, #tpu.memory_space<vmem>>, vector<16xf32>,
        %dma_start3A = arith.constant 0 : i32
        %dma_start3A_222 = arith.constant 0 : i32
        %dma_start3A_223 = tpu.memref_slice %arg4[%dma_start3A, %dma_start3A_222] : memref<100000x256xf32, #tpu.memory_space<hbm>> -> memref<100000x256xf32, #tpu.memory_space<hbm>>
        tpu.enqueue_indirect_dma source(%dma_start3A_223 : memref<100000x256xf32, #tpu.memory_space<hbm>>) target(%arg12 : memref<32x256xf32, #tpu.memory_space<vmem>>) offsets(%arg15 : memref<32xi32, #tpu.memory_space<vmem>>) semaphore(%arg19 : memref<!tpu.dma_semaphore, #tpu.memory_space<semaphore_mem>>)
        %dma_wait3A = arith.constant 0 : i32
        %dma_wait3A_224 = arith.constant 0 : i32
        %dma_wait3A_225 = tpu.memref_slice %arg4[%dma_wait3A, %dma_wait3A_224] : memref<100000x256xf32, #tpu.memory_space<hbm>> -> memref<100000x256xf32, #tpu.memory_space<hbm>>
        tpu.wait_indirect_dma semaphore(%arg19 : memref<!tpu.dma_semaphore, #tpu.memory_space<semaphore_mem>>) src(%dma_wait3A_225 : memref<100000x256xf32, #tpu.memory_space<hbm>>) dst(%arg12 : memref<32x256xf32, #tpu.memory_space<vmem>>)
        %scan3A_226 = arith.constant 0 : i32
        %scan3A_227 = arith.constant 0 : i32
        %scan3A_228 = arith.constant 32 : i32
        %scan3A_229 = arith.addi %scan3A_227, %scan3A_228 : i32
        %scan3A_230 = arith.constant 1 : i32
        scf.for %scan3A_248 = %scan3A_227 to %scan3A_229 step %scan3A_230  : i32 {
          %get3A_249 = arith.index_cast %scan3A_248 : i32 to index
          %get3A_250 = tpu.vector_load %arg14[%get3A_249] {strides = array<i32>} : memref<48xi32, #tpu.memory_space<vmem>>, vector<16xi32>,
          %slice3A_251 = vector.extract_strided_slice %get3A_250 {offsets = [0], sizes = [1], strides = [1]} : vector<16xi32> to vector<1xi32>
          %squeeze3A_252 = vector.extract %slice3A_251[0] : i32 from vector<1xi32>
          %get3A_253 = arith.index_cast %scan3A_248 : i32 to index
          %get3A_254 = tpu.vector_load %arg16[%get3A_253] {strides = array<i32>} : memref<48xf32, #tpu.memory_space<vmem>>, vector<16xf32>,
          %slice3A_255 = vector.extract_strided_slice %get3A_254 {offsets = [0], sizes = [1], strides = [1]} : vector<16xf32> to vector<1xf32>
          %squeeze3A_256 = vector.extract %slice3A_255[0] : f32 from vector<1xf32>
          %get3A_257 = arith.index_cast %scan3A_248 : i32 to index
          %get3A_258 = arith.constant 0 : index
          %get3A_259 = tpu.vector_load %arg12[%get3A_257, %get3A_258] {strides = array<i32>} : memref<32x256xf32, #tpu.memory_space<vmem>>, vector<16xf32>,
          %get3A_260 = arith.index_cast %squeeze3A_252 : i32 to index
          %get3A_261 = arith.constant 0 : index
          %get3A_262 = tpu.vector_load %arg9[%get3A_260, %get3A_261] {strides = array<i32>} : memref<193x256xf32, #tpu.memory_space<vmem>>, vector<16xf32>,
          %mul3A_263 = arith.constant 0.899999976 : f32
          %mul3A_264 = vector.broadcast %mul3A_263 : f32 to vector<16xf32>
          %mul3A_265 = arith.mulf %get3A_259, %mul3A_264 : vector<16xf32>
          %mul3A_266 = vector.broadcast %squeeze3A_256 : f32 to vector<16xf32>
          %mul3A_267 = arith.mulf %get3A_262, %mul3A_266 : vector<16xf32>
          %add3A_268 = arith.addf %mul3A_265, %mul3A_267 : vector<16xf32>
          %swap3A_269 = arith.index_cast %scan3A_248 : i32 to index
          %swap3A_270 = arith.constant 0 : index
          %swap3A_271 = tpu.vector_load %arg12[%swap3A_269, %swap3A_270] {strides = array<i32>} : memref<32x256xf32, #tpu.memory_space<vmem>>, vector<16xf32>,
          tpu.vector_store %arg12[%swap3A_269, %swap3A_270], %add3A_268 {strides = array<i32>} : memref<32x256xf32, #tpu.memory_space<vmem>>, vector<16xf32>,
          %get3A_272 = arith.index_cast %scan3A_248 : i32 to index
          %get3A_273 = arith.constant 16 : index
          %get3A_274 = tpu.vector_load %arg12[%get3A_272, %get3A_273] {strides = array<i32>} : memref<32x256xf32, #tpu.memory_space<vmem>>, vector<16xf32>,
          %get3A_275 = arith.index_cast %squeeze3A_252 : i32 to index
          %get3A_276 = arith.constant 16 : index
          %get3A_277 = tpu.vector_load %arg9[%get3A_275, %get3A_276] {strides = array<i32>} : memref<193x256xf32, #tpu.memory_space<vmem>>, vector<16xf32>,
          %mul3A_278 = arith.constant 0.899999976 : f32
          %mul3A_279 = vector.broadcast %mul3A_278 : f32 to vector<16xf32>
          %mul3A_280 = arith.mulf %get3A_274, %mul3A_279 : vector<16xf32>
          %mul3A_281 = vector.broadcast %squeeze3A_256 : f32 to vector<16xf32>
          %mul3A_282 = arith.mulf %get3A_277, %mul3A_281 : vector<16xf32>
          %add3A_283 = arith.addf %mul3A_280, %mul3A_282 : vector<16xf32>
          %swap3A_284 = arith.index_cast %scan3A_248 : i32 to index
          %swap3A_285 = arith.constant 16 : index
          %swap3A_286 = tpu.vector_load %arg12[%swap3A_284, %swap3A_285] {strides = array<i32>} : memref<32x256xf32, #tpu.memory_space<vmem>>, vector<16xf32>,
          tpu.vector_store %arg12[%swap3A_284, %swap3A_285], %add3A_283 {strides = array<i32>} : memref<32x256xf32, #tpu.memory_space<vmem>>, vector<16xf32>,
          %get3A_287 = arith.index_cast %scan3A_248 : i32 to index
          %get3A_288 = arith.constant 32 : index
          %get3A_289 = tpu.vector_load %arg12[%get3A_287, %get3A_288] {strides = array<i32>} : memref<32x256xf32, #tpu.memory_space<vmem>>, vector<16xf32>,
          %get3A_290 = arith.index_cast %squeeze3A_252 : i32 to index
          %get3A_291 = arith.constant 32 : index
          %get3A_292 = tpu.vector_load %arg9[%get3A_290, %get3A_291] {strides = array<i32>} : memref<193x256xf32, #tpu.memory_space<vmem>>, vector<16xf32>,
          %mul3A_293 = arith.constant 0.899999976 : f32
          %mul3A_294 = vector.broadcast %mul3A_293 : f32 to vector<16xf32>
          %mul3A_295 = arith.mulf %get3A_289, %mul3A_294 : vector<16xf32>
          %mul3A_296 = vector.broadcast %squeeze3A_256 : f32 to vector<16xf32>
          %mul3A_297 = arith.mulf %get3A_292, %mul3A_296 : vector<16xf32>
          %add3A_298 = arith.addf %mul3A_295, %mul3A_297 : vector<16xf32>
          %swap3A_299 = arith.index_cast %scan3A_248 : i32 to index
          %swap3A_300 = arith.constant 32 : index
          %swap3A_301 = tpu.vector_load %arg12[%swap3A_299, %swap3A_300] {strides = array<i32>} : memref<32x256xf32, #tpu.memory_space<vmem>>, vector<16xf32>,
          tpu.vector_store %arg12[%swap3A_299, %swap3A_300], %add3A_298 {strides = array<i32>} : memref<32x256xf32, #tpu.memory_space<vmem>>, vector<16xf32>,
          %get3A_302 = arith.index_cast %scan3A_248 : i32 to index
          %get3A_303 = arith.constant 48 : index
          %get3A_304 = tpu.vector_load %arg12[%get3A_302, %get3A_303] {strides = array<i32>} : memref<32x256xf32, #tpu.memory_space<vmem>>, vector<16xf32>,
          %get3A_305 = arith.index_cast %squeeze3A_252 : i32 to index
          %get3A_306 = arith.constant 48 : index
          %get3A_307 = tpu.vector_load %arg9[%get3A_305, %get3A_306] {strides = array<i32>} : memref<193x256xf32, #tpu.memory_space<vmem>>, vector<16xf32>,
          %mul3A_308 = arith.constant 0.899999976 : f32
          %mul3A_309 = vector.broadcast %mul3A_308 : f32 to vector<16xf32>
          %mul3A_310 = arith.mulf %get3A_304, %mul3A_309 : vector<16xf32>
          %mul3A_311 = vector.broadcast %squeeze3A_256 : f32 to vector<16xf32>
          %mul3A_312 = arith.mulf %get3A_307, %mul3A_311 : vector<16xf32>
          %add3A_313 = arith.addf %mul3A_310, %mul3A_312 : vector<16xf32>
          %swap3A_314 = arith.index_cast %scan3A_248 : i32 to index
          %swap3A_315 = arith.constant 48 : index
          %swap3A_316 = tpu.vector_load %arg12[%swap3A_314, %swap3A_315] {strides = array<i32>} : memref<32x256xf32, #tpu.memory_space<vmem>>, vector<16xf32>,
          tpu.vector_store %arg12[%swap3A_314, %swap3A_315], %add3A_313 {strides = array<i32>} : memref<32x256xf32, #tpu.memory_space<vmem>>, vector<16xf32>,
          %get3A_317 = arith.index_cast %scan3A_248 : i32 to index
          %get3A_318 = arith.constant 64 : index
          %get3A_319 = tpu.vector_load %arg12[%get3A_317, %get3A_318] {strides = array<i32>} : memref<32x256xf32, #tpu.memory_space<vmem>>, vector<16xf32>,
          %get3A_320 = arith.index_cast %squeeze3A_252 : i32 to index
          %get3A_321 = arith.constant 64 : index
          %get3A_322 = tpu.vector_load %arg9[%get3A_320, %get3A_321] {strides = array<i32>} : memref<193x256xf32, #tpu.memory_space<vmem>>, vector<16xf32>,
          %mul3A_323 = arith.constant 0.899999976 : f32
          %mul3A_324 = vector.broadcast %mul3A_323 : f32 to vector<16xf32>
          %mul3A_325 = arith.mulf %get3A_319, %mul3A_324 : vector<16xf32>
          %mul3A_326 = vector.broadcast %squeeze3A_256 : f32 to vector<16xf32>
          %mul3A_327 = arith.mulf %get3A_322, %mul3A_326 : vector<16xf32>
          %add3A_328 = arith.addf %mul3A_325, %mul3A_327 : vector<16xf32>
          %swap3A_329 = arith.index_cast %scan3A_248 : i32 to index
          %swap3A_330 = arith.constant 64 : index
          %swap3A_331 = tpu.vector_load %arg12[%swap3A_329, %swap3A_330] {strides = array<i32>} : memref<32x256xf32, #tpu.memory_space<vmem>>, vector<16xf32>,
          tpu.vector_store %arg12[%swap3A_329, %swap3A_330], %add3A_328 {strides = array<i32>} : memref<32x256xf32, #tpu.memory_space<vmem>>, vector<16xf32>,
          %get3A_332 = arith.index_cast %scan3A_248 : i32 to index
          %get3A_333 = arith.constant 80 : index
          %get3A_334 = tpu.vector_load %arg12[%get3A_332, %get3A_333] {strides = array<i32>} : memref<32x256xf32, #tpu.memory_space<vmem>>, vector<16xf32>,
          %get3A_335 = arith.index_cast %squeeze3A_252 : i32 to index
          %get3A_336 = arith.constant 80 : index
          %get3A_337 = tpu.vector_load %arg9[%get3A_335, %get3A_336] {strides = array<i32>} : memref<193x256xf32, #tpu.memory_space<vmem>>, vector<16xf32>,
          %mul3A_338 = arith.constant 0.899999976 : f32
          %mul3A_339 = vector.broadcast %mul3A_338 : f32 to vector<16xf32>
          %mul3A_340 = arith.mulf %get3A_334, %mul3A_339 : vector<16xf32>
          %mul3A_341 = vector.broadcast %squeeze3A_256 : f32 to vector<16xf32>
          %mul3A_342 = arith.mulf %get3A_337, %mul3A_341 : vector<16xf32>
          %add3A_343 = arith.addf %mul3A_340, %mul3A_342 : vector<16xf32>
          %swap3A_344 = arith.index_cast %scan3A_248 : i32 to index
          %swap3A_345 = arith.constant 80 : index
          %swap3A_346 = tpu.vector_load %arg12[%swap3A_344, %swap3A_345] {strides = array<i32>} : memref<32x256xf32, #tpu.memory_space<vmem>>, vector<16xf32>,
          tpu.vector_store %arg12[%swap3A_344, %swap3A_345], %add3A_343 {strides = array<i32>} : memref<32x256xf32, #tpu.memory_space<vmem>>, vector<16xf32>,
          %get3A_347 = arith.index_cast %scan3A_248 : i32 to index
          %get3A_348 = arith.constant 96 : index
          %get3A_349 = tpu.vector_load %arg12[%get3A_347, %get3A_348] {strides = array<i32>} : memref<32x256xf32, #tpu.memory_space<vmem>>, vector<16xf32>,
          %get3A_350 = arith.index_cast %squeeze3A_252 : i32 to index
          %get3A_351 = arith.constant 96 : index
          %get3A_352 = tpu.vector_load %arg9[%get3A_350, %get3A_351] {strides = array<i32>} : memref<193x256xf32, #tpu.memory_space<vmem>>, vector<16xf32>,
          %mul3A_353 = arith.constant 0.899999976 : f32
          %mul3A_354 = vector.broadcast %mul3A_353 : f32 to vector<16xf32>
          %mul3A_355 = arith.mulf %get3A_349, %mul3A_354 : vector<16xf32>
          %mul3A_356 = vector.broadcast %squeeze3A_256 : f32 to vector<16xf32>
          %mul3A_357 = arith.mulf %get3A_352, %mul3A_356 : vector<16xf32>
          %add3A_358 = arith.addf %mul3A_355, %mul3A_357 : vector<16xf32>
          %swap3A_359 = arith.index_cast %scan3A_248 : i32 to index
          %swap3A_360 = arith.constant 96 : index
          %swap3A_361 = tpu.vector_load %arg12[%swap3A_359, %swap3A_360] {strides = array<i32>} : memref<32x256xf32, #tpu.memory_space<vmem>>, vector<16xf32>,
          tpu.vector_store %arg12[%swap3A_359, %swap3A_360], %add3A_358 {strides = array<i32>} : memref<32x256xf32, #tpu.memory_space<vmem>>, vector<16xf32>,
          %get3A_362 = arith.index_cast %scan3A_248 : i32 to index
          %get3A_363 = arith.constant 112 : index
          %get3A_364 = tpu.vector_load %arg12[%get3A_362, %get3A_363] {strides = array<i32>} : memref<32x256xf32, #tpu.memory_space<vmem>>, vector<16xf32>,
          %get3A_365 = arith.index_cast %squeeze3A_252 : i32 to index
          %get3A_366 = arith.constant 112 : index
          %get3A_367 = tpu.vector_load %arg9[%get3A_365, %get3A_366] {strides = array<i32>} : memref<193x256xf32, #tpu.memory_space<vmem>>, vector<16xf32>,
          %mul3A_368 = arith.constant 0.899999976 : f32
          %mul3A_369 = vector.broadcast %mul3A_368 : f32 to vector<16xf32>
          %mul3A_370 = arith.mulf %get3A_364, %mul3A_369 : vector<16xf32>
          %mul3A_371 = vector.broadcast %squeeze3A_256 : f32 to vector<16xf32>
          %mul3A_372 = arith.mulf %get3A_367, %mul3A_371 : vector<16xf32>
          %add3A_373 = arith.addf %mul3A_370, %mul3A_372 : vector<16xf32>
          %swap3A_374 = arith.index_cast %scan3A_248 : i32 to index
          %swap3A_375 = arith.constant 112 : index
          %swap3A_376 = tpu.vector_load %arg12[%swap3A_374, %swap3A_375] {strides = array<i32>} : memref<32x256xf32, #tpu.memory_space<vmem>>, vector<16xf32>,
          tpu.vector_store %arg12[%swap3A_374, %swap3A_375], %add3A_373 {strides = array<i32>} : memref<32x256xf32, #tpu.memory_space<vmem>>, vector<16xf32>,
          %get3A_377 = arith.index_cast %scan3A_248 : i32 to index
          %get3A_378 = arith.constant 128 : index
          %get3A_379 = tpu.vector_load %arg12[%get3A_377, %get3A_378] {strides = array<i32>} : memref<32x256xf32, #tpu.memory_space<vmem>>, vector<16xf32>,
          %get3A_380 = arith.index_cast %squeeze3A_252 : i32 to index
          %get3A_381 = arith.constant 128 : index
          %get3A_382 = tpu.vector_load %arg9[%get3A_380, %get3A_381] {strides = array<i32>} : memref<193x256xf32, #tpu.memory_space<vmem>>, vector<16xf32>,
          %mul3A_383 = arith.constant 0.899999976 : f32
          %mul3A_384 = vector.broadcast %mul3A_383 : f32 to vector<16xf32>
          %mul3A_385 = arith.mulf %get3A_379, %mul3A_384 : vector<16xf32>
          %mul3A_386 = vector.broadcast %squeeze3A_256 : f32 to vector<16xf32>
          %mul3A_387 = arith.mulf %get3A_382, %mul3A_386 : vector<16xf32>
          %add3A_388 = arith.addf %mul3A_385, %mul3A_387 : vector<16xf32>
          %swap3A_389 = arith.index_cast %scan3A_248 : i32 to index
          %swap3A_390 = arith.constant 128 : index
          %swap3A_391 = tpu.vector_load %arg12[%swap3A_389, %swap3A_390] {strides = array<i32>} : memref<32x256xf32, #tpu.memory_space<vmem>>, vector<16xf32>,
          tpu.vector_store %arg12[%swap3A_389, %swap3A_390], %add3A_388 {strides = array<i32>} : memref<32x256xf32, #tpu.memory_space<vmem>>, vector<16xf32>,
          %get3A_392 = arith.index_cast %scan3A_248 : i32 to index
          %get3A_393 = arith.constant 144 : index
          %get3A_394 = tpu.vector_load %arg12[%get3A_392, %get3A_393] {strides = array<i32>} : memref<32x256xf32, #tpu.memory_space<vmem>>, vector<16xf32>,
          %get3A_395 = arith.index_cast %squeeze3A_252 : i32 to index
          %get3A_396 = arith.constant 144 : index
          %get3A_397 = tpu.vector_load %arg9[%get3A_395, %get3A_396] {strides = array<i32>} : memref<193x256xf32, #tpu.memory_space<vmem>>, vector<16xf32>,
          %mul3A_398 = arith.constant 0.899999976 : f32
          %mul3A_399 = vector.broadcast %mul3A_398 : f32 to vector<16xf32>
          %mul3A_400 = arith.mulf %get3A_394, %mul3A_399 : vector<16xf32>
          %mul3A_401 = vector.broadcast %squeeze3A_256 : f32 to vector<16xf32>
          %mul3A_402 = arith.mulf %get3A_397, %mul3A_401 : vector<16xf32>
          %add3A_403 = arith.addf %mul3A_400, %mul3A_402 : vector<16xf32>
          %swap3A_404 = arith.index_cast %scan3A_248 : i32 to index
          %swap3A_405 = arith.constant 144 : index
          %swap3A_406 = tpu.vector_load %arg12[%swap3A_404, %swap3A_405] {strides = array<i32>} : memref<32x256xf32, #tpu.memory_space<vmem>>, vector<16xf32>,
          tpu.vector_store %arg12[%swap3A_404, %swap3A_405], %add3A_403 {strides = array<i32>} : memref<32x256xf32, #tpu.memory_space<vmem>>, vector<16xf32>,
          %get3A_407 = arith.index_cast %scan3A_248 : i32 to index
          %get3A_408 = arith.constant 160 : index
          %get3A_409 = tpu.vector_load %arg12[%get3A_407, %get3A_408] {strides = array<i32>} : memref<32x256xf32, #tpu.memory_space<vmem>>, vector<16xf32>,
          %get3A_410 = arith.index_cast %squeeze3A_252 : i32 to index
          %get3A_411 = arith.constant 160 : index
          %get3A_412 = tpu.vector_load %arg9[%get3A_410, %get3A_411] {strides = array<i32>} : memref<193x256xf32, #tpu.memory_space<vmem>>, vector<16xf32>,
          %mul3A_413 = arith.constant 0.899999976 : f32
          %mul3A_414 = vector.broadcast %mul3A_413 : f32 to vector<16xf32>
          %mul3A_415 = arith.mulf %get3A_409, %mul3A_414 : vector<16xf32>
          %mul3A_416 = vector.broadcast %squeeze3A_256 : f32 to vector<16xf32>
          %mul3A_417 = arith.mulf %get3A_412, %mul3A_416 : vector<16xf32>
          %add3A_418 = arith.addf %mul3A_415, %mul3A_417 : vector<16xf32>
          %swap3A_419 = arith.index_cast %scan3A_248 : i32 to index
          %swap3A_420 = arith.constant 160 : index
          %swap3A_421 = tpu.vector_load %arg12[%swap3A_419, %swap3A_420] {strides = array<i32>} : memref<32x256xf32, #tpu.memory_space<vmem>>, vector<16xf32>,
          tpu.vector_store %arg12[%swap3A_419, %swap3A_420], %add3A_418 {strides = array<i32>} : memref<32x256xf32, #tpu.memory_space<vmem>>, vector<16xf32>,
          %get3A_422 = arith.index_cast %scan3A_248 : i32 to index
          %get3A_423 = arith.constant 176 : index
          %get3A_424 = tpu.vector_load %arg12[%get3A_422, %get3A_423] {strides = array<i32>} : memref<32x256xf32, #tpu.memory_space<vmem>>, vector<16xf32>,
          %get3A_425 = arith.index_cast %squeeze3A_252 : i32 to index
          %get3A_426 = arith.constant 176 : index
          %get3A_427 = tpu.vector_load %arg9[%get3A_425, %get3A_426] {strides = array<i32>} : memref<193x256xf32, #tpu.memory_space<vmem>>, vector<16xf32>,
          %mul3A_428 = arith.constant 0.899999976 : f32
          %mul3A_429 = vector.broadcast %mul3A_428 : f32 to vector<16xf32>
          %mul3A_430 = arith.mulf %get3A_424, %mul3A_429 : vector<16xf32>
          %mul3A_431 = vector.broadcast %squeeze3A_256 : f32 to vector<16xf32>
          %mul3A_432 = arith.mulf %get3A_427, %mul3A_431 : vector<16xf32>
          %add3A_433 = arith.addf %mul3A_430, %mul3A_432 : vector<16xf32>
          %swap3A_434 = arith.index_cast %scan3A_248 : i32 to index
          %swap3A_435 = arith.constant 176 : index
          %swap3A_436 = tpu.vector_load %arg12[%swap3A_434, %swap3A_435] {strides = array<i32>} : memref<32x256xf32, #tpu.memory_space<vmem>>, vector<16xf32>,
          tpu.vector_store %arg12[%swap3A_434, %swap3A_435], %add3A_433 {strides = array<i32>} : memref<32x256xf32, #tpu.memory_space<vmem>>, vector<16xf32>,
          %get3A_437 = arith.index_cast %scan3A_248 : i32 to index
          %get3A_438 = arith.constant 192 : index
          %get3A_439 = tpu.vector_load %arg12[%get3A_437, %get3A_438] {strides = array<i32>} : memref<32x256xf32, #tpu.memory_space<vmem>>, vector<16xf32>,
          %get3A_440 = arith.index_cast %squeeze3A_252 : i32 to index
          %get3A_441 = arith.constant 192 : index
          %get3A_442 = tpu.vector_load %arg9[%get3A_440, %get3A_441] {strides = array<i32>} : memref<193x256xf32, #tpu.memory_space<vmem>>, vector<16xf32>,
          %mul3A_443 = arith.constant 0.899999976 : f32
          %mul3A_444 = vector.broadcast %mul3A_443 : f32 to vector<16xf32>
          %mul3A_445 = arith.mulf %get3A_439, %mul3A_444 : vector<16xf32>
          %mul3A_446 = vector.broadcast %squeeze3A_256 : f32 to vector<16xf32>
          %mul3A_447 = arith.mulf %get3A_442, %mul3A_446 : vector<16xf32>
          %add3A_448 = arith.addf %mul3A_445, %mul3A_447 : vector<16xf32>
          %swap3A_449 = arith.index_cast %scan3A_248 : i32 to index
          %swap3A_450 = arith.constant 192 : index
          %swap3A_451 = tpu.vector_load %arg12[%swap3A_449, %swap3A_450] {strides = array<i32>} : memref<32x256xf32, #tpu.memory_space<vmem>>, vector<16xf32>,
          tpu.vector_store %arg12[%swap3A_449, %swap3A_450], %add3A_448 {strides = array<i32>} : memref<32x256xf32, #tpu.memory_space<vmem>>, vector<16xf32>,
          %get3A_452 = arith.index_cast %scan3A_248 : i32 to index
          %get3A_453 = arith.constant 208 : index
          %get3A_454 = tpu.vector_load %arg12[%get3A_452, %get3A_453] {strides = array<i32>} : memref<32x256xf32, #tpu.memory_space<vmem>>, vector<16xf32>,
          %get3A_455 = arith.index_cast %squeeze3A_252 : i32 to index
          %get3A_456 = arith.constant 208 : index
          %get3A_457 = tpu.vector_load %arg9[%get3A_455, %get3A_456] {strides = array<i32>} : memref<193x256xf32, #tpu.memory_space<vmem>>, vector<16xf32>,
          %mul3A_458 = arith.constant 0.899999976 : f32
          %mul3A_459 = vector.broadcast %mul3A_458 : f32 to vector<16xf32>
          %mul3A_460 = arith.mulf %get3A_454, %mul3A_459 : vector<16xf32>
          %mul3A_461 = vector.broadcast %squeeze3A_256 : f32 to vector<16xf32>
          %mul3A_462 = arith.mulf %get3A_457, %mul3A_461 : vector<16xf32>
          %add3A_463 = arith.addf %mul3A_460, %mul3A_462 : vector<16xf32>
          %swap3A_464 = arith.index_cast %scan3A_248 : i32 to index
          %swap3A_465 = arith.constant 208 : index
          %swap3A_466 = tpu.vector_load %arg12[%swap3A_464, %swap3A_465] {strides = array<i32>} : memref<32x256xf32, #tpu.memory_space<vmem>>, vector<16xf32>,
          tpu.vector_store %arg12[%swap3A_464, %swap3A_465], %add3A_463 {strides = array<i32>} : memref<32x256xf32, #tpu.memory_space<vmem>>, vector<16xf32>,
          %get3A_467 = arith.index_cast %scan3A_248 : i32 to index
          %get3A_468 = arith.constant 224 : index
          %get3A_469 = tpu.vector_load %arg12[%get3A_467, %get3A_468] {strides = array<i32>} : memref<32x256xf32, #tpu.memory_space<vmem>>, vector<16xf32>,
          %get3A_470 = arith.index_cast %squeeze3A_252 : i32 to index
          %get3A_471 = arith.constant 224 : index
          %get3A_472 = tpu.vector_load %arg9[%get3A_470, %get3A_471] {strides = array<i32>} : memref<193x256xf32, #tpu.memory_space<vmem>>, vector<16xf32>,
          %mul3A_473 = arith.constant 0.899999976 : f32
          %mul3A_474 = vector.broadcast %mul3A_473 : f32 to vector<16xf32>
          %mul3A_475 = arith.mulf %get3A_469, %mul3A_474 : vector<16xf32>
          %mul3A_476 = vector.broadcast %squeeze3A_256 : f32 to vector<16xf32>
          %mul3A_477 = arith.mulf %get3A_472, %mul3A_476 : vector<16xf32>
          %add3A_478 = arith.addf %mul3A_475, %mul3A_477 : vector<16xf32>
          %swap3A_479 = arith.index_cast %scan3A_248 : i32 to index
          %swap3A_480 = arith.constant 224 : index
          %swap3A_481 = tpu.vector_load %arg12[%swap3A_479, %swap3A_480] {strides = array<i32>} : memref<32x256xf32, #tpu.memory_space<vmem>>, vector<16xf32>,
          tpu.vector_store %arg12[%swap3A_479, %swap3A_480], %add3A_478 {strides = array<i32>} : memref<32x256xf32, #tpu.memory_space<vmem>>, vector<16xf32>,
          %get3A_482 = arith.index_cast %scan3A_248 : i32 to index
          %get3A_483 = arith.constant 240 : index
          %get3A_484 = tpu.vector_load %arg12[%get3A_482, %get3A_483] {strides = array<i32>} : memref<32x256xf32, #tpu.memory_space<vmem>>, vector<16xf32>,
          %get3A_485 = arith.index_cast %squeeze3A_252 : i32 to index
          %get3A_486 = arith.constant 240 : index
          %get3A_487 = tpu.vector_load %arg9[%get3A_485, %get3A_486] {strides = array<i32>} : memref<193x256xf32, #tpu.memory_space<vmem>>, vector<16xf32>,
          %mul3A_488 = arith.constant 0.899999976 : f32
          %mul3A_489 = vector.broadcast %mul3A_488 : f32 to vector<16xf32>
          %mul3A_490 = arith.mulf %get3A_484, %mul3A_489 : vector<16xf32>
          %mul3A_491 = vector.broadcast %squeeze3A_256 : f32 to vector<16xf32>
          %mul3A_492 = arith.mulf %get3A_487, %mul3A_491 : vector<16xf32>
          %add3A_493 = arith.addf %mul3A_490, %mul3A_492 : vector<16xf32>
          %swap3A_494 = arith.index_cast %scan3A_248 : i32 to index
          %swap3A_495 = arith.constant 240 : index
          %swap3A_496 = tpu.vector_load %arg12[%swap3A_494, %swap3A_495] {strides = array<i32>} : memref<32x256xf32, #tpu.memory_space<vmem>>, vector<16xf32>,
          tpu.vector_store %arg12[%swap3A_494, %swap3A_495], %add3A_493 {strides = array<i32>} : memref<32x256xf32, #tpu.memory_space<vmem>>, vector<16xf32>,
        }
        %scan3A_231 = arith.constant 32 : i32
        %sub3A_232 = arith.subi %scan3A_76, %mul3A_168 : i32
        %min3A = arith.constant 32 : i32
        %min3A_233 = arith.minsi %min3A, %sub3A_232 : i32
        %while3A_234 = arith.constant 0 : i32
        %while3A_235 = arith.constant 0 : i32
        %while3A_236 = arith.subi %min3A_233, %while3A_235 : i32
        %while3A_237 = arith.addi %while3A_235, %while3A_236 : i32
        %while3A_238 = arith.constant 1 : i32
        %while3A_239 = arith.divsi %while3A_236, %while3A_238 : i32
        %while3A_240 = arith.muli %while3A_239, %while3A_238 : i32
        %while3A_241 = arith.addi %while3A_235, %while3A_240 : i32
        %while3A_242 = arith.constant 1 : i32
        scf.for %while3A_248 = %while3A_235 to %while3A_241 step %while3A_242  : i32 {
          %get3A_249 = arith.index_cast %while3A_248 : i32 to index
          %get3A_250 = tpu.vector_load %arg14[%get3A_249] {strides = array<i32>} : memref<48xi32, #tpu.memory_space<vmem>>, vector<16xi32>,
          %slice3A_251 = vector.extract_strided_slice %get3A_250 {offsets = [0], sizes = [1], strides = [1]} : vector<16xi32> to vector<1xi32>
          %squeeze3A_252 = vector.extract %slice3A_251[0] : i32 from vector<1xi32>
          %swap3A_253 = arith.index_cast %squeeze3A_252 : i32 to index
          %swap3A_254 = arith.constant 0 : index
          %swap3A_255 = tpu.vector_load %arg9[%swap3A_253, %swap3A_254] {strides = array<i32>} : memref<193x256xf32, #tpu.memory_space<vmem>>, vector<16xf32>,
          tpu.vector_store %arg9[%swap3A_253, %swap3A_254], %broadcast_in_dim3A_5 {strides = array<i32>} : memref<193x256xf32, #tpu.memory_space<vmem>>, vector<16xf32>,
          %swap3A_256 = arith.index_cast %squeeze3A_252 : i32 to index
          %swap3A_257 = arith.constant 16 : index
          %swap3A_258 = tpu.vector_load %arg9[%swap3A_256, %swap3A_257] {strides = array<i32>} : memref<193x256xf32, #tpu.memory_space<vmem>>, vector<16xf32>,
          tpu.vector_store %arg9[%swap3A_256, %swap3A_257], %broadcast_in_dim3A_5 {strides = array<i32>} : memref<193x256xf32, #tpu.memory_space<vmem>>, vector<16xf32>,
          %swap3A_259 = arith.index_cast %squeeze3A_252 : i32 to index
          %swap3A_260 = arith.constant 32 : index
          %swap3A_261 = tpu.vector_load %arg9[%swap3A_259, %swap3A_260] {strides = array<i32>} : memref<193x256xf32, #tpu.memory_space<vmem>>, vector<16xf32>,
          tpu.vector_store %arg9[%swap3A_259, %swap3A_260], %broadcast_in_dim3A_5 {strides = array<i32>} : memref<193x256xf32, #tpu.memory_space<vmem>>, vector<16xf32>,
          %swap3A_262 = arith.index_cast %squeeze3A_252 : i32 to index
          %swap3A_263 = arith.constant 48 : index
          %swap3A_264 = tpu.vector_load %arg9[%swap3A_262, %swap3A_263] {strides = array<i32>} : memref<193x256xf32, #tpu.memory_space<vmem>>, vector<16xf32>,
          tpu.vector_store %arg9[%swap3A_262, %swap3A_263], %broadcast_in_dim3A_5 {strides = array<i32>} : memref<193x256xf32, #tpu.memory_space<vmem>>, vector<16xf32>,
          %swap3A_265 = arith.index_cast %squeeze3A_252 : i32 to index
          %swap3A_266 = arith.constant 64 : index
          %swap3A_267 = tpu.vector_load %arg9[%swap3A_265, %swap3A_266] {strides = array<i32>} : memref<193x256xf32, #tpu.memory_space<vmem>>, vector<16xf32>,
          tpu.vector_store %arg9[%swap3A_265, %swap3A_266], %broadcast_in_dim3A_5 {strides = array<i32>} : memref<193x256xf32, #tpu.memory_space<vmem>>, vector<16xf32>,
          %swap3A_268 = arith.index_cast %squeeze3A_252 : i32 to index
          %swap3A_269 = arith.constant 80 : index
          %swap3A_270 = tpu.vector_load %arg9[%swap3A_268, %swap3A_269] {strides = array<i32>} : memref<193x256xf32, #tpu.memory_space<vmem>>, vector<16xf32>,
          tpu.vector_store %arg9[%swap3A_268, %swap3A_269], %broadcast_in_dim3A_5 {strides = array<i32>} : memref<193x256xf32, #tpu.memory_space<vmem>>, vector<16xf32>,
          %swap3A_271 = arith.index_cast %squeeze3A_252 : i32 to index
          %swap3A_272 = arith.constant 96 : index
          %swap3A_273 = tpu.vector_load %arg9[%swap3A_271, %swap3A_272] {strides = array<i32>} : memref<193x256xf32, #tpu.memory_space<vmem>>, vector<16xf32>,
          tpu.vector_store %arg9[%swap3A_271, %swap3A_272], %broadcast_in_dim3A_5 {strides = array<i32>} : memref<193x256xf32, #tpu.memory_space<vmem>>, vector<16xf32>,
          %swap3A_274 = arith.index_cast %squeeze3A_252 : i32 to index
          %swap3A_275 = arith.constant 112 : index
          %swap3A_276 = tpu.vector_load %arg9[%swap3A_274, %swap3A_275] {strides = array<i32>} : memref<193x256xf32, #tpu.memory_space<vmem>>, vector<16xf32>,
          tpu.vector_store %arg9[%swap3A_274, %swap3A_275], %broadcast_in_dim3A_5 {strides = array<i32>} : memref<193x256xf32, #tpu.memory_space<vmem>>, vector<16xf32>,
          %swap3A_277 = arith.index_cast %squeeze3A_252 : i32 to index
          %swap3A_278 = arith.constant 128 : index
          %swap3A_279 = tpu.vector_load %arg9[%swap3A_277, %swap3A_278] {strides = array<i32>} : memref<193x256xf32, #tpu.memory_space<vmem>>, vector<16xf32>,
          tpu.vector_store %arg9[%swap3A_277, %swap3A_278], %broadcast_in_dim3A_5 {strides = array<i32>} : memref<193x256xf32, #tpu.memory_space<vmem>>, vector<16xf32>,
          %swap3A_280 = arith.index_cast %squeeze3A_252 : i32 to index
          %swap3A_281 = arith.constant 144 : index
          %swap3A_282 = tpu.vector_load %arg9[%swap3A_280, %swap3A_281] {strides = array<i32>} : memref<193x256xf32, #tpu.memory_space<vmem>>, vector<16xf32>,
          tpu.vector_store %arg9[%swap3A_280, %swap3A_281], %broadcast_in_dim3A_5 {strides = array<i32>} : memref<193x256xf32, #tpu.memory_space<vmem>>, vector<16xf32>,
          %swap3A_283 = arith.index_cast %squeeze3A_252 : i32 to index
          %swap3A_284 = arith.constant 160 : index
          %swap3A_285 = tpu.vector_load %arg9[%swap3A_283, %swap3A_284] {strides = array<i32>} : memref<193x256xf32, #tpu.memory_space<vmem>>, vector<16xf32>,
          tpu.vector_store %arg9[%swap3A_283, %swap3A_284], %broadcast_in_dim3A_5 {strides = array<i32>} : memref<193x256xf32, #tpu.memory_space<vmem>>, vector<16xf32>,
          %swap3A_286 = arith.index_cast %squeeze3A_252 : i32 to index
          %swap3A_287 = arith.constant 176 : index
          %swap3A_288 = tpu.vector_load %arg9[%swap3A_286, %swap3A_287] {strides = array<i32>} : memref<193x256xf32, #tpu.memory_space<vmem>>, vector<16xf32>,
          tpu.vector_store %arg9[%swap3A_286, %swap3A_287], %broadcast_in_dim3A_5 {strides = array<i32>} : memref<193x256xf32, #tpu.memory_space<vmem>>, vector<16xf32>,
          %swap3A_289 = arith.index_cast %squeeze3A_252 : i32 to index
          %swap3A_290 = arith.constant 192 : index
          %swap3A_291 = tpu.vector_load %arg9[%swap3A_289, %swap3A_290] {strides = array<i32>} : memref<193x256xf32, #tpu.memory_space<vmem>>, vector<16xf32>,
          tpu.vector_store %arg9[%swap3A_289, %swap3A_290], %broadcast_in_dim3A_5 {strides = array<i32>} : memref<193x256xf32, #tpu.memory_space<vmem>>, vector<16xf32>,
          %swap3A_292 = arith.index_cast %squeeze3A_252 : i32 to index
          %swap3A_293 = arith.constant 208 : index
          %swap3A_294 = tpu.vector_load %arg9[%swap3A_292, %swap3A_293] {strides = array<i32>} : memref<193x256xf32, #tpu.memory_space<vmem>>, vector<16xf32>,
          tpu.vector_store %arg9[%swap3A_292, %swap3A_293], %broadcast_in_dim3A_5 {strides = array<i32>} : memref<193x256xf32, #tpu.memory_space<vmem>>, vector<16xf32>,
          %swap3A_295 = arith.index_cast %squeeze3A_252 : i32 to index
          %swap3A_296 = arith.constant 224 : index
          %swap3A_297 = tpu.vector_load %arg9[%swap3A_295, %swap3A_296] {strides = array<i32>} : memref<193x256xf32, #tpu.memory_space<vmem>>, vector<16xf32>,
          tpu.vector_store %arg9[%swap3A_295, %swap3A_296], %broadcast_in_dim3A_5 {strides = array<i32>} : memref<193x256xf32, #tpu.memory_space<vmem>>, vector<16xf32>,
          %swap3A_298 = arith.index_cast %squeeze3A_252 : i32 to index
          %swap3A_299 = arith.constant 240 : index
          %swap3A_300 = tpu.vector_load %arg9[%swap3A_298, %swap3A_299] {strides = array<i32>} : memref<193x256xf32, #tpu.memory_space<vmem>>, vector<16xf32>,
          tpu.vector_store %arg9[%swap3A_298, %swap3A_299], %broadcast_in_dim3A_5 {strides = array<i32>} : memref<193x256xf32, #tpu.memory_space<vmem>>, vector<16xf32>,
          %mul3A_301 = arith.constant 16 : i32
          %mul3A_302 = arith.muli %squeeze3A_252, %mul3A_301 : i32
          %swap3A_303 = arith.index_cast %mul3A_302 : i32 to index
          %swap3A_304 = tpu.vector_load %arg10[%swap3A_303] {strides = array<i32>} : memref<3088xf32, #tpu.memory_space<vmem>>, vector<16xf32>,
          tpu.vector_store %arg10[%swap3A_303], %broadcast_in_dim3A_5 {strides = array<i32>} : memref<3088xf32, #tpu.memory_space<vmem>>, vector<16xf32>,
        }
        %while3A_243 = arith.constant 1 : i32
        scf.for %while3A_248 = %while3A_241 to %while3A_237 step %while3A_243  : i32 {
          %get3A_249 = arith.index_cast %while3A_248 : i32 to index
          %get3A_250 = tpu.vector_load %arg14[%get3A_249] {strides = array<i32>} : memref<48xi32, #tpu.memory_space<vmem>>, vector<16xi32>,
          %slice3A_251 = vector.extract_strided_slice %get3A_250 {offsets = [0], sizes = [1], strides = [1]} : vector<16xi32> to vector<1xi32>
          %squeeze3A_252 = vector.extract %slice3A_251[0] : i32 from vector<1xi32>
          %swap3A_253 = arith.index_cast %squeeze3A_252 : i32 to index
          %swap3A_254 = arith.constant 0 : index
          %swap3A_255 = tpu.vector_load %arg9[%swap3A_253, %swap3A_254] {strides = array<i32>} : memref<193x256xf32, #tpu.memory_space<vmem>>, vector<16xf32>,
          tpu.vector_store %arg9[%swap3A_253, %swap3A_254], %broadcast_in_dim3A_5 {strides = array<i32>} : memref<193x256xf32, #tpu.memory_space<vmem>>, vector<16xf32>,
          %swap3A_256 = arith.index_cast %squeeze3A_252 : i32 to index
          %swap3A_257 = arith.constant 16 : index
          %swap3A_258 = tpu.vector_load %arg9[%swap3A_256, %swap3A_257] {strides = array<i32>} : memref<193x256xf32, #tpu.memory_space<vmem>>, vector<16xf32>,
          tpu.vector_store %arg9[%swap3A_256, %swap3A_257], %broadcast_in_dim3A_5 {strides = array<i32>} : memref<193x256xf32, #tpu.memory_space<vmem>>, vector<16xf32>,
          %swap3A_259 = arith.index_cast %squeeze3A_252 : i32 to index
          %swap3A_260 = arith.constant 32 : index
          %swap3A_261 = tpu.vector_load %arg9[%swap3A_259, %swap3A_260] {strides = array<i32>} : memref<193x256xf32, #tpu.memory_space<vmem>>, vector<16xf32>,
          tpu.vector_store %arg9[%swap3A_259, %swap3A_260], %broadcast_in_dim3A_5 {strides = array<i32>} : memref<193x256xf32, #tpu.memory_space<vmem>>, vector<16xf32>,
          %swap3A_262 = arith.index_cast %squeeze3A_252 : i32 to index
          %swap3A_263 = arith.constant 48 : index
          %swap3A_264 = tpu.vector_load %arg9[%swap3A_262, %swap3A_263] {strides = array<i32>} : memref<193x256xf32, #tpu.memory_space<vmem>>, vector<16xf32>,
          tpu.vector_store %arg9[%swap3A_262, %swap3A_263], %broadcast_in_dim3A_5 {strides = array<i32>} : memref<193x256xf32, #tpu.memory_space<vmem>>, vector<16xf32>,
          %swap3A_265 = arith.index_cast %squeeze3A_252 : i32 to index
          %swap3A_266 = arith.constant 64 : index
          %swap3A_267 = tpu.vector_load %arg9[%swap3A_265, %swap3A_266] {strides = array<i32>} : memref<193x256xf32, #tpu.memory_space<vmem>>, vector<16xf32>,
          tpu.vector_store %arg9[%swap3A_265, %swap3A_266], %broadcast_in_dim3A_5 {strides = array<i32>} : memref<193x256xf32, #tpu.memory_space<vmem>>, vector<16xf32>,
          %swap3A_268 = arith.index_cast %squeeze3A_252 : i32 to index
          %swap3A_269 = arith.constant 80 : index
          %swap3A_270 = tpu.vector_load %arg9[%swap3A_268, %swap3A_269] {strides = array<i32>} : memref<193x256xf32, #tpu.memory_space<vmem>>, vector<16xf32>,
          tpu.vector_store %arg9[%swap3A_268, %swap3A_269], %broadcast_in_dim3A_5 {strides = array<i32>} : memref<193x256xf32, #tpu.memory_space<vmem>>, vector<16xf32>,
          %swap3A_271 = arith.index_cast %squeeze3A_252 : i32 to index
          %swap3A_272 = arith.constant 96 : index
          %swap3A_273 = tpu.vector_load %arg9[%swap3A_271, %swap3A_272] {strides = array<i32>} : memref<193x256xf32, #tpu.memory_space<vmem>>, vector<16xf32>,
          tpu.vector_store %arg9[%swap3A_271, %swap3A_272], %broadcast_in_dim3A_5 {strides = array<i32>} : memref<193x256xf32, #tpu.memory_space<vmem>>, vector<16xf32>,
          %swap3A_274 = arith.index_cast %squeeze3A_252 : i32 to index
          %swap3A_275 = arith.constant 112 : index
          %swap3A_276 = tpu.vector_load %arg9[%swap3A_274, %swap3A_275] {strides = array<i32>} : memref<193x256xf32, #tpu.memory_space<vmem>>, vector<16xf32>,
          tpu.vector_store %arg9[%swap3A_274, %swap3A_275], %broadcast_in_dim3A_5 {strides = array<i32>} : memref<193x256xf32, #tpu.memory_space<vmem>>, vector<16xf32>,
          %swap3A_277 = arith.index_cast %squeeze3A_252 : i32 to index
          %swap3A_278 = arith.constant 128 : index
          %swap3A_279 = tpu.vector_load %arg9[%swap3A_277, %swap3A_278] {strides = array<i32>} : memref<193x256xf32, #tpu.memory_space<vmem>>, vector<16xf32>,
          tpu.vector_store %arg9[%swap3A_277, %swap3A_278], %broadcast_in_dim3A_5 {strides = array<i32>} : memref<193x256xf32, #tpu.memory_space<vmem>>, vector<16xf32>,
          %swap3A_280 = arith.index_cast %squeeze3A_252 : i32 to index
          %swap3A_281 = arith.constant 144 : index
          %swap3A_282 = tpu.vector_load %arg9[%swap3A_280, %swap3A_281] {strides = array<i32>} : memref<193x256xf32, #tpu.memory_space<vmem>>, vector<16xf32>,
          tpu.vector_store %arg9[%swap3A_280, %swap3A_281], %broadcast_in_dim3A_5 {strides = array<i32>} : memref<193x256xf32, #tpu.memory_space<vmem>>, vector<16xf32>,
          %swap3A_283 = arith.index_cast %squeeze3A_252 : i32 to index
          %swap3A_284 = arith.constant 160 : index
          %swap3A_285 = tpu.vector_load %arg9[%swap3A_283, %swap3A_284] {strides = array<i32>} : memref<193x256xf32, #tpu.memory_space<vmem>>, vector<16xf32>,
          tpu.vector_store %arg9[%swap3A_283, %swap3A_284], %broadcast_in_dim3A_5 {strides = array<i32>} : memref<193x256xf32, #tpu.memory_space<vmem>>, vector<16xf32>,
          %swap3A_286 = arith.index_cast %squeeze3A_252 : i32 to index
          %swap3A_287 = arith.constant 176 : index
          %swap3A_288 = tpu.vector_load %arg9[%swap3A_286, %swap3A_287] {strides = array<i32>} : memref<193x256xf32, #tpu.memory_space<vmem>>, vector<16xf32>,
          tpu.vector_store %arg9[%swap3A_286, %swap3A_287], %broadcast_in_dim3A_5 {strides = array<i32>} : memref<193x256xf32, #tpu.memory_space<vmem>>, vector<16xf32>,
          %swap3A_289 = arith.index_cast %squeeze3A_252 : i32 to index
          %swap3A_290 = arith.constant 192 : index
          %swap3A_291 = tpu.vector_load %arg9[%swap3A_289, %swap3A_290] {strides = array<i32>} : memref<193x256xf32, #tpu.memory_space<vmem>>, vector<16xf32>,
          tpu.vector_store %arg9[%swap3A_289, %swap3A_290], %broadcast_in_dim3A_5 {strides = array<i32>} : memref<193x256xf32, #tpu.memory_space<vmem>>, vector<16xf32>,
          %swap3A_292 = arith.index_cast %squeeze3A_252 : i32 to index
          %swap3A_293 = arith.constant 208 : index
          %swap3A_294 = tpu.vector_load %arg9[%swap3A_292, %swap3A_293] {strides = array<i32>} : memref<193x256xf32, #tpu.memory_space<vmem>>, vector<16xf32>,
          tpu.vector_store %arg9[%swap3A_292, %swap3A_293], %broadcast_in_dim3A_5 {strides = array<i32>} : memref<193x256xf32, #tpu.memory_space<vmem>>, vector<16xf32>,
          %swap3A_295 = arith.index_cast %squeeze3A_252 : i32 to index
          %swap3A_296 = arith.constant 224 : index
          %swap3A_297 = tpu.vector_load %arg9[%swap3A_295, %swap3A_296] {strides = array<i32>} : memref<193x256xf32, #tpu.memory_space<vmem>>, vector<16xf32>,
          tpu.vector_store %arg9[%swap3A_295, %swap3A_296], %broadcast_in_dim3A_5 {strides = array<i32>} : memref<193x256xf32, #tpu.memory_space<vmem>>, vector<16xf32>,
          %swap3A_298 = arith.index_cast %squeeze3A_252 : i32 to index
          %swap3A_299 = arith.constant 240 : index
          %swap3A_300 = tpu.vector_load %arg9[%swap3A_298, %swap3A_299] {strides = array<i32>} : memref<193x256xf32, #tpu.memory_space<vmem>>, vector<16xf32>,
          tpu.vector_store %arg9[%swap3A_298, %swap3A_299], %broadcast_in_dim3A_5 {strides = array<i32>} : memref<193x256xf32, #tpu.memory_space<vmem>>, vector<16xf32>,
          %mul3A_301 = arith.constant 16 : i32
          %mul3A_302 = arith.muli %squeeze3A_252, %mul3A_301 : i32
          %swap3A_303 = arith.index_cast %mul3A_302 : i32 to index
          %swap3A_304 = tpu.vector_load %arg10[%swap3A_303] {strides = array<i32>} : memref<3088xf32, #tpu.memory_space<vmem>>, vector<16xf32>,
          tpu.vector_store %arg10[%swap3A_303], %broadcast_in_dim3A_5 {strides = array<i32>} : memref<3088xf32, #tpu.memory_space<vmem>>, vector<16xf32>,
        }
        %dma_start3A_244 = arith.constant 0 : i32
        %dma_start3A_245 = arith.constant 0 : i32
        %dma_start3A_246 = tpu.memref_slice %arg4[%dma_start3A_244, %dma_start3A_245] : memref<100000x256xf32, #tpu.memory_space<hbm>> -> memref<100000x256xf32, #tpu.memory_space<hbm>>
        tpu.enqueue_indirect_dma source(%arg12 : memref<32x256xf32, #tpu.memory_space<vmem>>) target(%dma_start3A_246 : memref<100000x256xf32, #tpu.memory_space<hbm>>) offsets(%arg15 : memref<32xi32, #tpu.memory_space<vmem>>) semaphore(%arg20 : memref<!tpu.dma_semaphore, #tpu.memory_space<semaphore_mem>>)
        %while3A_247 = arith.constant 1 : i32
        scf.yield %while3A_247 : i32
      }
      %while3A_98 = arith.constant 1 : i32
      %while3A_99 = scf.for %while3A_165 = %while3A_95 to %while3A_91 step %while3A_98 iter_args(%while3A_166 = %while3A_97) -> (i32)  : i32 {
        %mul3A_167 = arith.constant 32 : i32
        %mul3A_168 = arith.muli %while3A_165, %mul3A_167 : i32
        %gt3A_169 = arith.constant 0 : i32
        %gt3A_170 = arith.cmpi sgt, %while3A_166, %gt3A_169 : i32
        %convert_element_type3A_171 = arith.extui %gt3A_170 : i1 to i32
        %cond3A_172 = arith.constant 0 : i32
        %cond3A_173 = arith.cmpi ne, %convert_element_type3A_171, %cond3A_172 : i32
        scf.if %cond3A_173 {
          %dma_wait3A_248 = arith.constant 0 : i32
          %dma_wait3A_249 = arith.constant 0 : i32
          %dma_wait3A_250 = tpu.memref_slice %arg4[%dma_wait3A_248, %dma_wait3A_249] : memref<100000x256xf32, #tpu.memory_space<hbm>> -> memref<100000x256xf32, #tpu.memory_space<hbm>>
          tpu.wait_indirect_dma semaphore(%arg20 : memref<!tpu.dma_semaphore, #tpu.memory_space<semaphore_mem>>) src(%arg12 : memref<32x256xf32, #tpu.memory_space<vmem>>) dst(%dma_wait3A_250 : memref<100000x256xf32, #tpu.memory_space<hbm>>)
        } else {
        }
        %add3A_174 = arith.constant 0 : i32
        %add3A_175 = arith.addi %mul3A_168, %add3A_174 : i32
        %add3A_176 = vector.broadcast %add3A_175 : i32 to vector<16xi32>
        %add3A_177 = arith.addi %add3A_176, %iota3A : vector<16xi32>
        %lt3A = vector.broadcast %scan3A_76 : i32 to vector<16xi32>
        %lt3A_178 = arith.cmpi slt, %add3A_177, %lt3A : vector<16xi32>
        %get3A_179 = arith.index_cast %add3A_175 : i32 to index
        %get3A_180 = tpu.vector_load %arg17[%get3A_179] {strides = array<i32>} : memref<224xi32, #tpu.memory_space<vmem>>, vector<16xi32>,
        %broadcast_in_dim3A_181 = vector.broadcast %squeeze3A : i32 to vector<16xi32>
        %select_n3A_182 = arith.select %lt3A_178, %get3A_180, %broadcast_in_dim3A_181 : vector<16xi1>, vector<16xi32>
        %get3A_183 = arith.index_cast %add3A_175 : i32 to index
        %get3A_184 = tpu.vector_load %arg18[%get3A_183] {strides = array<i32>} : memref<224xf32, #tpu.memory_space<vmem>>, vector<16xf32>,
        %broadcast_in_dim3A_185 = vector.broadcast %squeeze3A_84 : f32 to vector<16xf32>
        %select_n3A_186 = arith.select %lt3A_178, %get3A_184, %broadcast_in_dim3A_185 : vector<16xi1>, vector<16xf32>
        %swap3A_187 = arith.constant 0 : index
        %swap3A_188 = tpu.vector_load %arg14[%swap3A_187] {strides = array<i32>} : memref<48xi32, #tpu.memory_space<vmem>>, vector<16xi32>,
        tpu.vector_store %arg14[%swap3A_187], %select_n3A_182 {strides = array<i32>} : memref<48xi32, #tpu.memory_space<vmem>>, vector<16xi32>,
        %add3A_189 = vector.broadcast %add3A_70 : i32 to vector<16xi32>
        %add3A_190 = arith.addi %add3A_189, %select_n3A_182 : vector<16xi32>
        %swap3A_191 = arith.constant 0 : index
        %swap3A_192 = tpu.vector_load %arg15[%swap3A_191] {strides = array<i32>} : memref<32xi32, #tpu.memory_space<vmem>>, vector<16xi32>,
        tpu.vector_store %arg15[%swap3A_191], %add3A_190 {strides = array<i32>} : memref<32xi32, #tpu.memory_space<vmem>>, vector<16xi32>,
        %div3A = arith.constant 1.000000e-01 : f32
        %div3A_193 = vector.broadcast %div3A : f32 to vector<16xf32>
        %div3A_194 = arith.divf %div3A_193, %select_n3A_186 : vector<16xf32>
        %swap3A_195 = arith.constant 0 : index
        %swap3A_196 = tpu.vector_load %arg16[%swap3A_195] {strides = array<i32>} : memref<48xf32, #tpu.memory_space<vmem>>, vector<16xf32>,
        tpu.vector_store %arg16[%swap3A_195], %div3A_194 {strides = array<i32>} : memref<48xf32, #tpu.memory_space<vmem>>, vector<16xf32>,
        %add3A_197 = arith.constant 16 : i32
        %add3A_198 = arith.addi %mul3A_168, %add3A_197 : i32
        %add3A_199 = vector.broadcast %add3A_198 : i32 to vector<16xi32>
        %add3A_200 = arith.addi %add3A_199, %iota3A : vector<16xi32>
        %lt3A_201 = vector.broadcast %scan3A_76 : i32 to vector<16xi32>
        %lt3A_202 = arith.cmpi slt, %add3A_200, %lt3A_201 : vector<16xi32>
        %get3A_203 = arith.index_cast %add3A_198 : i32 to index
        %get3A_204 = tpu.vector_load %arg17[%get3A_203] {strides = array<i32>} : memref<224xi32, #tpu.memory_space<vmem>>, vector<16xi32>,
        %broadcast_in_dim3A_205 = vector.broadcast %squeeze3A : i32 to vector<16xi32>
        %select_n3A_206 = arith.select %lt3A_202, %get3A_204, %broadcast_in_dim3A_205 : vector<16xi1>, vector<16xi32>
        %get3A_207 = arith.index_cast %add3A_198 : i32 to index
        %get3A_208 = tpu.vector_load %arg18[%get3A_207] {strides = array<i32>} : memref<224xf32, #tpu.memory_space<vmem>>, vector<16xf32>,
        %broadcast_in_dim3A_209 = vector.broadcast %squeeze3A_84 : f32 to vector<16xf32>
        %select_n3A_210 = arith.select %lt3A_202, %get3A_208, %broadcast_in_dim3A_209 : vector<16xi1>, vector<16xf32>
        %swap3A_211 = arith.constant 16 : index
        %swap3A_212 = tpu.vector_load %arg14[%swap3A_211] {strides = array<i32>} : memref<48xi32, #tpu.memory_space<vmem>>, vector<16xi32>,
        tpu.vector_store %arg14[%swap3A_211], %select_n3A_206 {strides = array<i32>} : memref<48xi32, #tpu.memory_space<vmem>>, vector<16xi32>,
        %add3A_213 = vector.broadcast %add3A_70 : i32 to vector<16xi32>
        %add3A_214 = arith.addi %add3A_213, %select_n3A_206 : vector<16xi32>
        %swap3A_215 = arith.constant 16 : index
        %swap3A_216 = tpu.vector_load %arg15[%swap3A_215] {strides = array<i32>} : memref<32xi32, #tpu.memory_space<vmem>>, vector<16xi32>,
        tpu.vector_store %arg15[%swap3A_215], %add3A_214 {strides = array<i32>} : memref<32xi32, #tpu.memory_space<vmem>>, vector<16xi32>,
        %div3A_217 = arith.constant 1.000000e-01 : f32
        %div3A_218 = vector.broadcast %div3A_217 : f32 to vector<16xf32>
        %div3A_219 = arith.divf %div3A_218, %select_n3A_210 : vector<16xf32>
        %swap3A_220 = arith.constant 16 : index
        %swap3A_221 = tpu.vector_load %arg16[%swap3A_220] {strides = array<i32>} : memref<48xf32, #tpu.memory_space<vmem>>, vector<16xf32>,
        tpu.vector_store %arg16[%swap3A_220], %div3A_219 {strides = array<i32>} : memref<48xf32, #tpu.memory_space<vmem>>, vector<16xf32>,
        %dma_start3A = arith.constant 0 : i32
        %dma_start3A_222 = arith.constant 0 : i32
        %dma_start3A_223 = tpu.memref_slice %arg4[%dma_start3A, %dma_start3A_222] : memref<100000x256xf32, #tpu.memory_space<hbm>> -> memref<100000x256xf32, #tpu.memory_space<hbm>>
        tpu.enqueue_indirect_dma source(%dma_start3A_223 : memref<100000x256xf32, #tpu.memory_space<hbm>>) target(%arg12 : memref<32x256xf32, #tpu.memory_space<vmem>>) offsets(%arg15 : memref<32xi32, #tpu.memory_space<vmem>>) semaphore(%arg19 : memref<!tpu.dma_semaphore, #tpu.memory_space<semaphore_mem>>)
        %dma_wait3A = arith.constant 0 : i32
        %dma_wait3A_224 = arith.constant 0 : i32
        %dma_wait3A_225 = tpu.memref_slice %arg4[%dma_wait3A, %dma_wait3A_224] : memref<100000x256xf32, #tpu.memory_space<hbm>> -> memref<100000x256xf32, #tpu.memory_space<hbm>>
        tpu.wait_indirect_dma semaphore(%arg19 : memref<!tpu.dma_semaphore, #tpu.memory_space<semaphore_mem>>) src(%dma_wait3A_225 : memref<100000x256xf32, #tpu.memory_space<hbm>>) dst(%arg12 : memref<32x256xf32, #tpu.memory_space<vmem>>)
        %scan3A_226 = arith.constant 0 : i32
        %scan3A_227 = arith.constant 0 : i32
        %scan3A_228 = arith.constant 32 : i32
        %scan3A_229 = arith.addi %scan3A_227, %scan3A_228 : i32
        %scan3A_230 = arith.constant 1 : i32
        scf.for %scan3A_248 = %scan3A_227 to %scan3A_229 step %scan3A_230  : i32 {
          %get3A_249 = arith.index_cast %scan3A_248 : i32 to index
          %get3A_250 = tpu.vector_load %arg14[%get3A_249] {strides = array<i32>} : memref<48xi32, #tpu.memory_space<vmem>>, vector<16xi32>,
          %slice3A_251 = vector.extract_strided_slice %get3A_250 {offsets = [0], sizes = [1], strides = [1]} : vector<16xi32> to vector<1xi32>
          %squeeze3A_252 = vector.extract %slice3A_251[0] : i32 from vector<1xi32>
          %get3A_253 = arith.index_cast %scan3A_248 : i32 to index
          %get3A_254 = tpu.vector_load %arg16[%get3A_253] {strides = array<i32>} : memref<48xf32, #tpu.memory_space<vmem>>, vector<16xf32>,
          %slice3A_255 = vector.extract_strided_slice %get3A_254 {offsets = [0], sizes = [1], strides = [1]} : vector<16xf32> to vector<1xf32>
          %squeeze3A_256 = vector.extract %slice3A_255[0] : f32 from vector<1xf32>
          %get3A_257 = arith.index_cast %scan3A_248 : i32 to index
          %get3A_258 = arith.constant 0 : index
          %get3A_259 = tpu.vector_load %arg12[%get3A_257, %get3A_258] {strides = array<i32>} : memref<32x256xf32, #tpu.memory_space<vmem>>, vector<16xf32>,
          %get3A_260 = arith.index_cast %squeeze3A_252 : i32 to index
          %get3A_261 = arith.constant 0 : index
          %get3A_262 = tpu.vector_load %arg9[%get3A_260, %get3A_261] {strides = array<i32>} : memref<193x256xf32, #tpu.memory_space<vmem>>, vector<16xf32>,
          %mul3A_263 = arith.constant 0.899999976 : f32
          %mul3A_264 = vector.broadcast %mul3A_263 : f32 to vector<16xf32>
          %mul3A_265 = arith.mulf %get3A_259, %mul3A_264 : vector<16xf32>
          %mul3A_266 = vector.broadcast %squeeze3A_256 : f32 to vector<16xf32>
          %mul3A_267 = arith.mulf %get3A_262, %mul3A_266 : vector<16xf32>
          %add3A_268 = arith.addf %mul3A_265, %mul3A_267 : vector<16xf32>
          %swap3A_269 = arith.index_cast %scan3A_248 : i32 to index
          %swap3A_270 = arith.constant 0 : index
          %swap3A_271 = tpu.vector_load %arg12[%swap3A_269, %swap3A_270] {strides = array<i32>} : memref<32x256xf32, #tpu.memory_space<vmem>>, vector<16xf32>,
          tpu.vector_store %arg12[%swap3A_269, %swap3A_270], %add3A_268 {strides = array<i32>} : memref<32x256xf32, #tpu.memory_space<vmem>>, vector<16xf32>,
          %get3A_272 = arith.index_cast %scan3A_248 : i32 to index
          %get3A_273 = arith.constant 16 : index
          %get3A_274 = tpu.vector_load %arg12[%get3A_272, %get3A_273] {strides = array<i32>} : memref<32x256xf32, #tpu.memory_space<vmem>>, vector<16xf32>,
          %get3A_275 = arith.index_cast %squeeze3A_252 : i32 to index
          %get3A_276 = arith.constant 16 : index
          %get3A_277 = tpu.vector_load %arg9[%get3A_275, %get3A_276] {strides = array<i32>} : memref<193x256xf32, #tpu.memory_space<vmem>>, vector<16xf32>,
          %mul3A_278 = arith.constant 0.899999976 : f32
          %mul3A_279 = vector.broadcast %mul3A_278 : f32 to vector<16xf32>
          %mul3A_280 = arith.mulf %get3A_274, %mul3A_279 : vector<16xf32>
          %mul3A_281 = vector.broadcast %squeeze3A_256 : f32 to vector<16xf32>
          %mul3A_282 = arith.mulf %get3A_277, %mul3A_281 : vector<16xf32>
          %add3A_283 = arith.addf %mul3A_280, %mul3A_282 : vector<16xf32>
          %swap3A_284 = arith.index_cast %scan3A_248 : i32 to index
          %swap3A_285 = arith.constant 16 : index
          %swap3A_286 = tpu.vector_load %arg12[%swap3A_284, %swap3A_285] {strides = array<i32>} : memref<32x256xf32, #tpu.memory_space<vmem>>, vector<16xf32>,
          tpu.vector_store %arg12[%swap3A_284, %swap3A_285], %add3A_283 {strides = array<i32>} : memref<32x256xf32, #tpu.memory_space<vmem>>, vector<16xf32>,
          %get3A_287 = arith.index_cast %scan3A_248 : i32 to index
          %get3A_288 = arith.constant 32 : index
          %get3A_289 = tpu.vector_load %arg12[%get3A_287, %get3A_288] {strides = array<i32>} : memref<32x256xf32, #tpu.memory_space<vmem>>, vector<16xf32>,
          %get3A_290 = arith.index_cast %squeeze3A_252 : i32 to index
          %get3A_291 = arith.constant 32 : index
          %get3A_292 = tpu.vector_load %arg9[%get3A_290, %get3A_291] {strides = array<i32>} : memref<193x256xf32, #tpu.memory_space<vmem>>, vector<16xf32>,
          %mul3A_293 = arith.constant 0.899999976 : f32
          %mul3A_294 = vector.broadcast %mul3A_293 : f32 to vector<16xf32>
          %mul3A_295 = arith.mulf %get3A_289, %mul3A_294 : vector<16xf32>
          %mul3A_296 = vector.broadcast %squeeze3A_256 : f32 to vector<16xf32>
          %mul3A_297 = arith.mulf %get3A_292, %mul3A_296 : vector<16xf32>
          %add3A_298 = arith.addf %mul3A_295, %mul3A_297 : vector<16xf32>
          %swap3A_299 = arith.index_cast %scan3A_248 : i32 to index
          %swap3A_300 = arith.constant 32 : index
          %swap3A_301 = tpu.vector_load %arg12[%swap3A_299, %swap3A_300] {strides = array<i32>} : memref<32x256xf32, #tpu.memory_space<vmem>>, vector<16xf32>,
          tpu.vector_store %arg12[%swap3A_299, %swap3A_300], %add3A_298 {strides = array<i32>} : memref<32x256xf32, #tpu.memory_space<vmem>>, vector<16xf32>,
          %get3A_302 = arith.index_cast %scan3A_248 : i32 to index
          %get3A_303 = arith.constant 48 : index
          %get3A_304 = tpu.vector_load %arg12[%get3A_302, %get3A_303] {strides = array<i32>} : memref<32x256xf32, #tpu.memory_space<vmem>>, vector<16xf32>,
          %get3A_305 = arith.index_cast %squeeze3A_252 : i32 to index
          %get3A_306 = arith.constant 48 : index
          %get3A_307 = tpu.vector_load %arg9[%get3A_305, %get3A_306] {strides = array<i32>} : memref<193x256xf32, #tpu.memory_space<vmem>>, vector<16xf32>,
          %mul3A_308 = arith.constant 0.899999976 : f32
          %mul3A_309 = vector.broadcast %mul3A_308 : f32 to vector<16xf32>
          %mul3A_310 = arith.mulf %get3A_304, %mul3A_309 : vector<16xf32>
          %mul3A_311 = vector.broadcast %squeeze3A_256 : f32 to vector<16xf32>
          %mul3A_312 = arith.mulf %get3A_307, %mul3A_311 : vector<16xf32>
          %add3A_313 = arith.addf %mul3A_310, %mul3A_312 : vector<16xf32>
          %swap3A_314 = arith.index_cast %scan3A_248 : i32 to index
          %swap3A_315 = arith.constant 48 : index
          %swap3A_316 = tpu.vector_load %arg12[%swap3A_314, %swap3A_315] {strides = array<i32>} : memref<32x256xf32, #tpu.memory_space<vmem>>, vector<16xf32>,
          tpu.vector_store %arg12[%swap3A_314, %swap3A_315], %add3A_313 {strides = array<i32>} : memref<32x256xf32, #tpu.memory_space<vmem>>, vector<16xf32>,
          %get3A_317 = arith.index_cast %scan3A_248 : i32 to index
          %get3A_318 = arith.constant 64 : index
          %get3A_319 = tpu.vector_load %arg12[%get3A_317, %get3A_318] {strides = array<i32>} : memref<32x256xf32, #tpu.memory_space<vmem>>, vector<16xf32>,
          %get3A_320 = arith.index_cast %squeeze3A_252 : i32 to index
          %get3A_321 = arith.constant 64 : index
          %get3A_322 = tpu.vector_load %arg9[%get3A_320, %get3A_321] {strides = array<i32>} : memref<193x256xf32, #tpu.memory_space<vmem>>, vector<16xf32>,
          %mul3A_323 = arith.constant 0.899999976 : f32
          %mul3A_324 = vector.broadcast %mul3A_323 : f32 to vector<16xf32>
          %mul3A_325 = arith.mulf %get3A_319, %mul3A_324 : vector<16xf32>
          %mul3A_326 = vector.broadcast %squeeze3A_256 : f32 to vector<16xf32>
          %mul3A_327 = arith.mulf %get3A_322, %mul3A_326 : vector<16xf32>
          %add3A_328 = arith.addf %mul3A_325, %mul3A_327 : vector<16xf32>
          %swap3A_329 = arith.index_cast %scan3A_248 : i32 to index
          %swap3A_330 = arith.constant 64 : index
          %swap3A_331 = tpu.vector_load %arg12[%swap3A_329, %swap3A_330] {strides = array<i32>} : memref<32x256xf32, #tpu.memory_space<vmem>>, vector<16xf32>,
          tpu.vector_store %arg12[%swap3A_329, %swap3A_330], %add3A_328 {strides = array<i32>} : memref<32x256xf32, #tpu.memory_space<vmem>>, vector<16xf32>,
          %get3A_332 = arith.index_cast %scan3A_248 : i32 to index
          %get3A_333 = arith.constant 80 : index
          %get3A_334 = tpu.vector_load %arg12[%get3A_332, %get3A_333] {strides = array<i32>} : memref<32x256xf32, #tpu.memory_space<vmem>>, vector<16xf32>,
          %get3A_335 = arith.index_cast %squeeze3A_252 : i32 to index
          %get3A_336 = arith.constant 80 : index
          %get3A_337 = tpu.vector_load %arg9[%get3A_335, %get3A_336] {strides = array<i32>} : memref<193x256xf32, #tpu.memory_space<vmem>>, vector<16xf32>,
          %mul3A_338 = arith.constant 0.899999976 : f32
          %mul3A_339 = vector.broadcast %mul3A_338 : f32 to vector<16xf32>
          %mul3A_340 = arith.mulf %get3A_334, %mul3A_339 : vector<16xf32>
          %mul3A_341 = vector.broadcast %squeeze3A_256 : f32 to vector<16xf32>
          %mul3A_342 = arith.mulf %get3A_337, %mul3A_341 : vector<16xf32>
          %add3A_343 = arith.addf %mul3A_340, %mul3A_342 : vector<16xf32>
          %swap3A_344 = arith.index_cast %scan3A_248 : i32 to index
          %swap3A_345 = arith.constant 80 : index
          %swap3A_346 = tpu.vector_load %arg12[%swap3A_344, %swap3A_345] {strides = array<i32>} : memref<32x256xf32, #tpu.memory_space<vmem>>, vector<16xf32>,
          tpu.vector_store %arg12[%swap3A_344, %swap3A_345], %add3A_343 {strides = array<i32>} : memref<32x256xf32, #tpu.memory_space<vmem>>, vector<16xf32>,
          %get3A_347 = arith.index_cast %scan3A_248 : i32 to index
          %get3A_348 = arith.constant 96 : index
          %get3A_349 = tpu.vector_load %arg12[%get3A_347, %get3A_348] {strides = array<i32>} : memref<32x256xf32, #tpu.memory_space<vmem>>, vector<16xf32>,
          %get3A_350 = arith.index_cast %squeeze3A_252 : i32 to index
          %get3A_351 = arith.constant 96 : index
          %get3A_352 = tpu.vector_load %arg9[%get3A_350, %get3A_351] {strides = array<i32>} : memref<193x256xf32, #tpu.memory_space<vmem>>, vector<16xf32>,
          %mul3A_353 = arith.constant 0.899999976 : f32
          %mul3A_354 = vector.broadcast %mul3A_353 : f32 to vector<16xf32>
          %mul3A_355 = arith.mulf %get3A_349, %mul3A_354 : vector<16xf32>
          %mul3A_356 = vector.broadcast %squeeze3A_256 : f32 to vector<16xf32>
          %mul3A_357 = arith.mulf %get3A_352, %mul3A_356 : vector<16xf32>
          %add3A_358 = arith.addf %mul3A_355, %mul3A_357 : vector<16xf32>
          %swap3A_359 = arith.index_cast %scan3A_248 : i32 to index
          %swap3A_360 = arith.constant 96 : index
          %swap3A_361 = tpu.vector_load %arg12[%swap3A_359, %swap3A_360] {strides = array<i32>} : memref<32x256xf32, #tpu.memory_space<vmem>>, vector<16xf32>,
          tpu.vector_store %arg12[%swap3A_359, %swap3A_360], %add3A_358 {strides = array<i32>} : memref<32x256xf32, #tpu.memory_space<vmem>>, vector<16xf32>,
          %get3A_362 = arith.index_cast %scan3A_248 : i32 to index
          %get3A_363 = arith.constant 112 : index
          %get3A_364 = tpu.vector_load %arg12[%get3A_362, %get3A_363] {strides = array<i32>} : memref<32x256xf32, #tpu.memory_space<vmem>>, vector<16xf32>,
          %get3A_365 = arith.index_cast %squeeze3A_252 : i32 to index
          %get3A_366 = arith.constant 112 : index
          %get3A_367 = tpu.vector_load %arg9[%get3A_365, %get3A_366] {strides = array<i32>} : memref<193x256xf32, #tpu.memory_space<vmem>>, vector<16xf32>,
          %mul3A_368 = arith.constant 0.899999976 : f32
          %mul3A_369 = vector.broadcast %mul3A_368 : f32 to vector<16xf32>
          %mul3A_370 = arith.mulf %get3A_364, %mul3A_369 : vector<16xf32>
          %mul3A_371 = vector.broadcast %squeeze3A_256 : f32 to vector<16xf32>
          %mul3A_372 = arith.mulf %get3A_367, %mul3A_371 : vector<16xf32>
          %add3A_373 = arith.addf %mul3A_370, %mul3A_372 : vector<16xf32>
          %swap3A_374 = arith.index_cast %scan3A_248 : i32 to index
          %swap3A_375 = arith.constant 112 : index
          %swap3A_376 = tpu.vector_load %arg12[%swap3A_374, %swap3A_375] {strides = array<i32>} : memref<32x256xf32, #tpu.memory_space<vmem>>, vector<16xf32>,
          tpu.vector_store %arg12[%swap3A_374, %swap3A_375], %add3A_373 {strides = array<i32>} : memref<32x256xf32, #tpu.memory_space<vmem>>, vector<16xf32>,
          %get3A_377 = arith.index_cast %scan3A_248 : i32 to index
          %get3A_378 = arith.constant 128 : index
          %get3A_379 = tpu.vector_load %arg12[%get3A_377, %get3A_378] {strides = array<i32>} : memref<32x256xf32, #tpu.memory_space<vmem>>, vector<16xf32>,
          %get3A_380 = arith.index_cast %squeeze3A_252 : i32 to index
          %get3A_381 = arith.constant 128 : index
          %get3A_382 = tpu.vector_load %arg9[%get3A_380, %get3A_381] {strides = array<i32>} : memref<193x256xf32, #tpu.memory_space<vmem>>, vector<16xf32>,
          %mul3A_383 = arith.constant 0.899999976 : f32
          %mul3A_384 = vector.broadcast %mul3A_383 : f32 to vector<16xf32>
          %mul3A_385 = arith.mulf %get3A_379, %mul3A_384 : vector<16xf32>
          %mul3A_386 = vector.broadcast %squeeze3A_256 : f32 to vector<16xf32>
          %mul3A_387 = arith.mulf %get3A_382, %mul3A_386 : vector<16xf32>
          %add3A_388 = arith.addf %mul3A_385, %mul3A_387 : vector<16xf32>
          %swap3A_389 = arith.index_cast %scan3A_248 : i32 to index
          %swap3A_390 = arith.constant 128 : index
          %swap3A_391 = tpu.vector_load %arg12[%swap3A_389, %swap3A_390] {strides = array<i32>} : memref<32x256xf32, #tpu.memory_space<vmem>>, vector<16xf32>,
          tpu.vector_store %arg12[%swap3A_389, %swap3A_390], %add3A_388 {strides = array<i32>} : memref<32x256xf32, #tpu.memory_space<vmem>>, vector<16xf32>,
          %get3A_392 = arith.index_cast %scan3A_248 : i32 to index
          %get3A_393 = arith.constant 144 : index
          %get3A_394 = tpu.vector_load %arg12[%get3A_392, %get3A_393] {strides = array<i32>} : memref<32x256xf32, #tpu.memory_space<vmem>>, vector<16xf32>,
          %get3A_395 = arith.index_cast %squeeze3A_252 : i32 to index
          %get3A_396 = arith.constant 144 : index
          %get3A_397 = tpu.vector_load %arg9[%get3A_395, %get3A_396] {strides = array<i32>} : memref<193x256xf32, #tpu.memory_space<vmem>>, vector<16xf32>,
          %mul3A_398 = arith.constant 0.899999976 : f32
          %mul3A_399 = vector.broadcast %mul3A_398 : f32 to vector<16xf32>
          %mul3A_400 = arith.mulf %get3A_394, %mul3A_399 : vector<16xf32>
          %mul3A_401 = vector.broadcast %squeeze3A_256 : f32 to vector<16xf32>
          %mul3A_402 = arith.mulf %get3A_397, %mul3A_401 : vector<16xf32>
          %add3A_403 = arith.addf %mul3A_400, %mul3A_402 : vector<16xf32>
          %swap3A_404 = arith.index_cast %scan3A_248 : i32 to index
          %swap3A_405 = arith.constant 144 : index
          %swap3A_406 = tpu.vector_load %arg12[%swap3A_404, %swap3A_405] {strides = array<i32>} : memref<32x256xf32, #tpu.memory_space<vmem>>, vector<16xf32>,
          tpu.vector_store %arg12[%swap3A_404, %swap3A_405], %add3A_403 {strides = array<i32>} : memref<32x256xf32, #tpu.memory_space<vmem>>, vector<16xf32>,
          %get3A_407 = arith.index_cast %scan3A_248 : i32 to index
          %get3A_408 = arith.constant 160 : index
          %get3A_409 = tpu.vector_load %arg12[%get3A_407, %get3A_408] {strides = array<i32>} : memref<32x256xf32, #tpu.memory_space<vmem>>, vector<16xf32>,
          %get3A_410 = arith.index_cast %squeeze3A_252 : i32 to index
          %get3A_411 = arith.constant 160 : index
          %get3A_412 = tpu.vector_load %arg9[%get3A_410, %get3A_411] {strides = array<i32>} : memref<193x256xf32, #tpu.memory_space<vmem>>, vector<16xf32>,
          %mul3A_413 = arith.constant 0.899999976 : f32
          %mul3A_414 = vector.broadcast %mul3A_413 : f32 to vector<16xf32>
          %mul3A_415 = arith.mulf %get3A_409, %mul3A_414 : vector<16xf32>
          %mul3A_416 = vector.broadcast %squeeze3A_256 : f32 to vector<16xf32>
          %mul3A_417 = arith.mulf %get3A_412, %mul3A_416 : vector<16xf32>
          %add3A_418 = arith.addf %mul3A_415, %mul3A_417 : vector<16xf32>
          %swap3A_419 = arith.index_cast %scan3A_248 : i32 to index
          %swap3A_420 = arith.constant 160 : index
          %swap3A_421 = tpu.vector_load %arg12[%swap3A_419, %swap3A_420] {strides = array<i32>} : memref<32x256xf32, #tpu.memory_space<vmem>>, vector<16xf32>,
          tpu.vector_store %arg12[%swap3A_419, %swap3A_420], %add3A_418 {strides = array<i32>} : memref<32x256xf32, #tpu.memory_space<vmem>>, vector<16xf32>,
          %get3A_422 = arith.index_cast %scan3A_248 : i32 to index
          %get3A_423 = arith.constant 176 : index
          %get3A_424 = tpu.vector_load %arg12[%get3A_422, %get3A_423] {strides = array<i32>} : memref<32x256xf32, #tpu.memory_space<vmem>>, vector<16xf32>,
          %get3A_425 = arith.index_cast %squeeze3A_252 : i32 to index
          %get3A_426 = arith.constant 176 : index
          %get3A_427 = tpu.vector_load %arg9[%get3A_425, %get3A_426] {strides = array<i32>} : memref<193x256xf32, #tpu.memory_space<vmem>>, vector<16xf32>,
          %mul3A_428 = arith.constant 0.899999976 : f32
          %mul3A_429 = vector.broadcast %mul3A_428 : f32 to vector<16xf32>
          %mul3A_430 = arith.mulf %get3A_424, %mul3A_429 : vector<16xf32>
          %mul3A_431 = vector.broadcast %squeeze3A_256 : f32 to vector<16xf32>
          %mul3A_432 = arith.mulf %get3A_427, %mul3A_431 : vector<16xf32>
          %add3A_433 = arith.addf %mul3A_430, %mul3A_432 : vector<16xf32>
          %swap3A_434 = arith.index_cast %scan3A_248 : i32 to index
          %swap3A_435 = arith.constant 176 : index
          %swap3A_436 = tpu.vector_load %arg12[%swap3A_434, %swap3A_435] {strides = array<i32>} : memref<32x256xf32, #tpu.memory_space<vmem>>, vector<16xf32>,
          tpu.vector_store %arg12[%swap3A_434, %swap3A_435], %add3A_433 {strides = array<i32>} : memref<32x256xf32, #tpu.memory_space<vmem>>, vector<16xf32>,
          %get3A_437 = arith.index_cast %scan3A_248 : i32 to index
          %get3A_438 = arith.constant 192 : index
          %get3A_439 = tpu.vector_load %arg12[%get3A_437, %get3A_438] {strides = array<i32>} : memref<32x256xf32, #tpu.memory_space<vmem>>, vector<16xf32>,
          %get3A_440 = arith.index_cast %squeeze3A_252 : i32 to index
          %get3A_441 = arith.constant 192 : index
          %get3A_442 = tpu.vector_load %arg9[%get3A_440, %get3A_441] {strides = array<i32>} : memref<193x256xf32, #tpu.memory_space<vmem>>, vector<16xf32>,
          %mul3A_443 = arith.constant 0.899999976 : f32
          %mul3A_444 = vector.broadcast %mul3A_443 : f32 to vector<16xf32>
          %mul3A_445 = arith.mulf %get3A_439, %mul3A_444 : vector<16xf32>
          %mul3A_446 = vector.broadcast %squeeze3A_256 : f32 to vector<16xf32>
          %mul3A_447 = arith.mulf %get3A_442, %mul3A_446 : vector<16xf32>
          %add3A_448 = arith.addf %mul3A_445, %mul3A_447 : vector<16xf32>
          %swap3A_449 = arith.index_cast %scan3A_248 : i32 to index
          %swap3A_450 = arith.constant 192 : index
          %swap3A_451 = tpu.vector_load %arg12[%swap3A_449, %swap3A_450] {strides = array<i32>} : memref<32x256xf32, #tpu.memory_space<vmem>>, vector<16xf32>,
          tpu.vector_store %arg12[%swap3A_449, %swap3A_450], %add3A_448 {strides = array<i32>} : memref<32x256xf32, #tpu.memory_space<vmem>>, vector<16xf32>,
          %get3A_452 = arith.index_cast %scan3A_248 : i32 to index
          %get3A_453 = arith.constant 208 : index
          %get3A_454 = tpu.vector_load %arg12[%get3A_452, %get3A_453] {strides = array<i32>} : memref<32x256xf32, #tpu.memory_space<vmem>>, vector<16xf32>,
          %get3A_455 = arith.index_cast %squeeze3A_252 : i32 to index
          %get3A_456 = arith.constant 208 : index
          %get3A_457 = tpu.vector_load %arg9[%get3A_455, %get3A_456] {strides = array<i32>} : memref<193x256xf32, #tpu.memory_space<vmem>>, vector<16xf32>,
          %mul3A_458 = arith.constant 0.899999976 : f32
          %mul3A_459 = vector.broadcast %mul3A_458 : f32 to vector<16xf32>
          %mul3A_460 = arith.mulf %get3A_454, %mul3A_459 : vector<16xf32>
          %mul3A_461 = vector.broadcast %squeeze3A_256 : f32 to vector<16xf32>
          %mul3A_462 = arith.mulf %get3A_457, %mul3A_461 : vector<16xf32>
          %add3A_463 = arith.addf %mul3A_460, %mul3A_462 : vector<16xf32>
          %swap3A_464 = arith.index_cast %scan3A_248 : i32 to index
          %swap3A_465 = arith.constant 208 : index
          %swap3A_466 = tpu.vector_load %arg12[%swap3A_464, %swap3A_465] {strides = array<i32>} : memref<32x256xf32, #tpu.memory_space<vmem>>, vector<16xf32>,
          tpu.vector_store %arg12[%swap3A_464, %swap3A_465], %add3A_463 {strides = array<i32>} : memref<32x256xf32, #tpu.memory_space<vmem>>, vector<16xf32>,
          %get3A_467 = arith.index_cast %scan3A_248 : i32 to index
          %get3A_468 = arith.constant 224 : index
          %get3A_469 = tpu.vector_load %arg12[%get3A_467, %get3A_468] {strides = array<i32>} : memref<32x256xf32, #tpu.memory_space<vmem>>, vector<16xf32>,
          %get3A_470 = arith.index_cast %squeeze3A_252 : i32 to index
          %get3A_471 = arith.constant 224 : index
          %get3A_472 = tpu.vector_load %arg9[%get3A_470, %get3A_471] {strides = array<i32>} : memref<193x256xf32, #tpu.memory_space<vmem>>, vector<16xf32>,
          %mul3A_473 = arith.constant 0.899999976 : f32
          %mul3A_474 = vector.broadcast %mul3A_473 : f32 to vector<16xf32>
          %mul3A_475 = arith.mulf %get3A_469, %mul3A_474 : vector<16xf32>
          %mul3A_476 = vector.broadcast %squeeze3A_256 : f32 to vector<16xf32>
          %mul3A_477 = arith.mulf %get3A_472, %mul3A_476 : vector<16xf32>
          %add3A_478 = arith.addf %mul3A_475, %mul3A_477 : vector<16xf32>
          %swap3A_479 = arith.index_cast %scan3A_248 : i32 to index
          %swap3A_480 = arith.constant 224 : index
          %swap3A_481 = tpu.vector_load %arg12[%swap3A_479, %swap3A_480] {strides = array<i32>} : memref<32x256xf32, #tpu.memory_space<vmem>>, vector<16xf32>,
          tpu.vector_store %arg12[%swap3A_479, %swap3A_480], %add3A_478 {strides = array<i32>} : memref<32x256xf32, #tpu.memory_space<vmem>>, vector<16xf32>,
          %get3A_482 = arith.index_cast %scan3A_248 : i32 to index
          %get3A_483 = arith.constant 240 : index
          %get3A_484 = tpu.vector_load %arg12[%get3A_482, %get3A_483] {strides = array<i32>} : memref<32x256xf32, #tpu.memory_space<vmem>>, vector<16xf32>,
          %get3A_485 = arith.index_cast %squeeze3A_252 : i32 to index
          %get3A_486 = arith.constant 240 : index
          %get3A_487 = tpu.vector_load %arg9[%get3A_485, %get3A_486] {strides = array<i32>} : memref<193x256xf32, #tpu.memory_space<vmem>>, vector<16xf32>,
          %mul3A_488 = arith.constant 0.899999976 : f32
          %mul3A_489 = vector.broadcast %mul3A_488 : f32 to vector<16xf32>
          %mul3A_490 = arith.mulf %get3A_484, %mul3A_489 : vector<16xf32>
          %mul3A_491 = vector.broadcast %squeeze3A_256 : f32 to vector<16xf32>
          %mul3A_492 = arith.mulf %get3A_487, %mul3A_491 : vector<16xf32>
          %add3A_493 = arith.addf %mul3A_490, %mul3A_492 : vector<16xf32>
          %swap3A_494 = arith.index_cast %scan3A_248 : i32 to index
          %swap3A_495 = arith.constant 240 : index
          %swap3A_496 = tpu.vector_load %arg12[%swap3A_494, %swap3A_495] {strides = array<i32>} : memref<32x256xf32, #tpu.memory_space<vmem>>, vector<16xf32>,
          tpu.vector_store %arg12[%swap3A_494, %swap3A_495], %add3A_493 {strides = array<i32>} : memref<32x256xf32, #tpu.memory_space<vmem>>, vector<16xf32>,
        }
        %scan3A_231 = arith.constant 32 : i32
        %sub3A_232 = arith.subi %scan3A_76, %mul3A_168 : i32
        %min3A = arith.constant 32 : i32
        %min3A_233 = arith.minsi %min3A, %sub3A_232 : i32
        %while3A_234 = arith.constant 0 : i32
        %while3A_235 = arith.constant 0 : i32
        %while3A_236 = arith.subi %min3A_233, %while3A_235 : i32
        %while3A_237 = arith.addi %while3A_235, %while3A_236 : i32
        %while3A_238 = arith.constant 1 : i32
        %while3A_239 = arith.divsi %while3A_236, %while3A_238 : i32
        %while3A_240 = arith.muli %while3A_239, %while3A_238 : i32
        %while3A_241 = arith.addi %while3A_235, %while3A_240 : i32
        %while3A_242 = arith.constant 1 : i32
        scf.for %while3A_248 = %while3A_235 to %while3A_241 step %while3A_242  : i32 {
          %get3A_249 = arith.index_cast %while3A_248 : i32 to index
          %get3A_250 = tpu.vector_load %arg14[%get3A_249] {strides = array<i32>} : memref<48xi32, #tpu.memory_space<vmem>>, vector<16xi32>,
          %slice3A_251 = vector.extract_strided_slice %get3A_250 {offsets = [0], sizes = [1], strides = [1]} : vector<16xi32> to vector<1xi32>
          %squeeze3A_252 = vector.extract %slice3A_251[0] : i32 from vector<1xi32>
          %swap3A_253 = arith.index_cast %squeeze3A_252 : i32 to index
          %swap3A_254 = arith.constant 0 : index
          %swap3A_255 = tpu.vector_load %arg9[%swap3A_253, %swap3A_254] {strides = array<i32>} : memref<193x256xf32, #tpu.memory_space<vmem>>, vector<16xf32>,
          tpu.vector_store %arg9[%swap3A_253, %swap3A_254], %broadcast_in_dim3A_5 {strides = array<i32>} : memref<193x256xf32, #tpu.memory_space<vmem>>, vector<16xf32>,
          %swap3A_256 = arith.index_cast %squeeze3A_252 : i32 to index
          %swap3A_257 = arith.constant 16 : index
          %swap3A_258 = tpu.vector_load %arg9[%swap3A_256, %swap3A_257] {strides = array<i32>} : memref<193x256xf32, #tpu.memory_space<vmem>>, vector<16xf32>,
          tpu.vector_store %arg9[%swap3A_256, %swap3A_257], %broadcast_in_dim3A_5 {strides = array<i32>} : memref<193x256xf32, #tpu.memory_space<vmem>>, vector<16xf32>,
          %swap3A_259 = arith.index_cast %squeeze3A_252 : i32 to index
          %swap3A_260 = arith.constant 32 : index
          %swap3A_261 = tpu.vector_load %arg9[%swap3A_259, %swap3A_260] {strides = array<i32>} : memref<193x256xf32, #tpu.memory_space<vmem>>, vector<16xf32>,
          tpu.vector_store %arg9[%swap3A_259, %swap3A_260], %broadcast_in_dim3A_5 {strides = array<i32>} : memref<193x256xf32, #tpu.memory_space<vmem>>, vector<16xf32>,
          %swap3A_262 = arith.index_cast %squeeze3A_252 : i32 to index
          %swap3A_263 = arith.constant 48 : index
          %swap3A_264 = tpu.vector_load %arg9[%swap3A_262, %swap3A_263] {strides = array<i32>} : memref<193x256xf32, #tpu.memory_space<vmem>>, vector<16xf32>,
          tpu.vector_store %arg9[%swap3A_262, %swap3A_263], %broadcast_in_dim3A_5 {strides = array<i32>} : memref<193x256xf32, #tpu.memory_space<vmem>>, vector<16xf32>,
          %swap3A_265 = arith.index_cast %squeeze3A_252 : i32 to index
          %swap3A_266 = arith.constant 64 : index
          %swap3A_267 = tpu.vector_load %arg9[%swap3A_265, %swap3A_266] {strides = array<i32>} : memref<193x256xf32, #tpu.memory_space<vmem>>, vector<16xf32>,
          tpu.vector_store %arg9[%swap3A_265, %swap3A_266], %broadcast_in_dim3A_5 {strides = array<i32>} : memref<193x256xf32, #tpu.memory_space<vmem>>, vector<16xf32>,
          %swap3A_268 = arith.index_cast %squeeze3A_252 : i32 to index
          %swap3A_269 = arith.constant 80 : index
          %swap3A_270 = tpu.vector_load %arg9[%swap3A_268, %swap3A_269] {strides = array<i32>} : memref<193x256xf32, #tpu.memory_space<vmem>>, vector<16xf32>,
          tpu.vector_store %arg9[%swap3A_268, %swap3A_269], %broadcast_in_dim3A_5 {strides = array<i32>} : memref<193x256xf32, #tpu.memory_space<vmem>>, vector<16xf32>,
          %swap3A_271 = arith.index_cast %squeeze3A_252 : i32 to index
          %swap3A_272 = arith.constant 96 : index
          %swap3A_273 = tpu.vector_load %arg9[%swap3A_271, %swap3A_272] {strides = array<i32>} : memref<193x256xf32, #tpu.memory_space<vmem>>, vector<16xf32>,
          tpu.vector_store %arg9[%swap3A_271, %swap3A_272], %broadcast_in_dim3A_5 {strides = array<i32>} : memref<193x256xf32, #tpu.memory_space<vmem>>, vector<16xf32>,
          %swap3A_274 = arith.index_cast %squeeze3A_252 : i32 to index
          %swap3A_275 = arith.constant 112 : index
          %swap3A_276 = tpu.vector_load %arg9[%swap3A_274, %swap3A_275] {strides = array<i32>} : memref<193x256xf32, #tpu.memory_space<vmem>>, vector<16xf32>,
          tpu.vector_store %arg9[%swap3A_274, %swap3A_275], %broadcast_in_dim3A_5 {strides = array<i32>} : memref<193x256xf32, #tpu.memory_space<vmem>>, vector<16xf32>,
          %swap3A_277 = arith.index_cast %squeeze3A_252 : i32 to index
          %swap3A_278 = arith.constant 128 : index
          %swap3A_279 = tpu.vector_load %arg9[%swap3A_277, %swap3A_278] {strides = array<i32>} : memref<193x256xf32, #tpu.memory_space<vmem>>, vector<16xf32>,
          tpu.vector_store %arg9[%swap3A_277, %swap3A_278], %broadcast_in_dim3A_5 {strides = array<i32>} : memref<193x256xf32, #tpu.memory_space<vmem>>, vector<16xf32>,
          %swap3A_280 = arith.index_cast %squeeze3A_252 : i32 to index
          %swap3A_281 = arith.constant 144 : index
          %swap3A_282 = tpu.vector_load %arg9[%swap3A_280, %swap3A_281] {strides = array<i32>} : memref<193x256xf32, #tpu.memory_space<vmem>>, vector<16xf32>,
          tpu.vector_store %arg9[%swap3A_280, %swap3A_281], %broadcast_in_dim3A_5 {strides = array<i32>} : memref<193x256xf32, #tpu.memory_space<vmem>>, vector<16xf32>,
          %swap3A_283 = arith.index_cast %squeeze3A_252 : i32 to index
          %swap3A_284 = arith.constant 160 : index
          %swap3A_285 = tpu.vector_load %arg9[%swap3A_283, %swap3A_284] {strides = array<i32>} : memref<193x256xf32, #tpu.memory_space<vmem>>, vector<16xf32>,
          tpu.vector_store %arg9[%swap3A_283, %swap3A_284], %broadcast_in_dim3A_5 {strides = array<i32>} : memref<193x256xf32, #tpu.memory_space<vmem>>, vector<16xf32>,
          %swap3A_286 = arith.index_cast %squeeze3A_252 : i32 to index
          %swap3A_287 = arith.constant 176 : index
          %swap3A_288 = tpu.vector_load %arg9[%swap3A_286, %swap3A_287] {strides = array<i32>} : memref<193x256xf32, #tpu.memory_space<vmem>>, vector<16xf32>,
          tpu.vector_store %arg9[%swap3A_286, %swap3A_287], %broadcast_in_dim3A_5 {strides = array<i32>} : memref<193x256xf32, #tpu.memory_space<vmem>>, vector<16xf32>,
          %swap3A_289 = arith.index_cast %squeeze3A_252 : i32 to index
          %swap3A_290 = arith.constant 192 : index
          %swap3A_291 = tpu.vector_load %arg9[%swap3A_289, %swap3A_290] {strides = array<i32>} : memref<193x256xf32, #tpu.memory_space<vmem>>, vector<16xf32>,
          tpu.vector_store %arg9[%swap3A_289, %swap3A_290], %broadcast_in_dim3A_5 {strides = array<i32>} : memref<193x256xf32, #tpu.memory_space<vmem>>, vector<16xf32>,
          %swap3A_292 = arith.index_cast %squeeze3A_252 : i32 to index
          %swap3A_293 = arith.constant 208 : index
          %swap3A_294 = tpu.vector_load %arg9[%swap3A_292, %swap3A_293] {strides = array<i32>} : memref<193x256xf32, #tpu.memory_space<vmem>>, vector<16xf32>,
          tpu.vector_store %arg9[%swap3A_292, %swap3A_293], %broadcast_in_dim3A_5 {strides = array<i32>} : memref<193x256xf32, #tpu.memory_space<vmem>>, vector<16xf32>,
          %swap3A_295 = arith.index_cast %squeeze3A_252 : i32 to index
          %swap3A_296 = arith.constant 224 : index
          %swap3A_297 = tpu.vector_load %arg9[%swap3A_295, %swap3A_296] {strides = array<i32>} : memref<193x256xf32, #tpu.memory_space<vmem>>, vector<16xf32>,
          tpu.vector_store %arg9[%swap3A_295, %swap3A_296], %broadcast_in_dim3A_5 {strides = array<i32>} : memref<193x256xf32, #tpu.memory_space<vmem>>, vector<16xf32>,
          %swap3A_298 = arith.index_cast %squeeze3A_252 : i32 to index
          %swap3A_299 = arith.constant 240 : index
          %swap3A_300 = tpu.vector_load %arg9[%swap3A_298, %swap3A_299] {strides = array<i32>} : memref<193x256xf32, #tpu.memory_space<vmem>>, vector<16xf32>,
          tpu.vector_store %arg9[%swap3A_298, %swap3A_299], %broadcast_in_dim3A_5 {strides = array<i32>} : memref<193x256xf32, #tpu.memory_space<vmem>>, vector<16xf32>,
          %mul3A_301 = arith.constant 16 : i32
          %mul3A_302 = arith.muli %squeeze3A_252, %mul3A_301 : i32
          %swap3A_303 = arith.index_cast %mul3A_302 : i32 to index
          %swap3A_304 = tpu.vector_load %arg10[%swap3A_303] {strides = array<i32>} : memref<3088xf32, #tpu.memory_space<vmem>>, vector<16xf32>,
          tpu.vector_store %arg10[%swap3A_303], %broadcast_in_dim3A_5 {strides = array<i32>} : memref<3088xf32, #tpu.memory_space<vmem>>, vector<16xf32>,
        }
        %while3A_243 = arith.constant 1 : i32
        scf.for %while3A_248 = %while3A_241 to %while3A_237 step %while3A_243  : i32 {
          %get3A_249 = arith.index_cast %while3A_248 : i32 to index
          %get3A_250 = tpu.vector_load %arg14[%get3A_249] {strides = array<i32>} : memref<48xi32, #tpu.memory_space<vmem>>, vector<16xi32>,
          %slice3A_251 = vector.extract_strided_slice %get3A_250 {offsets = [0], sizes = [1], strides = [1]} : vector<16xi32> to vector<1xi32>
          %squeeze3A_252 = vector.extract %slice3A_251[0] : i32 from vector<1xi32>
          %swap3A_253 = arith.index_cast %squeeze3A_252 : i32 to index
          %swap3A_254 = arith.constant 0 : index
          %swap3A_255 = tpu.vector_load %arg9[%swap3A_253, %swap3A_254] {strides = array<i32>} : memref<193x256xf32, #tpu.memory_space<vmem>>, vector<16xf32>,
          tpu.vector_store %arg9[%swap3A_253, %swap3A_254], %broadcast_in_dim3A_5 {strides = array<i32>} : memref<193x256xf32, #tpu.memory_space<vmem>>, vector<16xf32>,
          %swap3A_256 = arith.index_cast %squeeze3A_252 : i32 to index
          %swap3A_257 = arith.constant 16 : index
          %swap3A_258 = tpu.vector_load %arg9[%swap3A_256, %swap3A_257] {strides = array<i32>} : memref<193x256xf32, #tpu.memory_space<vmem>>, vector<16xf32>,
          tpu.vector_store %arg9[%swap3A_256, %swap3A_257], %broadcast_in_dim3A_5 {strides = array<i32>} : memref<193x256xf32, #tpu.memory_space<vmem>>, vector<16xf32>,
          %swap3A_259 = arith.index_cast %squeeze3A_252 : i32 to index
          %swap3A_260 = arith.constant 32 : index
          %swap3A_261 = tpu.vector_load %arg9[%swap3A_259, %swap3A_260] {strides = array<i32>} : memref<193x256xf32, #tpu.memory_space<vmem>>, vector<16xf32>,
          tpu.vector_store %arg9[%swap3A_259, %swap3A_260], %broadcast_in_dim3A_5 {strides = array<i32>} : memref<193x256xf32, #tpu.memory_space<vmem>>, vector<16xf32>,
          %swap3A_262 = arith.index_cast %squeeze3A_252 : i32 to index
          %swap3A_263 = arith.constant 48 : index
          %swap3A_264 = tpu.vector_load %arg9[%swap3A_262, %swap3A_263] {strides = array<i32>} : memref<193x256xf32, #tpu.memory_space<vmem>>, vector<16xf32>,
          tpu.vector_store %arg9[%swap3A_262, %swap3A_263], %broadcast_in_dim3A_5 {strides = array<i32>} : memref<193x256xf32, #tpu.memory_space<vmem>>, vector<16xf32>,
          %swap3A_265 = arith.index_cast %squeeze3A_252 : i32 to index
          %swap3A_266 = arith.constant 64 : index
          %swap3A_267 = tpu.vector_load %arg9[%swap3A_265, %swap3A_266] {strides = array<i32>} : memref<193x256xf32, #tpu.memory_space<vmem>>, vector<16xf32>,
          tpu.vector_store %arg9[%swap3A_265, %swap3A_266], %broadcast_in_dim3A_5 {strides = array<i32>} : memref<193x256xf32, #tpu.memory_space<vmem>>, vector<16xf32>,
          %swap3A_268 = arith.index_cast %squeeze3A_252 : i32 to index
          %swap3A_269 = arith.constant 80 : index
          %swap3A_270 = tpu.vector_load %arg9[%swap3A_268, %swap3A_269] {strides = array<i32>} : memref<193x256xf32, #tpu.memory_space<vmem>>, vector<16xf32>,
          tpu.vector_store %arg9[%swap3A_268, %swap3A_269], %broadcast_in_dim3A_5 {strides = array<i32>} : memref<193x256xf32, #tpu.memory_space<vmem>>, vector<16xf32>,
          %swap3A_271 = arith.index_cast %squeeze3A_252 : i32 to index
          %swap3A_272 = arith.constant 96 : index
          %swap3A_273 = tpu.vector_load %arg9[%swap3A_271, %swap3A_272] {strides = array<i32>} : memref<193x256xf32, #tpu.memory_space<vmem>>, vector<16xf32>,
          tpu.vector_store %arg9[%swap3A_271, %swap3A_272], %broadcast_in_dim3A_5 {strides = array<i32>} : memref<193x256xf32, #tpu.memory_space<vmem>>, vector<16xf32>,
          %swap3A_274 = arith.index_cast %squeeze3A_252 : i32 to index
          %swap3A_275 = arith.constant 112 : index
          %swap3A_276 = tpu.vector_load %arg9[%swap3A_274, %swap3A_275] {strides = array<i32>} : memref<193x256xf32, #tpu.memory_space<vmem>>, vector<16xf32>,
          tpu.vector_store %arg9[%swap3A_274, %swap3A_275], %broadcast_in_dim3A_5 {strides = array<i32>} : memref<193x256xf32, #tpu.memory_space<vmem>>, vector<16xf32>,
          %swap3A_277 = arith.index_cast %squeeze3A_252 : i32 to index
          %swap3A_278 = arith.constant 128 : index
          %swap3A_279 = tpu.vector_load %arg9[%swap3A_277, %swap3A_278] {strides = array<i32>} : memref<193x256xf32, #tpu.memory_space<vmem>>, vector<16xf32>,
          tpu.vector_store %arg9[%swap3A_277, %swap3A_278], %broadcast_in_dim3A_5 {strides = array<i32>} : memref<193x256xf32, #tpu.memory_space<vmem>>, vector<16xf32>,
          %swap3A_280 = arith.index_cast %squeeze3A_252 : i32 to index
          %swap3A_281 = arith.constant 144 : index
          %swap3A_282 = tpu.vector_load %arg9[%swap3A_280, %swap3A_281] {strides = array<i32>} : memref<193x256xf32, #tpu.memory_space<vmem>>, vector<16xf32>,
          tpu.vector_store %arg9[%swap3A_280, %swap3A_281], %broadcast_in_dim3A_5 {strides = array<i32>} : memref<193x256xf32, #tpu.memory_space<vmem>>, vector<16xf32>,
          %swap3A_283 = arith.index_cast %squeeze3A_252 : i32 to index
          %swap3A_284 = arith.constant 160 : index
          %swap3A_285 = tpu.vector_load %arg9[%swap3A_283, %swap3A_284] {strides = array<i32>} : memref<193x256xf32, #tpu.memory_space<vmem>>, vector<16xf32>,
          tpu.vector_store %arg9[%swap3A_283, %swap3A_284], %broadcast_in_dim3A_5 {strides = array<i32>} : memref<193x256xf32, #tpu.memory_space<vmem>>, vector<16xf32>,
          %swap3A_286 = arith.index_cast %squeeze3A_252 : i32 to index
          %swap3A_287 = arith.constant 176 : index
          %swap3A_288 = tpu.vector_load %arg9[%swap3A_286, %swap3A_287] {strides = array<i32>} : memref<193x256xf32, #tpu.memory_space<vmem>>, vector<16xf32>,
          tpu.vector_store %arg9[%swap3A_286, %swap3A_287], %broadcast_in_dim3A_5 {strides = array<i32>} : memref<193x256xf32, #tpu.memory_space<vmem>>, vector<16xf32>,
          %swap3A_289 = arith.index_cast %squeeze3A_252 : i32 to index
          %swap3A_290 = arith.constant 192 : index
          %swap3A_291 = tpu.vector_load %arg9[%swap3A_289, %swap3A_290] {strides = array<i32>} : memref<193x256xf32, #tpu.memory_space<vmem>>, vector<16xf32>,
          tpu.vector_store %arg9[%swap3A_289, %swap3A_290], %broadcast_in_dim3A_5 {strides = array<i32>} : memref<193x256xf32, #tpu.memory_space<vmem>>, vector<16xf32>,
          %swap3A_292 = arith.index_cast %squeeze3A_252 : i32 to index
          %swap3A_293 = arith.constant 208 : index
          %swap3A_294 = tpu.vector_load %arg9[%swap3A_292, %swap3A_293] {strides = array<i32>} : memref<193x256xf32, #tpu.memory_space<vmem>>, vector<16xf32>,
          tpu.vector_store %arg9[%swap3A_292, %swap3A_293], %broadcast_in_dim3A_5 {strides = array<i32>} : memref<193x256xf32, #tpu.memory_space<vmem>>, vector<16xf32>,
          %swap3A_295 = arith.index_cast %squeeze3A_252 : i32 to index
          %swap3A_296 = arith.constant 224 : index
          %swap3A_297 = tpu.vector_load %arg9[%swap3A_295, %swap3A_296] {strides = array<i32>} : memref<193x256xf32, #tpu.memory_space<vmem>>, vector<16xf32>,
          tpu.vector_store %arg9[%swap3A_295, %swap3A_296], %broadcast_in_dim3A_5 {strides = array<i32>} : memref<193x256xf32, #tpu.memory_space<vmem>>, vector<16xf32>,
          %swap3A_298 = arith.index_cast %squeeze3A_252 : i32 to index
          %swap3A_299 = arith.constant 240 : index
          %swap3A_300 = tpu.vector_load %arg9[%swap3A_298, %swap3A_299] {strides = array<i32>} : memref<193x256xf32, #tpu.memory_space<vmem>>, vector<16xf32>,
          tpu.vector_store %arg9[%swap3A_298, %swap3A_299], %broadcast_in_dim3A_5 {strides = array<i32>} : memref<193x256xf32, #tpu.memory_space<vmem>>, vector<16xf32>,
          %mul3A_301 = arith.constant 16 : i32
          %mul3A_302 = arith.muli %squeeze3A_252, %mul3A_301 : i32
          %swap3A_303 = arith.index_cast %mul3A_302 : i32 to index
          %swap3A_304 = tpu.vector_load %arg10[%swap3A_303] {strides = array<i32>} : memref<3088xf32, #tpu.memory_space<vmem>>, vector<16xf32>,
          tpu.vector_store %arg10[%swap3A_303], %broadcast_in_dim3A_5 {strides = array<i32>} : memref<3088xf32, #tpu.memory_space<vmem>>, vector<16xf32>,
        }
        %dma_start3A_244 = arith.constant 0 : i32
        %dma_start3A_245 = arith.constant 0 : i32
        %dma_start3A_246 = tpu.memref_slice %arg4[%dma_start3A_244, %dma_start3A_245] : memref<100000x256xf32, #tpu.memory_space<hbm>> -> memref<100000x256xf32, #tpu.memory_space<hbm>>
        tpu.enqueue_indirect_dma source(%arg12 : memref<32x256xf32, #tpu.memory_space<vmem>>) target(%dma_start3A_246 : memref<100000x256xf32, #tpu.memory_space<hbm>>) offsets(%arg15 : memref<32xi32, #tpu.memory_space<vmem>>) semaphore(%arg20 : memref<!tpu.dma_semaphore, #tpu.memory_space<semaphore_mem>>)
        %while3A_247 = arith.constant 1 : i32
        scf.yield %while3A_247 : i32
      }
      %swap3A = arith.constant 192 : i32
      %swap3A_100 = arith.index_cast %swap3A : i32 to index
      %swap3A_101 = arith.constant 0 : index
      %swap3A_102 = tpu.vector_load %arg9[%swap3A_100, %swap3A_101] {strides = array<i32>} : memref<193x256xf32, #tpu.memory_space<vmem>>, vector<16xf32>,
      tpu.vector_store %arg9[%swap3A_100, %swap3A_101], %broadcast_in_dim3A_5 {strides = array<i32>} : memref<193x256xf32, #tpu.memory_space<vmem>>, vector<16xf32>,
      %swap3A_103 = arith.constant 192 : i32
      %swap3A_104 = arith.index_cast %swap3A_103 : i32 to index
      %swap3A_105 = arith.constant 16 : index
      %swap3A_106 = tpu.vector_load %arg9[%swap3A_104, %swap3A_105] {strides = array<i32>} : memref<193x256xf32, #tpu.memory_space<vmem>>, vector<16xf32>,
      tpu.vector_store %arg9[%swap3A_104, %swap3A_105], %broadcast_in_dim3A_5 {strides = array<i32>} : memref<193x256xf32, #tpu.memory_space<vmem>>, vector<16xf32>,
      %swap3A_107 = arith.constant 192 : i32
      %swap3A_108 = arith.index_cast %swap3A_107 : i32 to index
      %swap3A_109 = arith.constant 32 : index
      %swap3A_110 = tpu.vector_load %arg9[%swap3A_108, %swap3A_109] {strides = array<i32>} : memref<193x256xf32, #tpu.memory_space<vmem>>, vector<16xf32>,
      tpu.vector_store %arg9[%swap3A_108, %swap3A_109], %broadcast_in_dim3A_5 {strides = array<i32>} : memref<193x256xf32, #tpu.memory_space<vmem>>, vector<16xf32>,
      %swap3A_111 = arith.constant 192 : i32
      %swap3A_112 = arith.index_cast %swap3A_111 : i32 to index
      %swap3A_113 = arith.constant 48 : index
      %swap3A_114 = tpu.vector_load %arg9[%swap3A_112, %swap3A_113] {strides = array<i32>} : memref<193x256xf32, #tpu.memory_space<vmem>>, vector<16xf32>,
      tpu.vector_store %arg9[%swap3A_112, %swap3A_113], %broadcast_in_dim3A_5 {strides = array<i32>} : memref<193x256xf32, #tpu.memory_space<vmem>>, vector<16xf32>,
      %swap3A_115 = arith.constant 192 : i32
      %swap3A_116 = arith.index_cast %swap3A_115 : i32 to index
      %swap3A_117 = arith.constant 64 : index
      %swap3A_118 = tpu.vector_load %arg9[%swap3A_116, %swap3A_117] {strides = array<i32>} : memref<193x256xf32, #tpu.memory_space<vmem>>, vector<16xf32>,
      tpu.vector_store %arg9[%swap3A_116, %swap3A_117], %broadcast_in_dim3A_5 {strides = array<i32>} : memref<193x256xf32, #tpu.memory_space<vmem>>, vector<16xf32>,
      %swap3A_119 = arith.constant 192 : i32
      %swap3A_120 = arith.index_cast %swap3A_119 : i32 to index
      %swap3A_121 = arith.constant 80 : index
      %swap3A_122 = tpu.vector_load %arg9[%swap3A_120, %swap3A_121] {strides = array<i32>} : memref<193x256xf32, #tpu.memory_space<vmem>>, vector<16xf32>,
      tpu.vector_store %arg9[%swap3A_120, %swap3A_121], %broadcast_in_dim3A_5 {strides = array<i32>} : memref<193x256xf32, #tpu.memory_space<vmem>>, vector<16xf32>,
      %swap3A_123 = arith.constant 192 : i32
      %swap3A_124 = arith.index_cast %swap3A_123 : i32 to index
      %swap3A_125 = arith.constant 96 : index
      %swap3A_126 = tpu.vector_load %arg9[%swap3A_124, %swap3A_125] {strides = array<i32>} : memref<193x256xf32, #tpu.memory_space<vmem>>, vector<16xf32>,
      tpu.vector_store %arg9[%swap3A_124, %swap3A_125], %broadcast_in_dim3A_5 {strides = array<i32>} : memref<193x256xf32, #tpu.memory_space<vmem>>, vector<16xf32>,
      %swap3A_127 = arith.constant 192 : i32
      %swap3A_128 = arith.index_cast %swap3A_127 : i32 to index
      %swap3A_129 = arith.constant 112 : index
      %swap3A_130 = tpu.vector_load %arg9[%swap3A_128, %swap3A_129] {strides = array<i32>} : memref<193x256xf32, #tpu.memory_space<vmem>>, vector<16xf32>,
      tpu.vector_store %arg9[%swap3A_128, %swap3A_129], %broadcast_in_dim3A_5 {strides = array<i32>} : memref<193x256xf32, #tpu.memory_space<vmem>>, vector<16xf32>,
      %swap3A_131 = arith.constant 192 : i32
      %swap3A_132 = arith.index_cast %swap3A_131 : i32 to index
      %swap3A_133 = arith.constant 128 : index
      %swap3A_134 = tpu.vector_load %arg9[%swap3A_132, %swap3A_133] {strides = array<i32>} : memref<193x256xf32, #tpu.memory_space<vmem>>, vector<16xf32>,
      tpu.vector_store %arg9[%swap3A_132, %swap3A_133], %broadcast_in_dim3A_5 {strides = array<i32>} : memref<193x256xf32, #tpu.memory_space<vmem>>, vector<16xf32>,
      %swap3A_135 = arith.constant 192 : i32
      %swap3A_136 = arith.index_cast %swap3A_135 : i32 to index
      %swap3A_137 = arith.constant 144 : index
      %swap3A_138 = tpu.vector_load %arg9[%swap3A_136, %swap3A_137] {strides = array<i32>} : memref<193x256xf32, #tpu.memory_space<vmem>>, vector<16xf32>,
      tpu.vector_store %arg9[%swap3A_136, %swap3A_137], %broadcast_in_dim3A_5 {strides = array<i32>} : memref<193x256xf32, #tpu.memory_space<vmem>>, vector<16xf32>,
      %swap3A_139 = arith.constant 192 : i32
      %swap3A_140 = arith.index_cast %swap3A_139 : i32 to index
      %swap3A_141 = arith.constant 160 : index
      %swap3A_142 = tpu.vector_load %arg9[%swap3A_140, %swap3A_141] {strides = array<i32>} : memref<193x256xf32, #tpu.memory_space<vmem>>, vector<16xf32>,
      tpu.vector_store %arg9[%swap3A_140, %swap3A_141], %broadcast_in_dim3A_5 {strides = array<i32>} : memref<193x256xf32, #tpu.memory_space<vmem>>, vector<16xf32>,
      %swap3A_143 = arith.constant 192 : i32
      %swap3A_144 = arith.index_cast %swap3A_143 : i32 to index
      %swap3A_145 = arith.constant 176 : index
      %swap3A_146 = tpu.vector_load %arg9[%swap3A_144, %swap3A_145] {strides = array<i32>} : memref<193x256xf32, #tpu.memory_space<vmem>>, vector<16xf32>,
      tpu.vector_store %arg9[%swap3A_144, %swap3A_145], %broadcast_in_dim3A_5 {strides = array<i32>} : memref<193x256xf32, #tpu.memory_space<vmem>>, vector<16xf32>,
      %swap3A_147 = arith.constant 192 : i32
      %swap3A_148 = arith.index_cast %swap3A_147 : i32 to index
      %swap3A_149 = arith.constant 192 : index
      %swap3A_150 = tpu.vector_load %arg9[%swap3A_148, %swap3A_149] {strides = array<i32>} : memref<193x256xf32, #tpu.memory_space<vmem>>, vector<16xf32>,
      tpu.vector_store %arg9[%swap3A_148, %swap3A_149], %broadcast_in_dim3A_5 {strides = array<i32>} : memref<193x256xf32, #tpu.memory_space<vmem>>, vector<16xf32>,
      %swap3A_151 = arith.constant 192 : i32
      %swap3A_152 = arith.index_cast %swap3A_151 : i32 to index
      %swap3A_153 = arith.constant 208 : index
      %swap3A_154 = tpu.vector_load %arg9[%swap3A_152, %swap3A_153] {strides = array<i32>} : memref<193x256xf32, #tpu.memory_space<vmem>>, vector<16xf32>,
      tpu.vector_store %arg9[%swap3A_152, %swap3A_153], %broadcast_in_dim3A_5 {strides = array<i32>} : memref<193x256xf32, #tpu.memory_space<vmem>>, vector<16xf32>,
      %swap3A_155 = arith.constant 192 : i32
      %swap3A_156 = arith.index_cast %swap3A_155 : i32 to index
      %swap3A_157 = arith.constant 224 : index
      %swap3A_158 = tpu.vector_load %arg9[%swap3A_156, %swap3A_157] {strides = array<i32>} : memref<193x256xf32, #tpu.memory_space<vmem>>, vector<16xf32>,
      tpu.vector_store %arg9[%swap3A_156, %swap3A_157], %broadcast_in_dim3A_5 {strides = array<i32>} : memref<193x256xf32, #tpu.memory_space<vmem>>, vector<16xf32>,
      %swap3A_159 = arith.constant 192 : i32
      %swap3A_160 = arith.index_cast %swap3A_159 : i32 to index
      %swap3A_161 = arith.constant 240 : index
      %swap3A_162 = tpu.vector_load %arg9[%swap3A_160, %swap3A_161] {strides = array<i32>} : memref<193x256xf32, #tpu.memory_space<vmem>>, vector<16xf32>,
      tpu.vector_store %arg9[%swap3A_160, %swap3A_161], %broadcast_in_dim3A_5 {strides = array<i32>} : memref<193x256xf32, #tpu.memory_space<vmem>>, vector<16xf32>,
      %swap3A_163 = arith.constant 3072 : index
      %swap3A_164 = tpu.vector_load %arg10[%swap3A_163] {strides = array<i32>} : memref<3088xf32, #tpu.memory_space<vmem>>, vector<16xf32>,
      tpu.vector_store %arg10[%swap3A_163], %broadcast_in_dim3A_5 {strides = array<i32>} : memref<3088xf32, #tpu.memory_space<vmem>>, vector<16xf32>,
      scf.yield %while3A_99 : i32
    }
    %scan3A_38 = arith.constant 17 : i32
    %gt3A = arith.constant 0 : i32
    %gt3A_39 = arith.cmpi sgt, %scan3A_37, %gt3A : i32
    %convert_element_type3A = arith.extui %gt3A_39 : i1 to i32
    %cond3A = arith.constant 0 : i32
    %cond3A_40 = arith.cmpi ne, %convert_element_type3A, %cond3A : i32
    scf.if %cond3A_40 {
      %dma_wait3A = arith.constant 0 : i32
      %dma_wait3A_41 = arith.constant 0 : i32
      %dma_wait3A_42 = tpu.memref_slice %arg4[%dma_wait3A, %dma_wait3A_41] : memref<100000x256xf32, #tpu.memory_space<hbm>> -> memref<100000x256xf32, #tpu.memory_space<hbm>>
      tpu.wait_indirect_dma semaphore(%arg20 : memref<!tpu.dma_semaphore, #tpu.memory_space<semaphore_mem>>) src(%arg12 : memref<32x256xf32, #tpu.memory_space<vmem>>) dst(%dma_wait3A_42 : memref<100000x256xf32, #tpu.memory_space<hbm>>)
    } else {
    }
    return
  }
}

#map = affine_map<(d0, d1) -> (0)>
#map1 = affine_map<(d0, d1) -> (0, 0)>
module attributes {stable_mosaic.version = 14 : i64} {
  func.func @dt_gather(%arg0: i32, %arg1: i32, %arg2: memref<1024xi32, #tpu.memory_space<hbm>>, %arg3: memref<100000x256xf32, #tpu.memory_space<hbm>>, %arg4: memref<1024x256xf32, #tpu.memory_space<hbm>>, %arg5: memref<32xi32, #tpu.memory_space<vmem>>, %arg6: memref<32x256xf32, #tpu.memory_space<vmem>>, %arg7: memref<!tpu.dma_semaphore, #tpu.memory_space<semaphore_mem>>) attributes {dimension_semantics = [#tpu.dimension_semantics<core_parallel>, #tpu.dimension_semantics<subcore_parallel>], iteration_bounds = array<i64: 2, 16>, scalar_prefetch = 0 : i64, scratch_operands = 3 : i64, tpu.core_type = #tpu.core_type<sc_vector_subcore>, window_params = [{transform_indices = #map}, {transform_indices = #map1}, {transform_indices = #map1}]} {
    %mul3A = arith.constant 2 : i32
    %mul3A_0 = arith.muli %arg1, %mul3A : i32
    %add3A = arith.addi %mul3A_0, %arg0 : i32
    %mul3A_1 = arith.constant 32 : i32
    %mul3A_2 = arith.muli %add3A, %mul3A_1 : i32
    "tpu.region"() ({
      %run_scoped3A = tpu.sem_alloc : memref<!tpu.dma_semaphore, #tpu.memory_space<semaphore_mem>>
      %dma_start3A_7 = tpu.memref_slice %arg2[%mul3A_2] : memref<1024xi32, #tpu.memory_space<hbm>> -> memref<32xi32, #tpu.memory_space<hbm>>
      %dma_start3A_8 = tpu.memref_slice %arg2[%mul3A_2] : memref<1024xi32, #tpu.memory_space<hbm>> -> memref<32xi32, #tpu.memory_space<hbm>>
      tpu.enqueue_dma source(%dma_start3A_8 : memref<32xi32, #tpu.memory_space<hbm>>) target(%arg5 : memref<32xi32, #tpu.memory_space<vmem>>) target_semaphore(%run_scoped3A : memref<!tpu.dma_semaphore, #tpu.memory_space<semaphore_mem>>)
      %dma_wait3A_9 = tpu.memref_slice %arg2[%mul3A_2] : memref<1024xi32, #tpu.memory_space<hbm>> -> memref<32xi32, #tpu.memory_space<hbm>>
      %dma_wait3A_10 = tpu.memref_slice %arg2[%mul3A_2] : memref<1024xi32, #tpu.memory_space<hbm>> -> memref<32xi32, #tpu.memory_space<hbm>>
      tpu.wait_dma2 semaphore(%run_scoped3A : memref<!tpu.dma_semaphore, #tpu.memory_space<semaphore_mem>>) src(%dma_wait3A_10 : memref<32xi32, #tpu.memory_space<hbm>>) dst(%arg5 : memref<32xi32, #tpu.memory_space<vmem>>)
      tpu.yield
    }) : () -> ()
    %dma_start3A = arith.constant 0 : i32
    %dma_start3A_3 = arith.constant 0 : i32
    %dma_start3A_4 = tpu.memref_slice %arg3[%dma_start3A, %dma_start3A_3] : memref<100000x256xf32, #tpu.memory_space<hbm>> -> memref<100000x256xf32, #tpu.memory_space<hbm>>
    tpu.enqueue_indirect_dma source(%dma_start3A_4 : memref<100000x256xf32, #tpu.memory_space<hbm>>) target(%arg6 : memref<32x256xf32, #tpu.memory_space<vmem>>) offsets(%arg5 : memref<32xi32, #tpu.memory_space<vmem>>) semaphore(%arg7 : memref<!tpu.dma_semaphore, #tpu.memory_space<semaphore_mem>>)
    %dma_wait3A = arith.constant 0 : i32
    %dma_wait3A_5 = arith.constant 0 : i32
    %dma_wait3A_6 = tpu.memref_slice %arg3[%dma_wait3A, %dma_wait3A_5] : memref<100000x256xf32, #tpu.memory_space<hbm>> -> memref<100000x256xf32, #tpu.memory_space<hbm>>
    tpu.wait_indirect_dma semaphore(%arg7 : memref<!tpu.dma_semaphore, #tpu.memory_space<semaphore_mem>>) src(%dma_wait3A_6 : memref<100000x256xf32, #tpu.memory_space<hbm>>) dst(%arg6 : memref<32x256xf32, #tpu.memory_space<vmem>>)
    "tpu.region"() ({
      %run_scoped3A = tpu.sem_alloc : memref<!tpu.dma_semaphore, #tpu.memory_space<semaphore_mem>>
      %dma_start3A_7 = arith.constant 0 : i32
      %dma_start3A_8 = tpu.memref_slice %arg4[%mul3A_2, %dma_start3A_7] : memref<1024x256xf32, #tpu.memory_space<hbm>> -> memref<32x256xf32, #tpu.memory_space<hbm>>
      %dma_start3A_9 = arith.constant 0 : i32
      %dma_start3A_10 = tpu.memref_slice %arg4[%mul3A_2, %dma_start3A_9] : memref<1024x256xf32, #tpu.memory_space<hbm>> -> memref<32x256xf32, #tpu.memory_space<hbm>>
      tpu.enqueue_dma source(%arg6 : memref<32x256xf32, #tpu.memory_space<vmem>>) target(%dma_start3A_10 : memref<32x256xf32, #tpu.memory_space<hbm>>) target_semaphore(%run_scoped3A : memref<!tpu.dma_semaphore, #tpu.memory_space<semaphore_mem>>)
      %dma_wait3A_11 = arith.constant 0 : i32
      %dma_wait3A_12 = tpu.memref_slice %arg4[%mul3A_2, %dma_wait3A_11] : memref<1024x256xf32, #tpu.memory_space<hbm>> -> memref<32x256xf32, #tpu.memory_space<hbm>>
      %dma_wait3A_13 = arith.constant 0 : i32
      %dma_wait3A_14 = tpu.memref_slice %arg4[%mul3A_2, %dma_wait3A_13] : memref<1024x256xf32, #tpu.memory_space<hbm>> -> memref<32x256xf32, #tpu.memory_space<hbm>>
      tpu.wait_dma2 semaphore(%run_scoped3A : memref<!tpu.dma_semaphore, #tpu.memory_space<semaphore_mem>>) src(%arg6 : memref<32x256xf32, #tpu.memory_space<vmem>>) dst(%dma_wait3A_14 : memref<32x256xf32, #tpu.memory_space<hbm>>)
      tpu.yield
    }) : () -> ()
    return
  }
}

module attributes {stable_mosaic.version = 14 : i64} {
  func.func @smooth_rate(%arg0: memref<1xi32, #tpu.memory_space<smem>>, %arg1: memref<1x1024xf32, #tpu.memory_space<vmem>>, %arg2: memref<1024x256xf32, #tpu.memory_space<vmem>>, %arg3: memref<1024x256xf32, #tpu.memory_space<vmem>>, %arg4: memref<1x1024xf32, #tpu.memory_space<vmem>>) attributes {dimension_semantics = [], scalar_prefetch = 0 : i64, scratch_operands = 0 : i64, tpu.core_type = #tpu.core_type<tc>} {
    %get3A = arith.constant 0 : index
    %get3A_0 = memref.load %arg0[%get3A] : memref<1xi32, #tpu.memory_space<smem>>
    %get3A_1 = arith.constant 0 : index
    %get3A_2 = arith.constant 0 : index
    %get3A_3 = vector.load %arg3[%get3A_1, %get3A_2] : memref<1024x256xf32, #tpu.memory_space<vmem>>, vector<1024x256xf32>
    %mul3A = arith.mulf %get3A_3, %get3A_3 : vector<1024x256xf32>
    %reduce_sum3A = arith.constant dense<0.000000e+00> : vector<1024xf32>
    %reduce_sum3A_4 = vector.multi_reduction <add>, %mul3A, %reduce_sum3A [1] : vector<1024x256xf32> to vector<1024xf32>
    %broadcast_in_dim3A = vector.shape_cast %reduce_sum3A_4 : vector<1024xf32> to vector<1024x1xf32>
    %sqrt3A = math.sqrt %broadcast_in_dim3A : vector<1024x1xf32>
    %max3A = arith.constant 9.99999996E-13 : f32
    %max3A_5 = vector.broadcast %max3A : f32 to vector<1024x1xf32>
    %max3A_6 = arith.maximumf %sqrt3A, %max3A_5 : vector<1024x1xf32>
    %div3A = vector.broadcast %max3A_6 : vector<1024x1xf32> to vector<1024x256xf32>
    %div3A_7 = arith.divf %get3A_3, %div3A : vector<1024x256xf32>
    %get3A_8 = arith.constant 0 : index
    %get3A_9 = arith.constant 0 : index
    %get3A_10 = vector.load %arg2[%get3A_8, %get3A_9] : memref<1024x256xf32, #tpu.memory_space<vmem>>, vector<1024x256xf32>
    %mul3A_11 = arith.mulf %get3A_10, %get3A_10 : vector<1024x256xf32>
    %reduce_sum3A_12 = arith.constant dense<0.000000e+00> : vector<1024xf32>
    %reduce_sum3A_13 = vector.multi_reduction <add>, %mul3A_11, %reduce_sum3A_12 [1] : vector<1024x256xf32> to vector<1024xf32>
    %broadcast_in_dim3A_14 = vector.shape_cast %reduce_sum3A_13 : vector<1024xf32> to vector<1024x1xf32>
    %sqrt3A_15 = math.sqrt %broadcast_in_dim3A_14 : vector<1024x1xf32>
    %max3A_16 = arith.constant 9.99999996E-13 : f32
    %max3A_17 = vector.broadcast %max3A_16 : f32 to vector<1024x1xf32>
    %max3A_18 = arith.maximumf %sqrt3A_15, %max3A_17 : vector<1024x1xf32>
    %div3A_19 = vector.broadcast %max3A_18 : vector<1024x1xf32> to vector<1024x256xf32>
    %div3A_20 = arith.divf %get3A_10, %div3A_19 : vector<1024x256xf32>
    %dot_general3A = arith.constant dense<0.000000e+00> : vector<1024x1024xf32>
    %dot_general3A_21 = tpu.matmul %div3A_20, %div3A_7, %dot_general3A {dimension_numbers = #tpu.dot_dimension_numbers<[1], [1], [0], [0], [0, 0, 1, 0], [], []>, transpose_lhs_hint = false} : vector<1024x256xf32>, vector<1024x256xf32>, vector<1024x1024xf32> -> vector<1024x1024xf32>
    %iota3A = tpu.iota {dimensions = array<i32: 0>} : vector<1024x1xi32>
    %iota3A_22 = tpu.iota {dimensions = array<i32: 1>} : vector<1024x1024xi32>
    %eq3A = vector.broadcast %iota3A : vector<1024x1xi32> to vector<1024x1024xi32>
    %eq3A_23 = arith.cmpi eq, %eq3A, %iota3A_22 : vector<1024x1024xi32>
    %jit3A = arith.constant 0.000000e+00 : f32
    %broadcast_in_dim3A_24 = vector.broadcast %jit3A : f32 to vector<1024x1024xf32>
    %select_n3A = arith.select %eq3A_23, %dot_general3A_21, %broadcast_in_dim3A_24 : vector<1024x1024xi1>, vector<1024x1024xf32>
    %reduce_sum3A_25 = arith.constant dense<0.000000e+00> : vector<1024xf32>
    %reduce_sum3A_26 = vector.multi_reduction <add>, %select_n3A, %reduce_sum3A_25 [0] : vector<1024x1024xf32> to vector<1024xf32>
    %broadcast_in_dim3A_27 = vector.shape_cast %reduce_sum3A_26 : vector<1024xf32> to vector<1x1024xf32>
    %get3A_28 = arith.constant 0 : index
    %get3A_29 = arith.constant 0 : index
    %get3A_30 = vector.load %arg1[%get3A_28, %get3A_29] : memref<1x1024xf32, #tpu.memory_space<vmem>>, vector<1x1024xf32>
    %add3A = arith.constant 1.000000e+05 : f32
    %add3A_31 = vector.broadcast %add3A : f32 to vector<1x1024xf32>
    %add3A_32 = arith.addf %add3A_31, %get3A_30 : vector<1x1024xf32>
    %exp3A = math.exp %broadcast_in_dim3A_27 : vector<1x1024xf32>
    %add3A_33 = arith.constant 1.000000e+00 : f32
    %add3A_34 = vector.broadcast %add3A_33 : f32 to vector<1x1024xf32>
    %add3A_35 = arith.addf %add3A_34, %exp3A : vector<1x1024xf32>
    %div3A_36 = arith.divf %add3A_35, %add3A_32 : vector<1x1024xf32>
    %convert_element_type3A = arith.sitofp %get3A_0 : i32 to f32
    %mul3A_37 = vector.broadcast %convert_element_type3A : f32 to vector<1x1024xf32>
    %mul3A_38 = arith.mulf %div3A_36, %mul3A_37 : vector<1x1024xf32>
    %exp3A_39 = math.exp %mul3A_38 : vector<1x1024xf32>
    %div3A_40 = arith.constant 1.000000e+05 : f32
    %div3A_41 = vector.broadcast %div3A_40 : f32 to vector<1x1024xf32>
    %div3A_42 = arith.divf %exp3A_39, %div3A_41 : vector<1x1024xf32>
    %min3A = arith.constant 1.000000e-01 : f32
    %min3A_43 = vector.broadcast %min3A : f32 to vector<1x1024xf32>
    %min3A_44 = arith.minimumf %div3A_42, %min3A_43 : vector<1x1024xf32>
    %eq3A_45 = arith.constant 0 : i32
    %eq3A_46 = arith.cmpi eq, %get3A_0, %eq3A_45 : i32
    %jit3A_47 = arith.constant 0.000000e+00 : f32
    %broadcast_in_dim3A_48 = vector.broadcast %jit3A_47 : f32 to vector<1x1024xf32>
    %select_n3A_49 = arith.select %eq3A_46, %broadcast_in_dim3A_48, %min3A_44 : vector<1x1024xf32>
    %swap3A = arith.constant 0 : index
    %swap3A_50 = arith.constant 0 : index
    %swap3A_51 = vector.load %arg4[%swap3A, %swap3A_50] : memref<1x1024xf32, #tpu.memory_space<vmem>>, vector<1x1024xf32>
    tpu.vector_store %arg4[%swap3A, %swap3A_50], %select_n3A_49 {strides = array<i32>} : memref<1x1024xf32, #tpu.memory_space<vmem>>, vector<1x1024xf32>,
    return
  }
}

module attributes {stable_mosaic.version = 14 : i64} {
  func.func @colsum_dist(%arg0: i32, %arg1: memref<1024x256xf32, #tpu.memory_space<vmem>>, %arg2: memref<1024x256xf32, #tpu.memory_space<vmem>>, %arg3: memref<1x1024xf32, #tpu.memory_space<vmem>>, %arg4: memref<1024x256xf32, #tpu.memory_space<vmem>>) attributes {dimension_semantics = [#tpu.dimension_semantics<arbitrary>], iteration_bounds = array<i64: 98>, scalar_prefetch = 0 : i64, scratch_operands = 1 : i64, tpu.core_type = #tpu.core_type<tc>, window_params = [{transform_indices = @transform_0, window_bounds = array<i64: 1024, 256>}, {pipeline_mode = #tpu.pipeline_mode<synchronous>, transform_indices = @transform_1, window_bounds = array<i64: 1024, 256>}, {pipeline_mode = #tpu.pipeline_mode<synchronous>, transform_indices = @transform_2, window_bounds = array<i64: 1, 1024>}]} {
    %eq3A = arith.constant 0 : i32
    %eq3A_0 = arith.cmpi eq, %arg0, %eq3A : i32
    %convert_element_type3A = arith.extui %eq3A_0 : i1 to i32
    %cond3A = arith.constant 0 : i32
    %cond3A_1 = arith.cmpi ne, %convert_element_type3A, %cond3A : i32
    scf.if %cond3A_1 {
      %get3A_34 = arith.constant 0 : index
      %get3A_35 = arith.constant 0 : index
      %get3A_36 = vector.load %arg2[%get3A_34, %get3A_35] : memref<1024x256xf32, #tpu.memory_space<vmem>>, vector<1024x256xf32>
      %mul3A_37 = arith.mulf %get3A_36, %get3A_36 : vector<1024x256xf32>
      %reduce_sum3A_38 = arith.constant dense<0.000000e+00> : vector<1024xf32>
      %reduce_sum3A_39 = vector.multi_reduction <add>, %mul3A_37, %reduce_sum3A_38 [1] : vector<1024x256xf32> to vector<1024xf32>
      %broadcast_in_dim3A_40 = vector.shape_cast %reduce_sum3A_39 : vector<1024xf32> to vector<1024x1xf32>
      %sqrt3A_41 = math.sqrt %broadcast_in_dim3A_40 : vector<1024x1xf32>
      %max3A_42 = arith.constant 9.99999996E-13 : f32
      %max3A_43 = vector.broadcast %max3A_42 : f32 to vector<1024x1xf32>
      %max3A_44 = arith.maximumf %sqrt3A_41, %max3A_43 : vector<1024x1xf32>
      %div3A_45 = vector.broadcast %max3A_44 : vector<1024x1xf32> to vector<1024x256xf32>
      %div3A_46 = arith.divf %get3A_36, %div3A_45 : vector<1024x256xf32>
      %swap3A_47 = arith.constant 0 : index
      %swap3A_48 = arith.constant 0 : index
      %swap3A_49 = vector.load %arg4[%swap3A_47, %swap3A_48] : memref<1024x256xf32, #tpu.memory_space<vmem>>, vector<1024x256xf32>
      tpu.vector_store %arg4[%swap3A_47, %swap3A_48], %div3A_46 {strides = array<i32>} : memref<1024x256xf32, #tpu.memory_space<vmem>>, vector<1024x256xf32>,
      %broadcast_in_dim3A_50 = arith.constant 0.000000e+00 : f32
      %broadcast_in_dim3A_51 = vector.broadcast %broadcast_in_dim3A_50 : f32 to vector<1x1024xf32>
      %swap3A_52 = arith.constant 0 : index
      %swap3A_53 = arith.constant 0 : index
      %swap3A_54 = vector.load %arg3[%swap3A_52, %swap3A_53] : memref<1x1024xf32, #tpu.memory_space<vmem>>, vector<1x1024xf32>
      tpu.vector_store %arg3[%swap3A_52, %swap3A_53], %broadcast_in_dim3A_51 {strides = array<i32>} : memref<1x1024xf32, #tpu.memory_space<vmem>>, vector<1x1024xf32>,
    } else {
    }
    %mul3A = arith.constant 1024 : i32
    %mul3A_2 = arith.muli %arg0, %mul3A : i32
    %iota3A = tpu.iota {dimensions = array<i32: 0>} : vector<1024x1xi32>
    %add3A = vector.broadcast %mul3A_2 : i32 to vector<1024x1xi32>
    %add3A_3 = arith.addi %add3A, %iota3A : vector<1024x1xi32>
    %lt3A = arith.constant 100000 : i32
    %lt3A_4 = vector.broadcast %lt3A : i32 to vector<1024x1xi32>
    %lt3A_5 = arith.cmpi slt, %add3A_3, %lt3A_4 : vector<1024x1xi32>
    %get3A = arith.constant 0 : index
    %get3A_6 = arith.constant 0 : index
    %get3A_7 = vector.load %arg1[%get3A, %get3A_6] : memref<1024x256xf32, #tpu.memory_space<vmem>>, vector<1024x256xf32>
    %jit3A = arith.constant 0.000000e+00 : f32
    %broadcast_in_dim3A = vector.shape_cast %lt3A_5 : vector<1024x1xi1> to vector<1024x1xi1>
    %broadcast_in_dim3A_8 = vector.broadcast %broadcast_in_dim3A : vector<1024x1xi1> to vector<1024x256xi1>
    %broadcast_in_dim3A_9 = vector.broadcast %jit3A : f32 to vector<1024x256xf32>
    %select_n3A = arith.select %broadcast_in_dim3A_8, %get3A_7, %broadcast_in_dim3A_9 : vector<1024x256xi1>, vector<1024x256xf32>
    %mul3A_10 = arith.mulf %select_n3A, %select_n3A : vector<1024x256xf32>
    %reduce_sum3A = arith.constant dense<0.000000e+00> : vector<1024xf32>
    %reduce_sum3A_11 = vector.multi_reduction <add>, %mul3A_10, %reduce_sum3A [1] : vector<1024x256xf32> to vector<1024xf32>
    %broadcast_in_dim3A_12 = vector.shape_cast %reduce_sum3A_11 : vector<1024xf32> to vector<1024x1xf32>
    %sqrt3A = math.sqrt %broadcast_in_dim3A_12 : vector<1024x1xf32>
    %max3A = arith.constant 9.99999996E-13 : f32
    %max3A_13 = vector.broadcast %max3A : f32 to vector<1024x1xf32>
    %max3A_14 = arith.maximumf %sqrt3A, %max3A_13 : vector<1024x1xf32>
    %div3A = vector.broadcast %max3A_14 : vector<1024x1xf32> to vector<1024x256xf32>
    %div3A_15 = arith.divf %select_n3A, %div3A : vector<1024x256xf32>
    %get3A_16 = arith.constant 0 : index
    %get3A_17 = arith.constant 0 : index
    %get3A_18 = vector.load %arg4[%get3A_16, %get3A_17] : memref<1024x256xf32, #tpu.memory_space<vmem>>, vector<1024x256xf32>
    %dot_general3A = arith.constant dense<0.000000e+00> : vector<1024x1024xf32>
    %dot_general3A_19 = tpu.matmul %div3A_15, %get3A_18, %dot_general3A {dimension_numbers = #tpu.dot_dimension_numbers<[1], [1], [0], [0], [0, 0, 1, 0], [], []>, transpose_lhs_hint = false} : vector<1024x256xf32>, vector<1024x256xf32>, vector<1024x1024xf32> -> vector<1024x1024xf32>
    %exp3A = math.exp %dot_general3A_19 : vector<1024x1024xf32>
    %jit3A_20 = arith.constant 0.000000e+00 : f32
    %broadcast_in_dim3A_21 = vector.shape_cast %lt3A_5 : vector<1024x1xi1> to vector<1024x1xi1>
    %broadcast_in_dim3A_22 = vector.broadcast %broadcast_in_dim3A_21 : vector<1024x1xi1> to vector<1024x1024xi1>
    %broadcast_in_dim3A_23 = vector.broadcast %jit3A_20 : f32 to vector<1024x1024xf32>
    %select_n3A_24 = arith.select %broadcast_in_dim3A_22, %exp3A, %broadcast_in_dim3A_23 : vector<1024x1024xi1>, vector<1024x1024xf32>
    %get3A_25 = arith.constant 0 : index
    %get3A_26 = arith.constant 0 : index
    %get3A_27 = vector.load %arg3[%get3A_25, %get3A_26] : memref<1x1024xf32, #tpu.memory_space<vmem>>, vector<1x1024xf32>
    %reduce_sum3A_28 = arith.constant dense<0.000000e+00> : vector<1024xf32>
    %reduce_sum3A_29 = vector.multi_reduction <add>, %select_n3A_24, %reduce_sum3A_28 [0] : vector<1024x1024xf32> to vector<1024xf32>
    %broadcast_in_dim3A_30 = vector.shape_cast %reduce_sum3A_29 : vector<1024xf32> to vector<1x1024xf32>
    %add3A_31 = arith.addf %get3A_27, %broadcast_in_dim3A_30 : vector<1x1024xf32>
    %swap3A = arith.constant 0 : index
    %swap3A_32 = arith.constant 0 : index
    %swap3A_33 = vector.load %arg3[%swap3A, %swap3A_32] : memref<1x1024xf32, #tpu.memory_space<vmem>>, vector<1x1024xf32>
    tpu.vector_store %arg3[%swap3A, %swap3A_32], %add3A_31 {strides = array<i32>} : memref<1x1024xf32, #tpu.memory_space<vmem>>, vector<1x1024xf32>,
    return
  }
  func.func @transform_0(%arg0: i32) -> (i32, i32) {
    %c0_i32 = arith.constant 0 : i32
    %c0_i32_0 = arith.constant 0 : i32
    return %arg0, %c0_i32 : i32, i32
  }
  func.func @transform_1(%arg0: i32) -> (i32, i32) {
    %c0_i32 = arith.constant 0 : i32
    %c0_i32_0 = arith.constant 0 : i32
    %c0_i32_1 = arith.constant 0 : i32
    return %c0_i32, %c0_i32_0 : i32, i32
  }
  func.func @transform_2(%arg0: i32) -> (i32, i32) {
    %c0_i32 = arith.constant 0 : i32
    %c0_i32_0 = arith.constant 0 : i32
    %c0_i32_1 = arith.constant 0 : i32
    return %c0_i32, %c0_i32_0 : i32, i32
  }
}

</mosaic_0001>

<sc_bundles>
// kernel: dt_gather.3.cloned.1.call-start
scs
__scs_entry_jumppad:
0x0: {  	(pc) =	sbr.rel $0x88, $3  }
0x1: {  	(tag) =	ssettag $0x0;
	lr =	simm.s32 $0x1  }
0x2: {  	[smem:$0x3F9B] =	sst lr;
	_ =	strace $0xD0000000  }
0x3: {  	_ = 	snop  }
0x4: {  	_ = 	snop  }
0x5: {  	_ = 	snop  }
0x6: {  	_ = 	snop  }
0x7: {  	_ = 	snop  }
__scs_overlays_trampoline_lowered:
0x8: {  	[smem:$0x3FAA] =	sst s0  }
0x9: {  	[smem:$0x3FAB] =	sst s1  }
0xa: {  	[smem:$0x3FAC] =	sst s2  }
0xb: {  	[smem:$0x3FAD] =	sst s3  }
0xc: {  	[smem:$0x3FAE] =	sst s4  }
0xd: {  	[smem:$0x3FAF] =	sst s5  }
0xe: {  	[smem:$0x3FB0] =	sst s6  }
0xf: {  	[smem:$0x3FB1] =	sst s7  }
0x10: {  	[smem:$0x3FB2] =	sst s8  }
0x11: {  	[smem:$0x3FB3] =	sst s9;
	s0 =	simm.s32 @!p0 $0x0  }
0x12: {  	s1 =	sld [smem:$0x3F99];
	s0 =	simm.s32 @p0 $0x1  }
0x13: {  	[smem:$0x3FB4] =	sst s0;
	s0 =	simm.s32 @!p1 $0x0  }
0x14: {  	s2 =	sld [smem:$0x3F98];
	s0 =	simm.s32 @p1 $0x1  }
0x15: {  	[smem:$0x3FB5] =	sst s0;
	s0 =	simm.s32 @!p2 $0x0  }
0x16: {  	s3 =	sld [smem:$0x3FDB];
	s0 =	simm.s32 @p2 $0x1  }
0x17: {  	s4 =	simm.s32 $0x1BF5;
	[smem:$0x3FB7] =	sst s0  }
0x18: {  	s0 =	sld [smem:$0x3F9A];
	_ =	swait.ge [sflag:s4], $0x0  }
0x19: {  	s7 =	sld [smem:$0x3F9B]  }
0x1a: {  	s8 =	sadd.s32 $0xFFFFE003, lr  }
0x1b: {  	s9 =	sadd.s32 $0xFFFFFEF7, lr;
	s5 =	simm.s32 $0xFFFFFFFF;
	p2 =	slt.u32 s8, $0xFFFFF086  }
0x1c: {  	p1 =	slt.u32 s9, $0xF7A;
	s5 =	simm.s32 @!p2 $0x0  }
0x1d: {  	s5 =	simm.s32 @p1 $0x1;
	p0 =	seq.s32 s7, s2  }
0x1e: {  	s7 =	smul.u32 @!p0 $0xF7A, s2;
	p2 =	seq.s32 @!p0 s5, $0x0  }
0x1f: {  	s9 =	smul.u32 $0xF7A, s1;
	s8 =	simm.s32 @!p0 $0x1BF5;
	p2 =	por !p2, p0  }
0x20: {  	[sflag:s8] =	ssyncset.s32 @!p0 $0xFFFFF086;
	s6 =	sadd.s32 @!p0 s3, s7;
	s7 =	simm.s32 @!p0 $0x108  }
0x21: {  	s3 =	sadd.s32 s3, s9;
	s6 =	sadd.s32 @!p0 $0x88, s6;
	s7 =	simm.s32 @p2 $0x1082  }
0x22: {  	[simem:s7], [sflag:s8] =	dma.local @!p0 [hbm:s6], $0xF7A  }
0x23: {  	s9 =	sor.u32 $0xD0000000, s2;
	s6 =	simm.s32 $0x108;
	_ =	swait.ge @!p0 [sflag:s8], $0x0  }
0x24: {  	s3 =	sadd.s32 $0x88, s3;
	s6 =	simm.s32 @!p1 $0x1082;
	[sflag:s4] =	ssyncset.s32 $0xFFFFF086  }
0x25: {  	[simem:s6], [sflag:s4] =	dma.local [hbm:s3], $0xF7A  }
0x26: {  	[smem:$0x3F9B] =	sst s1;
	(tag) =	ssettag s2;
	_ =	strace s9  }
0x27: {  	s1 =	sld [smem:$0x3FAB]  }
0x28: {  	s2 =	sld [smem:$0x3FAC]  }
0x29: {  	s4 =	sld [smem:$0x3FAE]  }
0x2a: {  	p0 =	seq.s32 s5, $0x0;
	s5 =	sld [smem:$0x3FAF]  }
0x2b: {  	s6 =	sld [smem:$0x3FB0]  }
0x2c: {  	s7 =	sld [smem:$0x3FB1]  }
0x2d: {  	s3 =	simm.s32 $0x108;
	s8 =	sld [smem:$0x3FB2]  }
0x2e: {  	s3 =	simm.s32 @!p0 $0x1082;
	s9 =	sld [smem:$0x3FB3]  }
0x2f: {  	lr =	sadd.s32 s0, s3;
	s0 =	sld [smem:$0x3FAA]  }
0x30: {  	s3 =	sld [smem:$0x3FAD]  }
0x31: {  	[smem:$0x3FB6] =	sst s10  }
0x32: {  	s10 =	sld [smem:$0x3FB4];
	_ =	sdelay $0x3  }
0x33: {  	p0 =	seq.s32 s10, $0x1;
	s10 =	sld [smem:$0x3FB6];
	_ =	sdelay $0x3  }
0x34: {  	[smem:$0x3FB6] =	sst s10  }
0x35: {  	s10 =	sld [smem:$0x3FB5];
	_ =	sdelay $0x3  }
0x36: {  	p1 =	seq.s32 s10, $0x1;
	s10 =	sld [smem:$0x3FB6];
	_ =	sdelay $0x3  }
0x37: {  	[smem:$0x3FB6] =	sst s10  }
0x38: {  	s10 =	sld [smem:$0x3FB7]  }
0x39: {  	_ = 	snop;
	(pc) =	sbr.ind lr, $3  }
0x3a: {  	_ = 	snop  }
0x3b: {  	_ = 	snop  }
0x3c: {  	p2 =	seq.s32 s10, $0x1;
	s10 =	sld [smem:$0x3FB6]  }
0x3d: {  	_ =	shalt  }
0x3e: {  	_ =	shalt  }
0x3f: {  	_ =	shalt  }
0x40: {  	_ =	shalt  }
0x41: {  	_ =	shalt  }
0x42: {  	_ =	shalt  }
0x43: {  	_ =	shalt  }
0x44: {  	_ =	shalt  }
0x45: {  	_ =	shalt  }
0x46: {  	_ =	shalt  }
0x47: {  	_ =	shalt  }
0x48: {  	_ =	shalt  }
0x49: {  	_ =	shalt  }
0x4a: {  	_ =	shalt  }
0x4b: {  	_ =	shalt  }
0x4c: {  	_ =	shalt  }
0x4d: {  	_ =	shalt  }
0x4e: {  	_ =	shalt  }
0x4f: {  	_ =	shalt  }
0x50: {  	_ =	shalt  }
0x51: {  	_ =	shalt  }
0x52: {  	_ =	shalt  }
0x53: {  	_ =	shalt  }
0x54: {  	_ =	shalt  }
0x55: {  	_ =	shalt  }
0x56: {  	_ =	shalt  }
0x57: {  	_ =	shalt  }
0x58: {  	_ =	shalt  }
0x59: {  	_ =	shalt  }
0x5a: {  	_ =	shalt  }
0x5b: {  	_ =	shalt  }
0x5c: {  	_ =	shalt  }
0x5d: {  	_ =	shalt  }
0x5e: {  	_ =	shalt  }
0x5f: {  	_ =	shalt  }
0x60: {  	_ =	shalt  }
0x61: {  	_ =	shalt  }
0x62: {  	_ =	shalt  }
0x63: {  	_ =	shalt  }
0x64: {  	_ =	shalt  }
0x65: {  	_ =	shalt  }
0x66: {  	_ =	shalt  }
0x67: {  	_ =	shalt  }
0x68: {  	_ =	shalt  }
0x69: {  	_ =	shalt  }
0x6a: {  	_ =	shalt  }
0x6b: {  	_ =	shalt  }
0x6c: {  	_ =	shalt  }
0x6d: {  	_ =	shalt  }
0x6e: {  	_ =	shalt  }
0x6f: {  	_ =	shalt  }
0x70: {  	_ =	shalt  }
0x71: {  	_ =	shalt  }
0x72: {  	_ =	shalt  }
0x73: {  	_ =	shalt  }
0x74: {  	_ =	shalt  }
0x75: {  	_ =	shalt  }
0x76: {  	_ =	shalt  }
0x77: {  	_ =	shalt  }
0x78: {  	_ =	shalt  }
0x79: {  	_ =	shalt  }
0x7a: {  	_ =	shalt  }
0x7b: {  	_ =	shalt  }
0x7c: {  	_ =	shalt  }
0x7d: {  	_ =	shalt  }
0x7e: {  	_ =	shalt  }
0x7f: {  	_ =	shalt  }
0x80: {  	_ =	shalt  }
0x81: {  	_ =	shalt  }
0x82: {  	_ =	shalt  }
0x83: {  	_ =	shalt  }
0x84: {  	_ =	shalt  }
0x85: {  	_ =	shalt  }
0x86: {  	_ =	shalt  }
0x87: {  	_ =	shalt  }
.Lfunc_end0:
.L_simem_size_0:
called_computation.1_lowered:
.L_overlay_start_0:
0x88: {  	s2 =	sld [smem:$0x3FD9]  }
0x89: {  	s3 =	sld [smem:$0x3FFE];
	_ =	sdelay $0x1  }
0x8a: {  	s1 =	srdreg.scid  }
0x8b: {  	s0 =	sand.u32 $0x1, s1  }
0x8c: {  	s14 =	sshll.u32 s0, $0xA;
	s2 =	sadd.s32 s3, s2  }
0x8d: {  	s2 =	sadd.s32 s2, s14  }
0x8e: {  	[smem:$0x3FC2] =	sst s2  }
0x8f: {  	_ = 	snop  }
0x90: {  	s2 =	sld [smem:$0x3FD0];
	_ =	sdelay $0x2  }
0x91: {  	s4 =	simm.s32 $0xA;
	s5 =	simm.s32 $0x10;
	s15 =	sld [smem:$0x3FC8]  }
0x92: {  	[smem:s5], [sflag:s4] =	dma.local [hbm:s2], $0x1  }
0x93: {  	_ =	swait.eq [sflag:s4], $0x1  }
0x94: {  	[sflag:s4] =	ssyncset.done $0x0  }
0x95: {  	[sflag:s4] =	ssyncadd.s32 $0xFFFFFFFF  }
0x96: {  	s16 =	sld [smem:$0x10];
	(tm) =	ssettm $0x1  }
0x97: {  	s17 =	sld [smem:$0x3FFB];
	_ =	sdelay $0x3  }
0x98: {  	_ =	strace s17  }
0x99: {  	s4 =	sld [smem:$0x3FFC];
	_ =	sdelay $0x3  }
0x9a: {  	_ =	strace s4  }
0x9b: {  	s4 =	sld [smem:$0x3FFD];
	_ =	sdelay $0x3  }
0x9c: {  	_ =	strace s4  }
0x9d: {  	_ =	strace $0x8FFFFFFF  }
0x9e: {  	s18 =	sld [smem:$0x3FDB];
	_ =	sdelay $0x1  }
0x9f: {  	s19 =	simm.s32 $_scs_section_size  }
0xa0: {  	s6 =	simm.s32 $_size__tile_overlayer_lowered;
	s7 =	simm.s32 $_tile_overlayer_lowered  }
0xa1: {  	s22 =	simm.s32 $0x1BFF;
	s21 =	sshll.u32 s7, $0x1;
	s4 =	sadd.s32 s19, s18  }
0xa2: {  	s8 =	simm.s32 $0x0;
	s20 =	sshll.u32 s6, $0x1;
	s6 =	sadd.s32 s21, s4  }
0xa3: {  	[timem:s8], [sflag:s22] =	dma.local [hbm:s6], s20  }
0xa4: {  	_ =	swait.ge [sflag:s22], s20  }
0xa5: {  	s5 =	ssub.s32 $0x0, s20;
	[sflag:s22] =	ssyncset.done $0x0  }
0xa6: {  	[sflag:s22] =	ssyncadd.s32 s5;
	_ =	sdelay $0x1  }
0xa7: {  	s23 =	simm.s32 $0x1B8B  }
0xa8: {  	_ =	swait.ge [sflag:s23], $0x1  }
0xa9: {  	[sflag:s23] =	ssyncset.done $0x0  }
0xaa: {  	s25 =	simm.s32 $0x1B8E;
	s24 =	sld [smem:$0x3FFE];
	[sflag:s23] =	ssyncadd.s32 $0xFFFFFFFF  }
0xab: {  	s26 =	simm.s32 $execute0_lowered;
	[smem:$0x3FD2] =	sst s25  }
0xac: {  	s6 =	sshll.u32 s26, $0x1;
	_ =	strace $0x80000049;
	[dreg:$0x1] =	wrdreg $0xFFFFFFFF  }
0xad: {  	s28 =	simm.s32 $_size_execute0_lowered;
	s4 =	sadd.s32 s4, s6;
	[dreg:$0x0] =	wrdreg $0x0  }
0xae: {  	s6 =	sshll.u32 s28, $0x1;
	[dreg:$0x2] =	wrdreg s4  }
0xaf: {  	[dreg:$0x3] =	wrdreg s6  }
0xb0: {  	[dreg:$0x4] =	wrdreg $0xC0  }
0xb1: {  	_ =	task [dreg:s8], $0x5FFFF  }
0xb2: {  	[dreg:$0x1] =	wrdreg $0xFFFFFFFF  }
0xb3: {  	[dreg:$0x0] =	wrdreg $0x60  }
0xb4: {  	[dreg:$0x2] =	wrdreg s15  }
0xb5: {  	[dreg:$0x3] =	wrdreg s16  }
0xb6: {  	[dreg:$0x4] =	wrdreg s24  }
0xb7: {  	[dreg:$0x5] =	wrdreg $0x9  }
0xb8: {  	_ =	task.clear_ibuf [dreg:s8], $0x6FFFF;
	_ =	strace $0x90000049  }
0xb9: {  	s29 =	simm.s32 $0x9;
	_ =	strace $0x8000004B  }
0xba: {  	_ =	swait.ge [sflag:s29], $0x1  }
0xbb: {  	[sflag:s29] =	ssyncadd.s32 $0xFFFFFFFF  }
0xbc: {  	_ =	strace $0x9000004B  }
0xbd: {  	_ =	sfence  }
0xbe: {  	s30 =	sld [smem:$0x0];
	_ =	sdelay $0x2  }
0xbf: {  	s31 =	sshll.u32 s1, $0xD;
	s1 =	sshrl.u32 s1, $0x2  }
0xc0: {  	s3 =	sand.u32 $0x4000, s31;
	s1 =	sadd.s32 s1, s30  }
0xc1: {  	s0 =	sor.u32 s3, s0;
	s1 =	sshll.u32 s1, $0x11  }
0xc2: {  	s0 =	sor.u32 s1, s0  }
0xc3: {  	s0 =	sadd.s32 $0x8F2B, s0  }
0xc4: {  	[sflag:s0] =	ssyncadd.remote.s32 $0x1  }
0xc5: {  	_ =	sfence.sel $0xFFFF  }
0xc6: {  	[dreg:$0x0] =	wrdreg $0xFFFFFFFF;
	(pc) =	sbr.abs _section_cstart, $3  }
0xc7: {  	[dreg:$0x1] =	wrdreg $0xFFFFFFFF  }
0xc8: {  	_ =	task.clear_ibuf [dreg:s8], $0x2FFFF;
	_ =	strace $0x9FFFFFFF  }
0xc9: {  	(tm) =	ssettm $0x7FFFFFFF  }
tec
execute0_lowered:
.L_overlay_start_1:
0x0: {  	(tag) =	ssettag $0x1  }
0x1: {  	s4 =	rddreg [dreg:$0x0]  }
0x2: {  	s2 =	rddreg [dreg:$0x1]  }
0x3: {  	s5 =	rddreg [dreg:$0x2];
	s3 =	srdreg.scid  }
0x4: {  	s0 =	rddreg [dreg:$0x3];
	s1 =	stileid.u32;
	s10 =	simm.s32 $0x1080  }
0x5: {  	s11 =	simm.s32 $0x1880;
	s12 =	simm.s32 $0x1;
	s6 =	sand.u32 $0x1, s3  }
0x6: {  	s3 =	simm.s32 $0x0;
	s7 =	sshll.u32 s1, $0x6;
	s8 =	sshll.u32 s6, $0x5  }
0x7: {  	[smem:$0x7FF] =	sst s3;
	s6 =	ssub.s32 $0x2, s6;
	s7 =	sor.u32 s8, s7  }
0x8: {  	_ =	strace $0x8000004A;
	s9 =	sshrl.u32 s6, $0x1;
	s8 =	sshll.u32 s7, $0x5  }
0x9: {  	v2 =	vlaneseq.u32;
	s6 =	ssub.s32 s6, s9;
	s7 =	sshrl.u32 s7, $0x3;
	s9 =	simm.s32 $0x880  }
0xa: {  	vm0 =	vmmov $0xffff;
	v1 =	vshrl.u32 v2, $0x3;
	s5 =	sadd.s32 s8, s5;
	s4 =	sadd.s32 s4, s7;
	s6 =	smax.u32 s6, $0x1  }
0xb: {  	v0 =	vand.u32 $0x7, v2;
	v2 =	vor.u32 $0x8, v2;
	v1 =	vmul.u32 $0x8, v1;
	s7 =	simm.s32 $0x2;
	s8 =	simm.s32 $0x80;
	s5 =	sadd.s32 $0xC00, s5  }
.LBB2_1:
0xc: {  	[tilespmem:s3], [sflag:$0x2] =	stream.linear.gather [hbm4b:s4+s3], $0x20, $0x38;
	[tilespmem:$0x2080] =	vst v63  }
0xd: {  	_ =	swait.ge [sflag:s7], $0x20  }
0xe: {  	[sflag:s7] =	ssyncset.done $0x0  }
0xf: {  	[sflag:s7] =	ssyncadd.s32 $0xFFFFFFE0  }
0x10: {  	v3 =	vld [tilespmem:$0x0];
	_ =	sdelay $0x4  }
0x11: {  	v4 =	vshll.u32 v3, $0x1  }
0x12: {  	v3 =	vand.u32 $0x7, v3;
	v4 =	vand.u32 $0xFFFFFFF0, v4  }
0x13: {  	v3 =	vor.u32 v3, v4  }
0x14: {  	v4 =	vperm.xlane v3, v0;
	_ =	sdelay $0x1  }
0x15: {  	v3 =	vperm.xlane v3, v2;
	v4 =	vadd.s32 v1, v4;
	_ =	sdelay $0x1  }
0x16: {  	v3 =	vadd.s32 v1, v3;
	_ =	sdelay $0x2  }
0x17: {  	[tilespmem:s8], [sflag:$0x1] =	stream.indirect_vreg.gather [hbm4b:s2+s3], $0x80, v4, vm0, $0xb8;
	[tilespmem:$0x2080] =	vst v63  }
0x18: {  	_ = 	snop  }
0x19: {  	[tilespmem:s9], [sflag:$0x1] =	stream.indirect_vreg.gather [hbm4b:s2+s3], $0x80, v3, vm0, $0xb8;
	[tilespmem:$0x2080] =	vst v63  }
0x1a: {  	v3 =	vld [tilespmem:$0x10];
	_ =	sdelay $0x4  }
0x1b: {  	v63 =	vshll.u32 v3, $0x1  }
0x1c: {  	v3 =	vand.u32 $0x7, v3;
	v4 =	vand.u32 $0xFFFFFFF0, v63  }
0x1d: {  	v3 =	vor.u32 v3, v4  }
0x1e: {  	v4 =	vperm.xlane v3, v0;
	_ =	sdelay $0x1  }
0x1f: {  	v3 =	vperm.xlane v3, v2;
	v4 =	vadd.s32 v1, v4;
	_ =	sdelay $0x1  }
0x20: {  	v3 =	vadd.s32 v1, v3;
	_ =	sdelay $0x2  }
0x21: {  	[tilespmem:s10], [sflag:$0x1] =	stream.indirect_vreg.gather [hbm4b:s2+s3], $0x80, v4, vm0, $0xb8;
	[tilespmem:$0x2080] =	vst v63  }
0x22: {  	_ = 	snop  }
0x23: {  	[tilespmem:s11], [sflag:$0x1] =	stream.indirect_vreg.gather [hbm4b:s2+s3], $0x80, v3, vm0, $0xb8;
	[tilespmem:$0x2080] =	vst v63  }
0x24: {  	_ =	swait.ge [sflag:s12], $0x2000  }
0x25: {  	p0 =	sne.s32 s6, $0x1;
	[sflag:s12] =	ssyncset.done $0x0  }
.Ltmp0:
0x26: {  	[sflag:s12] =	ssyncadd.s32 $0xFFFFE000;
	(pc) =	sbr.rel @p0 .LBB2_1-.Ltmp0, $4  }
0x27: {  	[hbm4b:s5+s3] =	stream.linear.scatter [tilespmem:s8], [sflag:$0x2], $0x2000, $0x38;
	[tilespmem:$0x2080] =	vst v63  }
0x28: {  	_ =	swait.ge [sflag:s7], $0x2000  }
0x29: {  	[sflag:s7] =	ssyncset.done $0x0  }
0x2a: {  	s6 =	sadd.s32 $0xFFFFFFFF, s6;
	[sflag:s7] =	ssyncadd.s32 $0xFFFFE000  }
0x2b: {  	_ =	sfence.sel $0x180000  }
0x2c: {  	[bflag:$0x0] =	sbarrier.arrive $0xFFFF  }
0x2d: {  	p0 =	sne.s32 s1, $0x0;
	_ =	strace $0x9000004A  }
0x2e: {  	s0 =	sadd.s32 @!p0 $0x100000, s0;
	[bflag:$0x2] =	sbarrier.arrive $0xFFFF  }
0x2f: {  	[sflag:s0] =	ssyncadd.tile.s32 @!p0 $0x1;
	_ =	shalt  }
.Lfunc_end2:
_tile_overlayer_lowered:
.L_overlay_start_2:
0x30: {  	(tag) =	ssettag $0x2  }
0x31: {  	s0 =	rddreg [dreg:$0x0];
	s2 =	stileid.u32  }
0x32: {  	s1 =	rddreg [dreg:$0x1];
	p0 =	sne.s32 s2, $0x0  }
0x33: {  	s3 =	rddreg [dreg:$0x2];
	[bflag:$0x3] =	sbarrier.arrive $0xFFFF;
	s2 =	simm.s32 @!p0 $0x1C02  }
0x34: {  	[timem:s3], [sflag:s2] =	dma.local @!p0 [hbm:s0], s1  }
0x35: {  	s0 =	simm.s32 @!p0 $0x2  }
0x36: {  	_ =	swait.ge @!p0 [sflag:s0], s1  }
0x37: {  	s1 =	ssub.s32 @!p0 $0x0, s1;
	[sflag:s0] =	ssyncset.done @!p0 $0x0  }
0x38: {  	[sflag:s0] =	ssyncadd.s32 @!p0 s1  }
0x39: {  	[bflag:$0x3] =	sbarrier.arrive $0xFFFF  }
0x3a: {  	_ =	shalt  }

// kernel: sc_center_update.3.cloned.1.call-start
scs
__scs_entry_jumppad:
0x0: {  	(pc) =	sbr.rel $0x88, $3  }
0x1: {  	(tag) =	ssettag $0x0;
	lr =	simm.s32 $0x1  }
0x2: {  	[smem:$0x3F9B] =	sst lr;
	_ =	strace $0xD0000000  }
0x3: {  	_ = 	snop  }
0x4: {  	_ = 	snop  }
0x5: {  	_ = 	snop  }
0x6: {  	_ = 	snop  }
0x7: {  	_ = 	snop  }
__scs_overlays_trampoline_lowered:
0x8: {  	[smem:$0x3FAA] =	sst s0  }
0x9: {  	[smem:$0x3FAB] =	sst s1  }
0xa: {  	[smem:$0x3FAC] =	sst s2  }
0xb: {  	[smem:$0x3FAD] =	sst s3  }
0xc: {  	[smem:$0x3FAE] =	sst s4  }
0xd: {  	[smem:$0x3FAF] =	sst s5  }
0xe: {  	[smem:$0x3FB0] =	sst s6  }
0xf: {  	[smem:$0x3FB1] =	sst s7  }
0x10: {  	[smem:$0x3FB2] =	sst s8  }
0x11: {  	[smem:$0x3FB3] =	sst s9;
	s0 =	simm.s32 @!p0 $0x0  }
0x12: {  	s1 =	sld [smem:$0x3F99];
	s0 =	simm.s32 @p0 $0x1  }
0x13: {  	[smem:$0x3FB4] =	sst s0;
	s0 =	simm.s32 @!p1 $0x0  }
0x14: {  	s2 =	sld [smem:$0x3F98];
	s0 =	simm.s32 @p1 $0x1  }
0x15: {  	[smem:$0x3FB5] =	sst s0;
	s0 =	simm.s32 @!p2 $0x0  }
0x16: {  	s3 =	sld [smem:$0x3FDB];
	s0 =	simm.s32 @p2 $0x1  }
0x17: {  	s4 =	simm.s32 $0x1BF5;
	[smem:$0x3FB7] =	sst s0  }
0x18: {  	s0 =	sld [smem:$0x3F9A];
	_ =	swait.ge [sflag:s4], $0x0  }
0x19: {  	s7 =	sld [smem:$0x3F9B]  }
0x1a: {  	s8 =	sadd.s32 $0xFFFFE003, lr  }
0x1b: {  	s9 =	sadd.s32 $0xFFFFFEF7, lr;
	s5 =	simm.s32 $0xFFFFFFFF;
	p2 =	slt.u32 s8, $0xFFFFF086  }
0x1c: {  	p1 =	slt.u32 s9, $0xF7A;
	s5 =	simm.s32 @!p2 $0x0  }
0x1d: {  	s5 =	simm.s32 @p1 $0x1;
	p0 =	seq.s32 s7, s2  }
0x1e: {  	s7 =	smul.u32 @!p0 $0xF7A, s2;
	p2 =	seq.s32 @!p0 s5, $0x0  }
0x1f: {  	s9 =	smul.u32 $0xF7A, s1;
	s8 =	simm.s32 @!p0 $0x1BF5;
	p2 =	por !p2, p0  }
0x20: {  	[sflag:s8] =	ssyncset.s32 @!p0 $0xFFFFF086;
	s6 =	sadd.s32 @!p0 s3, s7;
	s7 =	simm.s32 @!p0 $0x108  }
0x21: {  	s3 =	sadd.s32 s3, s9;
	s6 =	sadd.s32 @!p0 $0x88, s6;
	s7 =	simm.s32 @p2 $0x1082  }
0x22: {  	[simem:s7], [sflag:s8] =	dma.local @!p0 [hbm:s6], $0xF7A  }
0x23: {  	s9 =	sor.u32 $0xD0000000, s2;
	s6 =	simm.s32 $0x108;
	_ =	swait.ge @!p0 [sflag:s8], $0x0  }
0x24: {  	s3 =	sadd.s32 $0x88, s3;
	s6 =	simm.s32 @!p1 $0x1082;
	[sflag:s4] =	ssyncset.s32 $0xFFFFF086  }
0x25: {  	[simem:s6], [sflag:s4] =	dma.local [hbm:s3], $0xF7A  }
0x26: {  	[smem:$0x3F9B] =	sst s1;
	(tag) =	ssettag s2;
	_ =	strace s9  }
0x27: {  	s1 =	sld [smem:$0x3FAB]  }
0x28: {  	s2 =	sld [smem:$0x3FAC]  }
0x29: {  	s4 =	sld [smem:$0x3FAE]  }
0x2a: {  	p0 =	seq.s32 s5, $0x0;
	s5 =	sld [smem:$0x3FAF]  }
0x2b: {  	s6 =	sld [smem:$0x3FB0]  }
0x2c: {  	s7 =	sld [smem:$0x3FB1]  }
0x2d: {  	s3 =	simm.s32 $0x108;
	s8 =	sld [smem:$0x3FB2]  }
0x2e: {  	s3 =	simm.s32 @!p0 $0x1082;
	s9 =	sld [smem:$0x3FB3]  }
0x2f: {  	lr =	sadd.s32 s0, s3;
	s0 =	sld [smem:$0x3FAA]  }
0x30: {  	s3 =	sld [smem:$0x3FAD]  }
0x31: {  	[smem:$0x3FB6] =	sst s10  }
0x32: {  	s10 =	sld [smem:$0x3FB4];
	_ =	sdelay $0x3  }
0x33: {  	p0 =	seq.s32 s10, $0x1;
	s10 =	sld [smem:$0x3FB6];
	_ =	sdelay $0x3  }
0x34: {  	[smem:$0x3FB6] =	sst s10  }
0x35: {  	s10 =	sld [smem:$0x3FB5];
	_ =	sdelay $0x3  }
0x36: {  	p1 =	seq.s32 s10, $0x1;
	s10 =	sld [smem:$0x3FB6];
	_ =	sdelay $0x3  }
0x37: {  	[smem:$0x3FB6] =	sst s10  }
0x38: {  	s10 =	sld [smem:$0x3FB7]  }
0x39: {  	_ = 	snop;
	(pc) =	sbr.ind lr, $3  }
0x3a: {  	_ = 	snop  }
0x3b: {  	_ = 	snop  }
0x3c: {  	p2 =	seq.s32 s10, $0x1;
	s10 =	sld [smem:$0x3FB6]  }
0x3d: {  	_ =	shalt  }
0x3e: {  	_ =	shalt  }
0x3f: {  	_ =	shalt  }
0x40: {  	_ =	shalt  }
0x41: {  	_ =	shalt  }
0x42: {  	_ =	shalt  }
0x43: {  	_ =	shalt  }
0x44: {  	_ =	shalt  }
0x45: {  	_ =	shalt  }
0x46: {  	_ =	shalt  }
0x47: {  	_ =	shalt  }
0x48: {  	_ =	shalt  }
0x49: {  	_ =	shalt  }
0x4a: {  	_ =	shalt  }
0x4b: {  	_ =	shalt  }
0x4c: {  	_ =	shalt  }
0x4d: {  	_ =	shalt  }
0x4e: {  	_ =	shalt  }
0x4f: {  	_ =	shalt  }
0x50: {  	_ =	shalt  }
0x51: {  	_ =	shalt  }
0x52: {  	_ =	shalt  }
0x53: {  	_ =	shalt  }
0x54: {  	_ =	shalt  }
0x55: {  	_ =	shalt  }
0x56: {  	_ =	shalt  }
0x57: {  	_ =	shalt  }
0x58: {  	_ =	shalt  }
0x59: {  	_ =	shalt  }
0x5a: {  	_ =	shalt  }
0x5b: {  	_ =	shalt  }
0x5c: {  	_ =	shalt  }
0x5d: {  	_ =	shalt  }
0x5e: {  	_ =	shalt  }
0x5f: {  	_ =	shalt  }
0x60: {  	_ =	shalt  }
0x61: {  	_ =	shalt  }
0x62: {  	_ =	shalt  }
0x63: {  	_ =	shalt  }
0x64: {  	_ =	shalt  }
0x65: {  	_ =	shalt  }
0x66: {  	_ =	shalt  }
0x67: {  	_ =	shalt  }
0x68: {  	_ =	shalt  }
0x69: {  	_ =	shalt  }
0x6a: {  	_ =	shalt  }
0x6b: {  	_ =	shalt  }
0x6c: {  	_ =	shalt  }
0x6d: {  	_ =	shalt  }
0x6e: {  	_ =	shalt  }
0x6f: {  	_ =	shalt  }
0x70: {  	_ =	shalt  }
0x71: {  	_ =	shalt  }
0x72: {  	_ =	shalt  }
0x73: {  	_ =	shalt  }
0x74: {  	_ =	shalt  }
0x75: {  	_ =	shalt  }
0x76: {  	_ =	shalt  }
0x77: {  	_ =	shalt  }
0x78: {  	_ =	shalt  }
0x79: {  	_ =	shalt  }
0x7a: {  	_ =	shalt  }
0x7b: {  	_ =	shalt  }
0x7c: {  	_ =	shalt  }
0x7d: {  	_ =	shalt  }
0x7e: {  	_ =	shalt  }
0x7f: {  	_ =	shalt  }
0x80: {  	_ =	shalt  }
0x81: {  	_ =	shalt  }
0x82: {  	_ =	shalt  }
0x83: {  	_ =	shalt  }
0x84: {  	_ =	shalt  }
0x85: {  	_ =	shalt  }
0x86: {  	_ =	shalt  }
0x87: {  	_ =	shalt  }
.Lfunc_end0:
.L_simem_size_0:
called_computation_lowered:
.L_overlay_start_0:
0x88: {  	s2 =	sld [smem:$0x3FD9]  }
0x89: {  	s3 =	sld [smem:$0x3FFE];
	_ =	sdelay $0x1  }
0x8a: {  	s1 =	srdreg.scid  }
0x8b: {  	s0 =	sand.u32 $0x1, s1  }
0x8c: {  	s15 =	sshll.u32 s0, $0xA;
	s2 =	sadd.s32 s3, s2  }
0x8d: {  	s2 =	sadd.s32 s2, s15  }
0x8e: {  	[smem:$0x3FC2] =	sst s2  }
0x8f: {  	_ = 	snop  }
0x90: {  	s2 =	sld [smem:$0x3FD0];
	_ =	sdelay $0x1  }
0x91: {  	s16 =	sld [smem:$0x3FC7]  }
0x92: {  	s5 =	simm.s32 $0xA;
	s6 =	simm.s32 $0x10;
	s4 =	sld [smem:$0x3FC6]  }
0x93: {  	[smem:s6], [sflag:s5] =	dma.local [hbm:s2], $0x1  }
0x94: {  	_ =	swait.eq [sflag:s5], $0x1  }
0x95: {  	[sflag:s5] =	ssyncset.done $0x0  }
0x96: {  	[sflag:s5] =	ssyncadd.s32 $0xFFFFFFFF  }
0x97: {  	s17 =	sld [smem:$0x10];
	(tm) =	ssettm $0x1  }
0x98: {  	s18 =	sld [smem:$0x3FFB];
	_ =	sdelay $0x3  }
0x99: {  	_ =	strace s18  }
0x9a: {  	s5 =	sld [smem:$0x3FFC];
	_ =	sdelay $0x3  }
0x9b: {  	_ =	strace s5  }
0x9c: {  	s5 =	sld [smem:$0x3FFD];
	_ =	sdelay $0x3  }
0x9d: {  	_ =	strace s5  }
0x9e: {  	_ =	strace $0x8FFFFFFF  }
0x9f: {  	s19 =	sld [smem:$0x3FDB];
	_ =	sdelay $0x1  }
0xa0: {  	s20 =	simm.s32 $_scs_section_size  }
0xa1: {  	s7 =	simm.s32 $_size__tile_overlayer_lowered;
	s8 =	simm.s32 $_tile_overlayer_lowered  }
0xa2: {  	s23 =	simm.s32 $0x1BFF;
	s22 =	sshll.u32 s8, $0x1;
	s5 =	sadd.s32 s20, s19  }
0xa3: {  	s9 =	simm.s32 $0x0;
	s21 =	sshll.u32 s7, $0x1;
	s7 =	sadd.s32 s22, s5  }
0xa4: {  	[timem:s9], [sflag:s23] =	dma.local [hbm:s7], s21  }
0xa5: {  	_ =	swait.ge [sflag:s23], s21  }
0xa6: {  	s6 =	ssub.s32 $0x0, s21;
	[sflag:s23] =	ssyncset.done $0x0  }
0xa7: {  	[sflag:s23] =	ssyncadd.s32 s6;
	_ =	sdelay $0x1  }
0xa8: {  	s24 =	simm.s32 $0x1B8B  }
0xa9: {  	_ =	swait.ge [sflag:s24], $0x1  }
0xaa: {  	[sflag:s24] =	ssyncset.done $0x0  }
0xab: {  	s25 =	simm.s32 $0x1B8E;
	[sflag:s24] =	ssyncadd.s32 $0xFFFFFFFF  }
0xac: {  	s26 =	simm.s32 $execute0_lowered;
	[smem:$0x3FD2] =	sst s25  }
0xad: {  	s6 =	sshll.u32 s26, $0x1;
	_ =	strace $0x80000046;
	[dreg:$0x1] =	wrdreg $0xFFFFFFFF  }
0xae: {  	s28 =	simm.s32 $_size_execute0_lowered;
	s5 =	sadd.s32 s5, s6;
	[dreg:$0x0] =	wrdreg $0x0  }
0xaf: {  	s6 =	sshll.u32 s28, $0x1;
	[dreg:$0x2] =	wrdreg s5  }
0xb0: {  	[dreg:$0x3] =	wrdreg s6  }
0xb1: {  	[dreg:$0x4] =	wrdreg $0xC0  }
0xb2: {  	_ =	task [dreg:s9], $0x5FFFF  }
0xb3: {  	[dreg:$0x1] =	wrdreg $0xFFFFFFFF  }
0xb4: {  	[dreg:$0x0] =	wrdreg $0x60  }
0xb5: {  	[dreg:$0x2] =	wrdreg s16  }
0xb6: {  	[dreg:$0x3] =	wrdreg s4  }
0xb7: {  	[dreg:$0x4] =	wrdreg s17  }
0xb8: {  	[dreg:$0x5] =	wrdreg $0x9  }
0xb9: {  	_ =	task.clear_ibuf [dreg:s9], $0x6FFFF;
	_ =	strace $0x90000046  }
0xba: {  	s29 =	simm.s32 $0x9;
	_ =	strace $0x80000048  }
0xbb: {  	_ =	swait.ge [sflag:s29], $0x1  }
0xbc: {  	[sflag:s29] =	ssyncadd.s32 $0xFFFFFFFF  }
0xbd: {  	_ =	strace $0x90000048  }
0xbe: {  	_ =	sfence  }
0xbf: {  	s30 =	sld [smem:$0x0];
	_ =	sdelay $0x2  }
0xc0: {  	s31 =	sshll.u32 s1, $0xD;
	s1 =	sshrl.u32 s1, $0x2  }
0xc1: {  	s3 =	sand.u32 $0x4000, s31;
	s1 =	sadd.s32 s1, s30  }
0xc2: {  	s0 =	sor.u32 s3, s0;
	s1 =	sshll.u32 s1, $0x11  }
0xc3: {  	s0 =	sor.u32 s1, s0  }
0xc4: {  	s0 =	sadd.s32 $0x8F2B, s0  }
0xc5: {  	[sflag:s0] =	ssyncadd.remote.s32 $0x1  }
0xc6: {  	_ =	sfence.sel $0xFFFF  }
0xc7: {  	[dreg:$0x0] =	wrdreg $0xFFFFFFFF;
	(pc) =	sbr.abs _section_cstart, $3  }
0xc8: {  	[dreg:$0x1] =	wrdreg $0xFFFFFFFF  }
0xc9: {  	_ =	task.clear_ibuf [dreg:s9], $0x2FFFF;
	_ =	strace $0x9FFFFFFF  }
0xca: {  	(tm) =	ssettm $0x7FFFFFFF  }
0xcb: {  	_ =	shalt  }
tec
execute0_lowered:
.L_overlay_start_1:
0x0: {  	(tag) =	ssettag $0x1  }
0x1: {  	s1 =	rddreg [dreg:$0x0]  }
0x2: {  	s11 =	rddreg [dreg:$0x1]  }
0x3: {  	s3 =	rddreg [dreg:$0x2];
	s0 =	srdreg.scid;
	s5 =	simm.s32 $0x0  }
0x4: {  	s6 =	stileid.u32;
	s12 =	simm.s32 $0x3;
	s9 =	simm.s32 $0x800  }
0x5: {  	s10 =	simm.s32 $0x4880;
	s14 =	simm.s32 $0x17580;
	s15 =	simm.s32 $0x1  }
0x6: {  	s16 =	simm.s32 $0x15100;
	s17 =	simm.s32 $0x19F80;
	s18 =	simm.s32 $0x1A080  }
0x7: {  	s19 =	simm.s32 $0x17D80;
	s0 =	sand.u32 $0x1, s0;
	s6 =	sshll.u32 s6, $0x1  }
.Ltmp0:
0x8: {  	s2 =	ssub.s32 $0x2, s0;
	s0 =	sor.u32 s0, s6;
	(pc) =	sbr.rel .LBB2_1-.Ltmp0, $4  }
0x9: {  	v1 =	vlaneseq.u32;
	v2 =	vimm.s32 $0x0;
	s20 =	simm.s32 $0x18580;
	s4 =	sshrl.u32 s2, $0x1;
	s0 =	smul.u32 $0xC35, s0  }
0xa: {  	v3 =	vimm.f32 $0.0e+00;
	vm1 =	vcmask $0x300;
	vm0 =	vmmov $0xffff;
	s21 =	simm.s32 $0x18D80;
	[smem:$0x7FF] =	sst s5;
	s2 =	ssub.s32 s2, s4  }
0xb: {  	v5 =	vshrl.u32 v1, $0x3;
	v4 =	vand.u32 $0x7, v1;
	v6 =	vor.u32 $0x8, v1;
	_ =	strace $0x80000047;
	s2 =	smax.u32 s2, $0x1;
	[dreg:$0x4] =	wrdreg s0  }
0xc: {  	s22 =	simm.s32 $0x19580;
	v7 =	vsel vm1, $0x3F800000, v3;
	v5 =	vmul.u32 $0x8, v5;
	s4 =	simm.s32 $0x0;
	v0 =	vmov s0;
	[dreg:$0x5] =	wrdreg s2  }
.LBB2_34:
0xd: {  	p0 =	seq.s32 s26, $0x0  }
0xe: {  	s0 =	simm.s32 @!p0 $0x2  }
0xf: {  	_ =	swait.ge @!p0 [sflag:s0], $0x2000  }
0x10: {  	s4 =	rddreg [dreg:$0x6]  }
0x11: {  	s2 =	rddreg [dreg:$0x5];
	s4 =	sadd.s32 $0x1, s4  }
0x12: {  	p1 =	sne.s32 s4, s2  }
.Ltmp1:
0x13: {  	_ = 	snop;
	(pc) =	sbr.rel @!p1 .LBB2_35-.Ltmp1, $4  }
0x14: {  	_ = 	snop  }
0x15: {  	[sflag:s0] =	ssyncset.done @!p0 $0x0  }
0x16: {  	[sflag:s0] =	ssyncadd.s32 @!p0 $0xFFFFE000  }
0x17: {  	s12 =	simm.s32 $0x3;
	s11 =	rddreg [dreg:$0x1]  }
.LBB2_1:
0x18: {  	[dreg:$0x6] =	wrdreg s4;
	s0 =	simm.s32 $0x0  }
.LBB2_2:
0x19: {  	p0 =	sne.s32 s0, $0x10000  }
.Ltmp2:
0x1a: {  	_ = 	snop;
	(pc) =	sbr.rel @p0 .LBB2_2-.Ltmp2, $3  }
0x1b: {  	_ =	sdelay $0x1  }
0x1c: {  	s2 =	sshra.s32 s0, $0x2  }
0x1d: {  	s0 =	sadd.s32 $0x40, s0;
	[tilespmem:s2+$0x4880] =	vst v2  }
0x1e: {  	s0 =	simm.s32 $0x0  }
0x1f: {  	s2 =	sand.u32 $0xF800, s0;
	s4 =	sand.u32 $0x380, s0  }
0x20: {  	s2 =	sor.u32 s4, s2  }
0x21: {  	[tilespmem:s2+$0x8910] =	vst v3  }
0x22: {  	[tilespmem:s2+$0x8920] =	vst v3  }
0x23: {  	[tilespmem:s2+$0x8930] =	vst v3  }
0x24: {  	[tilespmem:s2+$0x8940] =	vst v3  }
0x25: {  	[tilespmem:s2+$0x8950] =	vst v3  }
0x26: {  	[tilespmem:s2+$0x8960] =	vst v3  }
0x27: {  	[tilespmem:s2+$0x8970] =	vst v3  }
0x28: {  	[tilespmem:s2+$0x8D00] =	vst v3  }
0x29: {  	[tilespmem:s2+$0x8D10] =	vst v3  }
0x2a: {  	[tilespmem:s2+$0x8D20] =	vst v3  }
0x2b: {  	[tilespmem:s2+$0x8D30] =	vst v3  }
0x2c: {  	[tilespmem:s2+$0x8D40] =	vst v3  }
0x2d: {  	[tilespmem:s2+$0x8D50] =	vst v3  }
0x2e: {  	[tilespmem:s2+$0x8D60] =	vst v3  }
0x2f: {  	s6 =	simm.s32 $0x80;
	s7 =	simm.s32 $0x100;
	s4 =	simm.s32 $0x15100;
	[tilespmem:s2+$0x8D70] =	vst v3  }
.LBB2_4:
0x30: {  	s8 =	sand.u32 $0xF800, s7;
	s23 =	sand.u32 $0x380, s6;
	p0 =	sne.s32 s7, $0xC000;
	[tilespmem:s2+$0x8900] =	vst v3  }
0x31: {  	s2 =	sor.u32 s23, s8;
	[tilespmem:s4+$0x0] =	vst v3  }
0x32: {  	[tilespmem:s2+$0x8910] =	vst v3  }
0x33: {  	[tilespmem:s2+$0x8920] =	vst v3  }
0x34: {  	[tilespmem:s2+$0x8930] =	vst v3  }
0x35: {  	[tilespmem:s2+$0x8940] =	vst v3  }
0x36: {  	[tilespmem:s2+$0x8950] =	vst v3  }
0x37: {  	[tilespmem:s2+$0x8960] =	vst v3  }
0x38: {  	[tilespmem:s2+$0x8970] =	vst v3  }
0x39: {  	[tilespmem:s2+$0x8D00] =	vst v3  }
0x3a: {  	[tilespmem:s2+$0x8D10] =	vst v3  }
0x3b: {  	[tilespmem:s2+$0x8D20] =	vst v3  }
.Ltmp3:
0x3c: {  	[tilespmem:s2+$0x8D30] =	vst v3;
	(pc) =	sbr.rel @p0 .LBB2_4-.Ltmp3, $4  }
0x3d: {  	[tilespmem:s2+$0x8D40] =	vst v3  }
0x3e: {  	[tilespmem:s2+$0x8D50] =	vst v3  }
0x3f: {  	[tilespmem:s2+$0x8D60] =	vst v3  }
0x40: {  	s6 =	sadd.s32 $0x80, s6;
	s7 =	sadd.s32 $0x100, s7;
	s4 =	sadd.s32 $0x10, s4;
	[tilespmem:s2+$0x8D70] =	vst v3  }
0x41: {  	[tilespmem:s2+$0x8900] =	vst v3  }
0x42: {  	s2 =	simm.s32 $0x0;
	[tilespmem:s4+$0x0] =	vst v3;
	s4 =	simm.s32 $0x0  }
.LBB2_6:
0x43: {  	s6 =	sshll.u32 s2, $0x8  }
0x44: {  	s7 =	simm.s32 $0x0;
	s6 =	sadd.s32 s11, s6  }
0x45: {  	[tilespmem:s7], [sflag:$0x3] =	stream.linear.gather [hbm4b:s6+s7], $0x800, $0x38;
	[tilespmem:$0x1A180] =	vst v63  }
0x46: {  	_ =	swait.ge [sflag:s12], $0x800  }
0x47: {  	[sflag:s12] =	ssyncset.done $0x0  }
0x48: {  	s31 =	simm.s32 $0x0;
	[sflag:s12] =	ssyncadd.s32 $0xFFFFF800  }
0x49: {  	v8 =	vld [tilespmem:s31+$0x0];
	_ =	sdelay $0x4  }
0x4a: {  	v8 =	vsub.s32 v8, v0  }
0x4b: {  	vm1 =	vlt.u32 v8, $0xC35  }
0x4c: {  	v9 =	vsel vm1, $0x1, v2  }
0x4d: {  	(xrf0) =	vadd.scan.msk.s32 $0xffff, v9;
	_ =	sdelay $0x2  }
0x4e: {  	v63 =	vmov s4  }
0x4f: {  	v9 =	vadd.s32 $0xFFFFFFFF, v63  }
0x50: {  	v9 =	vbroadcast v9, $0x0  }
0x51: {  	v10, _, _ =	vpop (xrf0)  }
0x52: {  	v9 =	vadd.s32 v9, v10;
	(v2sf) =	vpush v10, $0xF  }
0x53: {  	v9 =	vnsel vm1, $0x4000, v9;
	_ =	sdelay $0x1  }
0x54: {  	v8 =	vshll.u32 v8, $0xE  }
0x55: {  	v8 =	vadd.s32 s0, v8  }
0x56: {  	v8 =	vadd.s32 v1, v8  }
0x57: {  	s8 =	simm.s32 $0x10;
	s7 =	simm.s32 $0x80;
	s6 =	smov.u32 s0;
	[tilespmem:v9+s9+$0x0] =	vst.idx.msk $0xffff, v8  }
.LBB2_7:
0x58: {  	p0 =	sne.s32 s7, $0x1FC0;
	v8 =	vld [tilespmem:s8+$0x0];
	_ =	sdelay $0x4  }
0x59: {  	v8 =	vsub.s32 v8, v0  }
0x5a: {  	vm1 =	vlt.u32 v8, $0xC35;
	v8 =	vshll.u32 v8, $0xE  }
0x5b: {  	v9 =	vsel vm1, $0x1, v2  }
0x5c: {  	(xrf0) =	vadd.scan.msk.s32 $0xffff, v9;
	s8 =	spop (v2sf)  }
0x5d: {  	s4 =	sadd.s32 s4, s8  }
0x5e: {  	v9 =	vmov s4  }
0x5f: {  	v9 =	vadd.s32 $0xFFFFFFFF, v9  }
0x60: {  	v9 =	vbroadcast v9, $0x0;
	_ =	sdelay $0x1  }
0x61: {  	v10, _, _ =	vpop (xrf0)  }
0x62: {  	v9 =	vadd.s32 v9, v10;
	(v2sf) =	vpush v10, $0xF  }
0x63: {  	v9 =	vnsel vm1, $0x4000, v9  }
.Ltmp4:
0x64: {  	(pc) =	sbr.rel @p0 .LBB2_7-.Ltmp4, $4  }
0x65: {  	s6 =	sadd.s32 $0x10, s6  }
0x66: {  	v8 =	vadd.s32 s6, v8  }
0x67: {  	v8 =	vadd.s32 v1, v8  }
0x68: {  	s8 =	sshra.s32 s7, $0x2;
	s7 =	sadd.s32 $0x40, s7;
	[tilespmem:v9+s9+$0x0] =	vst.idx.msk $0xffff, v8  }
0x69: {  	v8 =	vld [tilespmem:s8+$0x0];
	_ =	sdelay $0x4  }
0x6a: {  	v8 =	vsub.s32 v8, v0  }
0x6b: {  	vm1 =	vlt.u32 v8, $0xC35  }
0x6c: {  	v9 =	vsel vm1, $0x1, v2  }
0x6d: {  	(xrf0) =	vadd.scan.msk.s32 $0xffff, v9;
	_ =	sdelay $0x5  }
0x6e: {  	v9, _, _ =	vpop (xrf0)  }
0x6f: {  	(v2sf) =	vpush v9, $0xF;
	_ =	sdelay $0x3  }
0x70: {  	s7 =	spop (v2sf)  }
0x71: {  	s4 =	sadd.s32 s4, s7  }
0x72: {  	v10 =	vmov s4  }
0x73: {  	v10 =	vadd.s32 $0xFFFFFFFF, v10  }
0x74: {  	v10 =	vbroadcast v10, $0x0;
	_ =	sdelay $0x1  }
0x75: {  	s2 =	sadd.s32 $0x1, s2;
	v9 =	vadd.s32 v10, v9  }
0x76: {  	p0 =	sne.s32 s2, $0x8;
	v9 =	vnsel vm1, $0x4000, v9  }
.Ltmp5:
0x77: {  	_ = 	snop;
	(pc) =	sbr.rel @p0 .LBB2_6-.Ltmp5, $4  }
0x78: {  	s6 =	sadd.s32 $0x10, s6;
	v8 =	vshll.u32 v8, $0xE  }
0x79: {  	v8 =	vadd.s32 s6, v8  }
0x7a: {  	v8 =	vadd.s32 v1, v8;
	s31 =	spop (v2sf)  }
0x7b: {  	s0 =	sadd.s32 $0x800, s0;
	[tilespmem:v9+s9+$0x0] =	vst.idx.msk $0xffff, v8;
	s4 =	sadd.s32 s4, s31  }
.Ltmp6:
0x7c: {  	(pc) =	sbr.rel .LBB2_10-.Ltmp6, $4  }
0x7d: {  	_ = 	snop  }
0x7e: {  	s0 =	sadd.s32 $0xF, s4  }
0x7f: {  	s26 =	simm.s32 $0x0;
	s0 =	sshra.s32 s0, $0x4  }
0x80: {  	v8 =	vmov s4;
	s25 =	simm.s32 $0x0;
	[dreg:$0x7] =	wrdreg s0;
	p0 =	slt.s32 s0, $0x1  }
.LBB2_32:
0x81: {  	s26 =	simm.s32 $0x1  }
.LBB2_33:
0x82: {  	[tilespmem:$0x14900] =	vst v3  }
0x83: {  	[tilespmem:$0x14910] =	vst v3  }
0x84: {  	[tilespmem:$0x14920] =	vst v3  }
0x85: {  	[tilespmem:$0x14930] =	vst v3  }
0x86: {  	[tilespmem:$0x14940] =	vst v3  }
0x87: {  	[tilespmem:$0x14950] =	vst v3  }
0x88: {  	[tilespmem:$0x14960] =	vst v3  }
0x89: {  	[tilespmem:$0x14970] =	vst v3  }
0x8a: {  	[tilespmem:$0x14D00] =	vst v3  }
0x8b: {  	[tilespmem:$0x14D10] =	vst v3  }
0x8c: {  	[tilespmem:$0x14D20] =	vst v3;
	s25 =	sadd.s32 $0x1, s25  }
0x8d: {  	[tilespmem:$0x14D30] =	vst v3;
	p1 =	sne.s32 s25, $0x11  }
.Ltmp7:
0x8e: {  	[tilespmem:$0x14D40] =	vst v3;
	(pc) =	sbr.rel @!p1 .LBB2_34-.Ltmp7, $4  }
0x8f: {  	[tilespmem:$0x14D50] =	vst v3  }
0x90: {  	[tilespmem:$0x14D60] =	vst v3  }
0x91: {  	[tilespmem:$0x14D70] =	vst v3  }
0x92: {  	[tilespmem:$0x15D00] =	vst v3  }
.LBB2_10:
.Ltmp8:
0x93: {  	(pc) =	sbr.rel @p0 .LBB2_21-.Ltmp8, $1  }
0x94: {  	_ =	sdelay $0x3  }
0x95: {  	s4 =	rddreg [dreg:$0x7]  }
0x96: {  	p2 =	sne.s32 s4, $0x1  }
.Ltmp9:
0x97: {  	_ = 	snop;
	(pc) =	sbr.rel @!p2 .LBB2_12-.Ltmp9, $3  }
0x98: {  	_ =	sdelay $0x1  }
0x99: {  	s2 =	simm.s32 $0x800  }
0x9a: {  	v10 =	vmov s25;
	s0 =	simm.s32 $0x0;
	p1 =	por $0x0, $0x0;
	v9 =	vld [tilespmem:s2+$0x0];
	s2 =	sadd.s32 $0xFFFFFFFF, s4  }
0x9b: {  	_ =	sdelay $0x3  }
0x9c: {  	v11 =	vshra.s32 v9, $0xE  }
0x9d: {  	v11 =	vmul.u32 $0xAAAB, v11;
	_ =	sdelay $0x1  }
0x9e: {  	v12 =	vor.u32 s0, v1;
	v11 =	vshra.s32 v11, $0x17  }
0x9f: {  	vm1 =	vlt.s32 v12, v8;
	vm2 =	veq.s32 v11, v10  }
0xa0: {  	vm1 =	vmand vm1, vm2  }
0xa1: {  	v11 =	vsel vm1, $0x1, v2  }
0xa2: {  	(xrf0) =	vadd.scan.msk.s32 $0xffff, v11;
	_ =	sdelay $0x2  }
0xa3: {  	v11 =	vmov s0  }
0xa4: {  	v11 =	vadd.s32 $0xFFFFFFFF, v11  }
0xa5: {  	v11 =	vbroadcast v11, $0x0  }
0xa6: {  	v63, _, _ =	vpop (xrf0)  }
0xa7: {  	v11 =	vadd.s32 v11, v63;
	(v2sf) =	vpush v63, $0xF  }
0xa8: {  	v11 =	vnsel vm1, $0x4000, v11  }
0xa9: {  	p2 =	sne.s32 s2, $0x1  }
.Ltmp10:
0xaa: {  	_ = 	snop;
	(pc) =	sbr.rel @!p2 .LBB2_14-.Ltmp10, $3  }
0xab: {  	_ =	sdelay $0x1  }
0xac: {  	s6 =	simm.s32 $0x810;
	s7 =	sadd.s32 $0xFFFFFFFF, s2;
	[tilespmem:v11+s10+$0x0] =	vst.idx.msk $0xffff, v9  }
0xad: {  	p1 =	por $0x1, $0x1;
	s4 =	simm.s32 $0x0;
	s2 =	simm.s32 $0x0;
	v9 =	vld [tilespmem:s6+$0x0]  }
.LBB2_15:
0xae: {  	p2 =	sne.s32 s7, $0x1;
	_ =	sdelay $0x3  }
0xaf: {  	v11 =	vshra.s32 v9, $0xE  }
0xb0: {  	v11 =	vmul.u32 $0xAAAB, v11  }
0xb1: {  	s4 =	sadd.s32 $0x10, s4  }
0xb2: {  	v12 =	vor.u32 s4, v1;
	v11 =	vshra.s32 v11, $0x17;
	s8 =	spop (v2sf)  }
0xb3: {  	vm1 =	vlt.s32 v12, v8;
	vm2 =	veq.s32 v11, v10;
	s2 =	sadd.s32 s2, s8  }
0xb4: {  	vm1 =	vmand vm1, vm2;
	v11 =	vmov s2  }
0xb5: {  	v12 =	vsel vm1, $0x1, v2;
	v11 =	vadd.s32 $0xFFFFFFFF, v11  }
0xb6: {  	v11 =	vbroadcast v11, $0x0;
	(xrf0) =	vadd.scan.msk.s32 $0xffff, v12;
	_ =	sdelay $0x5  }
0xb7: {  	v12, _, _ =	vpop (xrf0)  }
0xb8: {  	v11 =	vadd.s32 v11, v12;
	(v2sf) =	vpush v12, $0xF  }
0xb9: {  	v11 =	vnsel vm1, $0x4000, v11;
	_ =	sdelay $0x1  }
.Ltmp11:
0xba: {  	(pc) =	sbr.rel @p2 .LBB2_15-.Ltmp11, $3  }
0xbb: {  	_ =	sdelay $0x1  }
0xbc: {  	s6 =	sadd.s32 $0x10, s6;
	[tilespmem:v11+s10+$0x0] =	vst.idx.msk $0xffff, v9  }
0xbd: {  	s7 =	sadd.s32 $0xFFFFFFFF, s7;
	v9 =	vld [tilespmem:s6+$0x0]  }
.LBB2_16:
0xbe: {  	_ =	sdelay $0x3  }
0xbf: {  	v11 =	vshra.s32 v9, $0xE  }
0xc0: {  	s4 =	sadd.s32 @p1 $0x10, s4;
	s6 =	simm.s32 $0x0;
	v11 =	vmul.u32 $0xAAAB, v11  }
0xc1: {  	s6 =	smov.u32 @p1 s4  }
0xc2: {  	v12 =	vor.u32 s6, v1;
	v11 =	vshra.s32 v11, $0x17  }
0xc3: {  	vm1 =	vlt.s32 v12, v8;
	vm2 =	veq.s32 v11, v10  }
0xc4: {  	vm1 =	vmand vm1, vm2  }
0xc5: {  	v10 =	vsel vm1, $0x1, v2  }
0xc6: {  	(xrf0) =	vadd.scan.msk.s32 $0xffff, v10;
	_ =	sdelay $0x5  }
0xc7: {  	v10, _, _ =	vpop (xrf0)  }
0xc8: {  	(v2sf) =	vpush v10, $0xF;
	_ =	sdelay $0xa  }
0xc9: {  	s4 =	spop @p1 (v2sf)  }
0xca: {  	s2 =	sadd.s32 @p1 s2, s4  }
0xcb: {  	s0 =	smov.u32 @p1 s2  }
0xcc: {  	v11 =	vmov s0  }
0xcd: {  	v11 =	vadd.s32 $0xFFFFFFFF, v11;
	s31 =	spop (v2sf)  }
0xce: {  	v11 =	vbroadcast v11, $0x0;
	s2 =	sadd.s32 s0, s31  }
0xcf: {  	s0 =	sadd.s32 $0x1F, s2  }
0xd0: {  	v10 =	vadd.s32 v11, v10;
	s0 =	sshra.s32 s0, $0x5  }
0xd1: {  	v10 =	vnsel vm1, $0x4000, v10;
	p1 =	slt.s32 s0, $0x1  }
.Ltmp12:
0xd2: {  	_ = 	snop;
	(pc) =	sbr.rel @p1 .LBB2_21-.Ltmp12, $2  }
0xd3: {  	_ =	sdelay $0x2  }
0xd4: {  	[tilespmem:v10+s10+$0x0] =	vst.idx.msk $0xffff, v9  }
0xd5: {  	s4 =	smul.u32 $0xC0, s25;
	_ =	sdelay $0x1  }
0xd6: {  	v9 =	vmov s2;
	s7 =	simm.s32 $0x0;
	v10 =	vmov s4;
	s4 =	simm.s32 $0x0  }
.LBB2_18:
0xd7: {  	s2 =	sshll.u32 s7, $0x5  }
0xd8: {  	v11 =	vld [tilespmem:s2+$0x4880];
	_ =	sdelay $0x4  }
0xd9: {  	v12 =	vand.u32 $0x3FFF, v11  }
0xda: {  	[tilespmem:$0x19D80] =	vst v12  }
0xdb: {  	v12 =	vld [tilespmem:$0x19D80];
	_ =	sdelay $0x1  }
0xdc: {  	v13 =	vor.u32 s2, v1;
	v11 =	vshra.s32 v11, $0xE  }
0xdd: {  	vm1 =	vlt.s32 v13, v9;
	v11 =	vsub.s32 v11, v10  }
0xde: {  	v11 =	vnsel vm1, $0xC0, v11  }
0xdf: {  	[tilespmem:$0x19E00] =	vst v11;
	v11 =	vshll.u32 v12, $0x1  }
0xe0: {  	v44 =	vld [tilespmem:s2+$0x4890];
	v12 =	vand.u32 $0x7, v12;
	v11 =	vand.u32 $0xFFFFFFF0, v11  }
0xe1: {  	v11 =	vor.u32 v12, v11  }
0xe2: {  	v12 =	vperm.xlane v11, v4  }
0xe3: {  	s2 =	sor.u32 $0x10, s2  }
0xe4: {  	v14 =	vor.u32 s2, v1;
	v11 =	vperm.xlane v11, v6;
	v12 =	vadd.s32 v5, v12  }
0xe5: {  	vm1 =	vlt.s32 v14, v9;
	v45 =	vshra.s32 v44, $0xE  }
0xe6: {  	v13 =	vand.u32 $0x3FFF, v44;
	v14 =	vsub.s32 v45, v10;
	v11 =	vadd.s32 v5, v11  }
0xe7: {  	[tilespmem:$0x19D90] =	vst v13;
	v46 =	vnsel vm1, $0xC0, v14  }
0xe8: {  	s23 =	simm.s32 $0x15D80;
	[tilespmem:$0x19E10] =	vst v46  }
0xe9: {  	[tilespmem:s23], [sflag:$0x1] =	stream.indirect_vreg.gather [hbm4b:s1+s4], $0x80, v12, vm0, $0xb8;
	[tilespmem:$0x1A180] =	vst v63  }
0xea: {  	s24 =	simm.s32 $0x16580  }
0xeb: {  	[tilespmem:s24], [sflag:$0x1] =	stream.indirect_vreg.gather [hbm4b:s1+s4], $0x80, v11, vm0, $0xb8;
	[tilespmem:$0x1A180] =	vst v63  }
0xec: {  	v11 =	vld [tilespmem:$0x19D90];
	_ =	sdelay $0x4  }
0xed: {  	v47 =	vshll.u32 v11, $0x1  }
0xee: {  	v11 =	vand.u32 $0x7, v11;
	v12 =	vand.u32 $0xFFFFFFF0, v47  }
0xef: {  	v11 =	vor.u32 v11, v12  }
0xf0: {  	v12 =	vperm.xlane v11, v4;
	_ =	sdelay $0x1  }
0xf1: {  	v11 =	vperm.xlane v11, v6;
	v12 =	vadd.s32 v5, v12;
	_ =	sdelay $0x1  }
0xf2: {  	v11 =	vadd.s32 v5, v11;
	_ =	sdelay $0x1  }
0xf3: {  	s28 =	simm.s32 $0x16D80  }
0xf4: {  	[tilespmem:s28], [sflag:$0x1] =	stream.indirect_vreg.gather [hbm4b:s1+s4], $0x80, v12, vm0, $0xb8;
	[tilespmem:$0x1A180] =	vst v63  }
0xf5: {  	_ = 	snop  }
0xf6: {  	[tilespmem:s14], [sflag:$0x1] =	stream.indirect_vreg.gather [hbm4b:s1+s4], $0x80, v11, vm0, $0xb8;
	[tilespmem:$0x1A180] =	vst v63  }
0xf7: {  	_ =	swait.ge [sflag:s15], $0x2000  }
0xf8: {  	[sflag:s15] =	ssyncset.done $0x0  }
0xf9: {  	s23 =	simm.s32 $0x19E00;
	[sflag:s15] =	ssyncadd.s32 $0xFFFFE000  }
0xfa: {  	v11 =	vld [tilespmem:s23+$0x0];
	_ =	sdelay $0x4  }
0xfb: {  	(v2sf) =	vpush v11, $0x0;
	_ =	sdelay $0xe  }
0xfc: {  	s6 =	sand.u32 $0x380, s4;
	s29 =	spop (v2sf)  }
0xfd: {  	s28 =	sand.u32 $0x1800, s4;
	s8 =	sshll.u32 s29, $0x8;
	s24 =	sshll.u32 s29, $0x7  }
0xfe: {  	s28 =	sor.u32 s6, s28;
	s8 =	sand.u32 $0xFFFFF800, s8;
	s24 =	sand.u32 $0x380, s24  }
0xff: {  	v11 =	vld [tilespmem:s28+$0x15D80];
	s30 =	sor.u32 s24, s8  }
0x100: {  	v48 =	vld [tilespmem:s30+$0x8900];
	_ =	sdelay $0x4  }
0x101: {  	v11 =	vadd.f32 v11, v48;
	_ =	sdelay $0x1  }
0x102: {  	s31 =	sadd.s32 $0x15D80, s28;
	[tilespmem:s30+$0x8900] =	vst v11;
	v11 =	vld [tilespmem:s30+$0x8910]  }
0x103: {  	v49 =	vld [tilespmem:s31+$0x10];
	_ =	sdelay $0x4  }
0x104: {  	v11 =	vadd.f32 v49, v11;
	_ =	sdelay $0x1  }
0x105: {  	[tilespmem:s30+$0x8910] =	vst v11;
	v11 =	vld [tilespmem:s30+$0x8920]  }
0x106: {  	v50 =	vld [tilespmem:s31+$0x20];
	_ =	sdelay $0x4  }
0x107: {  	v11 =	vadd.f32 v50, v11;
	_ =	sdelay $0x1  }
0x108: {  	[tilespmem:s30+$0x8920] =	vst v11;
	v11 =	vld [tilespmem:s30+$0x8930]  }
0x109: {  	v51 =	vld [tilespmem:s31+$0x30];
	_ =	sdelay $0x4  }
0x10a: {  	v11 =	vadd.f32 v51, v11;
	_ =	sdelay $0x1  }
0x10b: {  	[tilespmem:s30+$0x8930] =	vst v11;
	v11 =	vld [tilespmem:s30+$0x8940]  }
0x10c: {  	v52 =	vld [tilespmem:s31+$0x40];
	_ =	sdelay $0x4  }
0x10d: {  	v11 =	vadd.f32 v52, v11;
	_ =	sdelay $0x1  }
0x10e: {  	[tilespmem:s30+$0x8940] =	vst v11;
	v11 =	vld [tilespmem:s30+$0x8950]  }
0x10f: {  	v53 =	vld [tilespmem:s31+$0x50];
	_ =	sdelay $0x4  }
0x110: {  	v11 =	vadd.f32 v53, v11;
	_ =	sdelay $0x1  }
0x111: {  	[tilespmem:s30+$0x8950] =	vst v11;
	v11 =	vld [tilespmem:s30+$0x8960]  }
0x112: {  	v54 =	vld [tilespmem:s31+$0x60];
	_ =	sdelay $0x4  }
0x113: {  	v11 =	vadd.f32 v54, v11;
	_ =	sdelay $0x1  }
0x114: {  	[tilespmem:s30+$0x8960] =	vst v11;
	v11 =	vld [tilespmem:s30+$0x8970]  }
0x115: {  	v55 =	vld [tilespmem:s31+$0x70];
	_ =	sdelay $0x4  }
0x116: {  	v11 =	vadd.f32 v55, v11;
	_ =	sdelay $0x1  }
0x117: {  	[tilespmem:s30+$0x8970] =	vst v11;
	v11 =	vld [tilespmem:s30+$0x8D00]  }
0x118: {  	v56 =	vld [tilespmem:s31+$0x400];
	_ =	sdelay $0x4  }
0x119: {  	v11 =	vadd.f32 v56, v11;
	_ =	sdelay $0x1  }
0x11a: {  	[tilespmem:s30+$0x8D00] =	vst v11;
	v11 =	vld [tilespmem:s30+$0x8D10]  }
0x11b: {  	v57 =	vld [tilespmem:s31+$0x410];
	_ =	sdelay $0x4  }
0x11c: {  	v11 =	vadd.f32 v57, v11;
	_ =	sdelay $0x1  }
0x11d: {  	[tilespmem:s30+$0x8D10] =	vst v11;
	v11 =	vld [tilespmem:s30+$0x8D20]  }
0x11e: {  	v58 =	vld [tilespmem:s31+$0x420];
	_ =	sdelay $0x4  }
0x11f: {  	v11 =	vadd.f32 v58, v11;
	_ =	sdelay $0x1  }
0x120: {  	[tilespmem:s30+$0x8D20] =	vst v11;
	v11 =	vld [tilespmem:s30+$0x8D30]  }
0x121: {  	v59 =	vld [tilespmem:s31+$0x430];
	_ =	sdelay $0x4  }
0x122: {  	v11 =	vadd.f32 v59, v11;
	_ =	sdelay $0x1  }
0x123: {  	[tilespmem:s30+$0x8D30] =	vst v11;
	v11 =	vld [tilespmem:s30+$0x8D40]  }
0x124: {  	v60 =	vld [tilespmem:s31+$0x440];
	_ =	sdelay $0x4  }
0x125: {  	v11 =	vadd.f32 v60, v11;
	_ =	sdelay $0x1  }
0x126: {  	[tilespmem:s30+$0x8D40] =	vst v11;
	v11 =	vld [tilespmem:s30+$0x8D50]  }
0x127: {  	v61 =	vld [tilespmem:s31+$0x450];
	_ =	sdelay $0x4  }
0x128: {  	v11 =	vadd.f32 v61, v11;
	_ =	sdelay $0x1  }
0x129: {  	[tilespmem:s30+$0x8D50] =	vst v11;
	v11 =	vld [tilespmem:s30+$0x8D60]  }
0x12a: {  	v62 =	vld [tilespmem:s31+$0x460];
	_ =	sdelay $0x4  }
0x12b: {  	v11 =	vadd.f32 v62, v11;
	_ =	sdelay $0x1  }
0x12c: {  	[tilespmem:s30+$0x8D60] =	vst v11;
	v11 =	vld [tilespmem:s30+$0x8D70]  }
0x12d: {  	v63 =	vld [tilespmem:s31+$0x470];
	_ =	sdelay $0x4  }
0x12e: {  	v11 =	vadd.f32 v63, v11  }
0x12f: {  	s2 =	sshll.u32 s29, $0x6  }
0x130: {  	s24 =	sshra.s32 s2, $0x2;
	[tilespmem:s30+$0x8D70] =	vst v11  }
0x131: {  	v11 =	vld [tilespmem:s24+$0x15100];
	_ =	sdelay $0x4  }
0x132: {  	s6 =	simm.s32 $0x0;
	s2 =	simm.s32 $0x100;
	v11 =	vadd.f32 v7, v11  }
.LBB2_19:
0x133: {  	p1 =	sne.s32 s2, $0x1F00;
	s6 =	sadd.s32 $0x80, s6;
	s23 =	sadd.s32 $0x1, s23  }
0x134: {  	s8 =	smov.u32 s2;
	s2 =	sadd.s32 $0x100, s2;
	[tilespmem:s24+$0x15100] =	vst v11  }
0x135: {  	v11 =	vld [tilespmem:s23+$0x0];
	_ =	sdelay $0x4  }
0x136: {  	(v2sf) =	vpush v11, $0x0;
	_ =	sdelay $0xe  }
0x137: {  	s24 =	sand.u32 $0x380, s6;
	s28 =	spop (v2sf)  }
0x138: {  	s8 =	sand.u32 $0x1800, s8;
	s29 =	sshll.u32 s28, $0x8;
	s30 =	sshll.u32 s28, $0x7  }
0x139: {  	s31 =	sor.u32 s24, s8;
	s29 =	sand.u32 $0xFFFFF800, s29;
	s30 =	sand.u32 $0x380, s30  }
0x13a: {  	s24 =	sshll.u32 s28, $0x6;
	s8 =	sor.u32 s30, s29;
	v11 =	vld [tilespmem:s31+$0x15D80]  }
0x13b: {  	v12 =	vld [tilespmem:s8+$0x8900];
	_ =	sdelay $0x4  }
0x13c: {  	v11 =	vadd.f32 v11, v12  }
0x13d: {  	s28 =	sadd.s32 $0x15D80, s31  }
0x13e: {  	[tilespmem:s8+$0x8900] =	vst v11;
	v11 =	vld [tilespmem:s8+$0x8910]  }
0x13f: {  	v12 =	vld [tilespmem:s28+$0x10];
	_ =	sdelay $0x4  }
0x140: {  	v11 =	vadd.f32 v12, v11;
	_ =	sdelay $0x1  }
0x141: {  	[tilespmem:s8+$0x8910] =	vst v11;
	v11 =	vld [tilespmem:s8+$0x8920]  }
0x142: {  	v12 =	vld [tilespmem:s28+$0x20];
	_ =	sdelay $0x4  }
0x143: {  	v11 =	vadd.f32 v12, v11;
	_ =	sdelay $0x1  }
0x144: {  	[tilespmem:s8+$0x8920] =	vst v11;
	v11 =	vld [tilespmem:s8+$0x8930]  }
0x145: {  	v12 =	vld [tilespmem:s28+$0x30];
	_ =	sdelay $0x4  }
0x146: {  	v11 =	vadd.f32 v12, v11;
	_ =	sdelay $0x1  }
0x147: {  	[tilespmem:s8+$0x8930] =	vst v11;
	v11 =	vld [tilespmem:s8+$0x8940]  }
0x148: {  	v12 =	vld [tilespmem:s28+$0x40];
	_ =	sdelay $0x4  }
0x149: {  	v11 =	vadd.f32 v12, v11;
	_ =	sdelay $0x1  }
0x14a: {  	[tilespmem:s8+$0x8940] =	vst v11;
	v11 =	vld [tilespmem:s8+$0x8950]  }
0x14b: {  	v12 =	vld [tilespmem:s28+$0x50];
	_ =	sdelay $0x4  }
0x14c: {  	v11 =	vadd.f32 v12, v11;
	_ =	sdelay $0x1  }
0x14d: {  	[tilespmem:s8+$0x8950] =	vst v11;
	v11 =	vld [tilespmem:s8+$0x8960]  }
0x14e: {  	v12 =	vld [tilespmem:s28+$0x60];
	_ =	sdelay $0x4  }
0x14f: {  	v11 =	vadd.f32 v12, v11;
	_ =	sdelay $0x1  }
0x150: {  	[tilespmem:s8+$0x8960] =	vst v11;
	v11 =	vld [tilespmem:s8+$0x8970]  }
0x151: {  	v12 =	vld [tilespmem:s28+$0x70];
	_ =	sdelay $0x4  }
0x152: {  	v11 =	vadd.f32 v12, v11;
	_ =	sdelay $0x1  }
0x153: {  	[tilespmem:s8+$0x8970] =	vst v11;
	v11 =	vld [tilespmem:s8+$0x8D00]  }
0x154: {  	v12 =	vld [tilespmem:s28+$0x400];
	_ =	sdelay $0x4  }
0x155: {  	v11 =	vadd.f32 v12, v11;
	_ =	sdelay $0x1  }
0x156: {  	[tilespmem:s8+$0x8D00] =	vst v11;
	v11 =	vld [tilespmem:s8+$0x8D10]  }
0x157: {  	v12 =	vld [tilespmem:s28+$0x410];
	_ =	sdelay $0x4  }
0x158: {  	v11 =	vadd.f32 v12, v11;
	_ =	sdelay $0x1  }
0x159: {  	[tilespmem:s8+$0x8D10] =	vst v11;
	v11 =	vld [tilespmem:s8+$0x8D20]  }
0x15a: {  	v12 =	vld [tilespmem:s28+$0x420];
	_ =	sdelay $0x4  }
0x15b: {  	v11 =	vadd.f32 v12, v11;
	_ =	sdelay $0x1  }
0x15c: {  	[tilespmem:s8+$0x8D20] =	vst v11;
	v11 =	vld [tilespmem:s8+$0x8D30]  }
0x15d: {  	v12 =	vld [tilespmem:s28+$0x430];
	_ =	sdelay $0x4  }
0x15e: {  	v11 =	vadd.f32 v12, v11;
	_ =	sdelay $0x1  }
0x15f: {  	[tilespmem:s8+$0x8D30] =	vst v11;
	v11 =	vld [tilespmem:s8+$0x8D40]  }
0x160: {  	v12 =	vld [tilespmem:s28+$0x440];
	_ =	sdelay $0x4  }
0x161: {  	v11 =	vadd.f32 v12, v11;
	_ =	sdelay $0x1  }
0x162: {  	[tilespmem:s8+$0x8D40] =	vst v11;
	v11 =	vld [tilespmem:s8+$0x8D50]  }
0x163: {  	v12 =	vld [tilespmem:s28+$0x450];
	_ =	sdelay $0x4  }
0x164: {  	v11 =	vadd.f32 v12, v11;
	_ =	sdelay $0x1  }
0x165: {  	[tilespmem:s8+$0x8D50] =	vst v11;
	v11 =	vld [tilespmem:s8+$0x8D60]  }
0x166: {  	v12 =	vld [tilespmem:s28+$0x460];
	_ =	sdelay $0x4  }
0x167: {  	v11 =	vadd.f32 v12, v11;
	_ =	sdelay $0x1  }
0x168: {  	[tilespmem:s8+$0x8D60] =	vst v11;
	v11 =	vld [tilespmem:s8+$0x8D70]  }
0x169: {  	v12 =	vld [tilespmem:s28+$0x470];
	_ =	sdelay $0x4  }
0x16a: {  	v11 =	vadd.f32 v12, v11  }
0x16b: {  	s24 =	sshra.s32 s24, $0x2  }
0x16c: {  	[tilespmem:s8+$0x8D70] =	vst v11  }
0x16d: {  	v11 =	vld [tilespmem:s24+$0x15100]  }
.Ltmp13:
0x16e: {  	(pc) =	sbr.rel @p1 .LBB2_19-.Ltmp13, $2  }
0x16f: {  	_ =	sdelay $0x2  }
0x170: {  	v11 =	vadd.f32 v7, v11  }
0x171: {  	s7 =	sadd.s32 $0x1, s7  }
0x172: {  	p1 =	sne.s32 s7, s0  }
.Ltmp14:
0x173: {  	_ = 	snop;
	(pc) =	sbr.rel @p1 .LBB2_18-.Ltmp14, $2  }
0x174: {  	_ =	sdelay $0x2  }
0x175: {  	[tilespmem:s24+$0x15100] =	vst v11  }
.LBB2_21:
0x176: {  	s0 =	simm.s32 $0x0  }
0x177: {  	v9 =	vor.u32 s0, v1  }
0x178: {  	v10 =	vshll.u32 v9, $0x4;
	_ =	sdelay $0x4  }
0x179: {  	v10 =	vld.idx.msk [tilespmem:v10+s16+$0x0], $0xffff;
	_ =	sdelay $0x4  }
0x17a: {  	vm1 =	vgt.f32 v10, $0.0e+00  }
0x17b: {  	v11 =	vsel vm1, $0x1, v2  }
0x17c: {  	(xrf0) =	vadd.scan.msk.s32 $0xffff, v11;
	_ =	sdelay $0x2  }
0x17d: {  	v11 =	vmov s0  }
0x17e: {  	v11 =	vadd.s32 $0xFFFFFFFF, v11  }
0x17f: {  	v11 =	vbroadcast v11, $0x0  }
0x180: {  	v12, _, _ =	vpop (xrf0)  }
0x181: {  	v11 =	vadd.s32 v11, v12;
	(v2sf) =	vpush v12, $0xF  }
0x182: {  	s2 =	simm.s32 $0x10;
	v12 =	vnsel vm1, $0xD0, v11  }
0x183: {  	v11 =	vor.u32 s2, v1;
	s2 =	simm.s32 $0x20  }
.LBB2_22:
0x184: {  	p1 =	sne.s32 s2, $0xB0;
	v13 =	vshll.u32 v11, $0x4;
	_ =	sdelay $0x2  }
0x185: {  	[tilespmem:v12+s17+$0x0] =	vst.idx.msk $0xffff, v9;
	v9 =	vmov v11  }
0x186: {  	[tilespmem:v12+s18+$0x0] =	vst.idx.msk $0xffff, v10  }
0x187: {  	v10 =	vld.idx.msk [tilespmem:v13+s16+$0x0], $0xffff;
	_ =	sdelay $0x5  }
0x188: {  	vm1 =	vgt.f32 v10, $0.0e+00  }
0x189: {  	v11 =	vsel vm1, $0x1, v2;
	s4 =	spop (v2sf)  }
0x18a: {  	(xrf0) =	vadd.scan.msk.s32 $0xffff, v11;
	s0 =	sadd.s32 s0, s4  }
0x18b: {  	v11 =	vmov s0  }
0x18c: {  	v11 =	vadd.s32 $0xFFFFFFFF, v11  }
0x18d: {  	v11 =	vbroadcast v11, $0x0;
	_ =	sdelay $0x1  }
.Ltmp15:
0x18e: {  	(pc) =	sbr.rel @p1 .LBB2_22-.Ltmp15, $4  }
0x18f: {  	v12, _, _ =	vpop (xrf0)  }
0x190: {  	v11 =	vadd.s32 v11, v12;
	(v2sf) =	vpush v12, $0xF  }
0x191: {  	v12 =	vnsel vm1, $0xD0, v11  }
0x192: {  	v11 =	vor.u32 s2, v1;
	s2 =	sadd.s32 $0x10, s2  }
0x193: {  	_ = 	snop  }
0x194: {  	v13 =	vshll.u32 v11, $0x4;
	_ =	sdelay $0x2  }
0x195: {  	[tilespmem:v12+s17+$0x0] =	vst.idx.msk $0xffff, v9  }
0x196: {  	[tilespmem:v12+s18+$0x0] =	vst.idx.msk $0xffff, v10  }
0x197: {  	v9 =	vld.idx.msk [tilespmem:v13+s16+$0x0], $0xffff;
	_ =	sdelay $0x4  }
0x198: {  	vm1 =	vgt.f32 v9, $0.0e+00  }
0x199: {  	v10 =	vsel vm1, $0x1, v2  }
0x19a: {  	(xrf0) =	vadd.scan.msk.s32 $0xffff, v10;
	_ =	sdelay $0x5  }
0x19b: {  	v10, _, _ =	vpop (xrf0)  }
0x19c: {  	(v2sf) =	vpush v10, $0xF;
	_ =	sdelay $0xa  }
0x19d: {  	s2 =	spop (v2sf)  }
0x19e: {  	s0 =	sadd.s32 s0, s2  }
0x19f: {  	v63 =	vmov s0  }
0x1a0: {  	v12 =	vadd.s32 $0xFFFFFFFF, v63  }
0x1a1: {  	v12 =	vbroadcast v12, $0x0;
	s31 =	spop (v2sf)  }
0x1a2: {  	s28 =	sadd.s32 s0, s31  }
0x1a3: {  	v10 =	vadd.s32 v12, v10;
	s0 =	sadd.s32 $0x1F, s28  }
0x1a4: {  	v10 =	vnsel vm1, $0xD0, v10;
	s29 =	sshra.s32 s0, $0x5  }
0x1a5: {  	p1 =	slt.s32 s29, $0x1  }
.Ltmp16:
0x1a6: {  	_ = 	snop;
	(pc) =	sbr.rel @p1 .LBB2_33-.Ltmp16, $3  }
0x1a7: {  	_ =	sdelay $0x1  }
0x1a8: {  	[tilespmem:v10+s17+$0x0] =	vst.idx.msk $0xffff, v11  }
0x1a9: {  	[tilespmem:v10+s18+$0x0] =	vst.idx.msk $0xffff, v9  }
.Ltmp17:
0x1aa: {  	s0 =	sadd.s32 $0xFFFFFFFF, s28;
	(pc) =	sbr.rel .LBB2_25-.Ltmp17, $4  }
0x1ab: {  	s2 =	smul.u32 $0xC0, s25;
	p1 =	sgt.s32 s0, $0x0  }
0x1ac: {  	s4 =	rddreg [dreg:$0x4];
	s0 =	simm.s32 @!p1 $0x0  }
0x1ad: {  	s30 =	smov.u32 s28;
	s2 =	sadd.s32 s4, s2;
	v9 =	vld.msk [tilespmem:s0+$0x19F80 ss:$0x0], $0xffff  }
0x1ae: {  	v10 =	vmov s28;
	s31 =	simm.s32 $0x0;
	p1 =	seq.s32 s26, $0x0;
	s26 =	simm.s32 $0x0;
	v11 =	vld.msk [tilespmem:s0+$0x1A080 ss:$0x0], $0xffff;
	v12 =	vmov s2  }
.LBB2_30:
0x1af: {  	[tilespmem:s4+$0x8D60] =	vst v3  }
0x1b0: {  	[tilespmem:s4+$0x8D50] =	vst v3  }
0x1b1: {  	[tilespmem:s4+$0x8D40] =	vst v3  }
0x1b2: {  	[tilespmem:s4+$0x8D30] =	vst v3  }
0x1b3: {  	[tilespmem:s4+$0x8D20] =	vst v3  }
0x1b4: {  	[tilespmem:s4+$0x8D10] =	vst v3  }
0x1b5: {  	[tilespmem:s4+$0x8D00] =	vst v3  }
0x1b6: {  	[tilespmem:s4+$0x8970] =	vst v3  }
0x1b7: {  	[tilespmem:s4+$0x8960] =	vst v3  }
0x1b8: {  	[tilespmem:s4+$0x8950] =	vst v3  }
0x1b9: {  	[tilespmem:s4+$0x8940] =	vst v3  }
0x1ba: {  	[tilespmem:s4+$0x8930] =	vst v3  }
0x1bb: {  	[tilespmem:s4+$0x8920] =	vst v3  }
0x1bc: {  	[tilespmem:s4+$0x8900] =	vst v3  }
0x1bd: {  	s0 =	sshra.s32 s6, $0x2;
	[tilespmem:s4+$0x8910] =	vst v3  }
0x1be: {  	[tilespmem:s0+$0x15100] =	vst v3  }
.LBB2_31:
0x1bf: {  	v13 =	vld [tilespmem:$0x19E80];
	_ =	sdelay $0x4  }
0x1c0: {  	v14 =	vshll.u32 v13, $0x1  }
0x1c1: {  	v13 =	vand.u32 $0x7, v13;
	v14 =	vand.u32 $0xFFFFFFF0, v14  }
0x1c2: {  	v13 =	vor.u32 v13, v14  }
0x1c3: {  	v14 =	vperm.xlane v13, v4;
	_ =	sdelay $0x1  }
0x1c4: {  	v13 =	vperm.xlane v13, v6;
	v14 =	vadd.s32 v5, v14;
	_ =	sdelay $0x1  }
0x1c5: {  	v13 =	vadd.s32 v5, v13;
	_ =	sdelay $0x2  }
0x1c6: {  	[hbm4b:s3+s5] =	stream.indirect_vreg.scatter [tilespmem:s19], [sflag:$0x2], $0x80, v14, vm0, $0xb8;
	[tilespmem:$0x1A180] =	vst v63  }
0x1c7: {  	_ = 	snop  }
0x1c8: {  	[hbm4b:s3+s5] =	stream.indirect_vreg.scatter [tilespmem:s20], [sflag:$0x2], $0x80, v13, vm0, $0xb8;
	[tilespmem:$0x1A180] =	vst v63  }
0x1c9: {  	v13 =	vld [tilespmem:$0x19E90];
	_ =	sdelay $0x4  }
0x1ca: {  	v14 =	vshll.u32 v13, $0x1  }
0x1cb: {  	v13 =	vand.u32 $0x7, v13;
	v14 =	vand.u32 $0xFFFFFFF0, v14  }
0x1cc: {  	v13 =	vor.u32 v13, v14  }
0x1cd: {  	v14 =	vperm.xlane v13, v4;
	_ =	sdelay $0x1  }
0x1ce: {  	v13 =	vperm.xlane v13, v6;
	v14 =	vadd.s32 v5, v14  }
0x1cf: {  	s31 =	sadd.s32 $0x1, s31  }
0x1d0: {  	p2 =	sne.s32 s31, s29;
	v13 =	vadd.s32 v5, v13  }
.Ltmp18:
0x1d1: {  	_ = 	snop;
	(pc) =	sbr.rel @!p2 .LBB2_32-.Ltmp18, $4  }
0x1d2: {  	_ = 	snop  }
0x1d3: {  	[hbm4b:s3+s5] =	stream.indirect_vreg.scatter [tilespmem:s21], [sflag:$0x2], $0x80, v14, vm0, $0xb8;
	[tilespmem:$0x1A180] =	vst v63  }
0x1d4: {  	s30 =	sadd.s32 $0xFFFFFFE0, s30;
	p1 =	por $0x0, $0x0  }
0x1d5: {  	[hbm4b:s3+s5] =	stream.indirect_vreg.scatter [tilespmem:s22], [sflag:$0x2], $0x80, v13, vm0, $0xb8;
	[tilespmem:$0x1A180] =	vst v63  }
.LBB2_25:
0x1d6: {  	s2 =	simm.s32 @!p1 $0x2  }
0x1d7: {  	_ =	swait.ge @!p1 [sflag:s2], $0x2000  }
0x1d8: {  	[sflag:s2] =	ssyncset.done @!p1 $0x0  }
0x1d9: {  	s0 =	sshll.u32 s31, $0x5;
	[sflag:s2] =	ssyncadd.s32 @!p1 $0xFFFFE000  }
0x1da: {  	v13 =	vld [tilespmem:s0+$0x1A080];
	_ =	sdelay $0x2  }
0x1db: {  	v14 =	vor.u32 s0, v1  }
0x1dc: {  	vm1 =	vlt.s32 v14, v10  }
0x1dd: {  	v13 =	vsel vm1, v13, v11  }
0x1de: {  	(erf) = vrcp.f32 v13;
	_ =	sdelay $0x3  }
0x1df: {  	v13 =	vld [tilespmem:s0+$0x19F80];
	_ =	sdelay $0x4  }
0x1e0: {  	v13 =	vsel vm1, v13, v9;
	v14 =	vpop (erf)  }
0x1e1: {  	[tilespmem:$0x19E00] =	vst v13;
	v13 =	vadd.s32 v12, v13;
	v14 =	vmul.f32 $1.000000010e-01, v14  }
0x1e2: {  	[tilespmem:$0x19E80] =	vst v13  }
0x1e3: {  	[tilespmem:$0x19F00] =	vst v14  }
0x1e4: {  	v13 =	vld [tilespmem:s0+$0x1A090];
	_ =	sdelay $0x1  }
0x1e5: {  	s12 =	sor.u32 $0x10, s0  }
0x1e6: {  	v14 =	vor.u32 s12, v1  }
0x1e7: {  	vm1 =	vlt.s32 v14, v10;
	v14 =	vld [tilespmem:$0x19E80]  }
0x1e8: {  	v13 =	vsel vm1, v13, v11  }
0x1e9: {  	(erf) = vrcp.f32 v13;
	_ =	sdelay $0x2  }
0x1ea: {  	v13 =	vshll.u32 v14, $0x1  }
0x1eb: {  	v15 =	vld [tilespmem:s0+$0x19F90];
	v14 =	vand.u32 $0x7, v14;
	v13 =	vand.u32 $0xFFFFFFF0, v13  }
0x1ec: {  	v13 =	vor.u32 v14, v13  }
0x1ed: {  	v14 =	vperm.xlane v13, v4;
	_ =	sdelay $0x1  }
0x1ee: {  	v13 =	vperm.xlane v13, v6;
	v14 =	vadd.s32 v5, v14  }
0x1ef: {  	v15 =	vsel vm1, v15, v9;
	v16 =	vpop (erf)  }
0x1f0: {  	[tilespmem:$0x19E10] =	vst v15;
	v15 =	vadd.s32 v12, v15;
	v13 =	vadd.s32 v5, v13;
	v16 =	vmul.f32 $1.000000010e-01, v16  }
0x1f1: {  	[tilespmem:$0x19E90] =	vst v15  }
0x1f2: {  	[tilespmem:$0x19F10] =	vst v16  }
0x1f3: {  	[tilespmem:s19], [sflag:$0x1] =	stream.indirect_vreg.gather [hbm4b:s3+s26], $0x80, v14, vm0, $0xb8;
	[tilespmem:$0x1A180] =	vst v63  }
0x1f4: {  	_ = 	snop  }
0x1f5: {  	[tilespmem:s20], [sflag:$0x1] =	stream.indirect_vreg.gather [hbm4b:s3+s26], $0x80, v13, vm0, $0xb8;
	[tilespmem:$0x1A180] =	vst v63  }
0x1f6: {  	v13 =	vld [tilespmem:$0x19E90];
	_ =	sdelay $0x4  }
0x1f7: {  	v14 =	vshll.u32 v13, $0x1  }
0x1f8: {  	v13 =	vand.u32 $0x7, v13;
	v14 =	vand.u32 $0xFFFFFFF0, v14  }
0x1f9: {  	v13 =	vor.u32 v13, v14  }
0x1fa: {  	v14 =	vperm.xlane v13, v4;
	_ =	sdelay $0x1  }
0x1fb: {  	v13 =	vperm.xlane v13, v6;
	v14 =	vadd.s32 v5, v14;
	_ =	sdelay $0x1  }
0x1fc: {  	v13 =	vadd.s32 v5, v13;
	_ =	sdelay $0x2  }
0x1fd: {  	[tilespmem:s21], [sflag:$0x1] =	stream.indirect_vreg.gather [hbm4b:s3+s26], $0x80, v14, vm0, $0xb8;
	[tilespmem:$0x1A180] =	vst v63  }
0x1fe: {  	_ = 	snop  }
0x1ff: {  	[tilespmem:s22], [sflag:$0x1] =	stream.indirect_vreg.gather [hbm4b:s3+s26], $0x80, v13, vm0, $0xb8;
	[tilespmem:$0x1A180] =	vst v63  }
0x200: {  	_ =	swait.ge [sflag:s15], $0x2000  }
0x201: {  	[sflag:s15] =	ssyncset.done $0x0  }
0x202: {  	s4 =	simm.s32 $0x19E00;
	[sflag:s15] =	ssyncadd.s32 $0xFFFFE000  }
0x203: {  	v13 =	vld [tilespmem:s4+$0x0];
	_ =	sdelay $0x4  }
0x204: {  	(v2sf) =	vpush v13, $0x0;
	_ =	sdelay $0xe  }
0x205: {  	s13 =	sand.u32 $0x380, s26;
	s8 =	sand.u32 $0x1800, s26;
	s6 =	spop (v2sf)  }
0x206: {  	s8 =	sor.u32 s13, s8;
	s23 =	sshll.u32 s6, $0x8;
	s6 =	sshll.u32 s6, $0x7  }
0x207: {  	s7 =	simm.s32 $0x19F00;
	v14 =	vld [tilespmem:s8+$0x17D80];
	s24 =	sand.u32 $0xFFFFF800, s23;
	s6 =	sand.u32 $0x380, s6  }
0x208: {  	v13 =	vld.msk [tilespmem:s7+$0x0 ss:$0x0], $0xffff;
	s2 =	sor.u32 s6, s24  }
0x209: {  	v15 =	vld [tilespmem:s2+$0x8900];
	_ =	sdelay $0x4  }
0x20a: {  	v14 =	vmul.f32 $8.999999760e-01, v14;
	v15 =	vmul.f32 v15, v13;
	_ =	sdelay $0x1  }
0x20b: {  	v14 =	vadd.f32 v15, v14;
	_ =	sdelay $0x1  }
0x20c: {  	s23 =	sadd.s32 $0x17D80, s8;
	[tilespmem:s8+$0x17D80] =	vst v14  }
0x20d: {  	v14 =	vld [tilespmem:s23+$0x10]  }
0x20e: {  	v15 =	vld [tilespmem:s2+$0x8910];
	_ =	sdelay $0x4  }
0x20f: {  	v14 =	vmul.f32 $8.999999760e-01, v14;
	v15 =	vmul.f32 v15, v13;
	_ =	sdelay $0x1  }
0x210: {  	v14 =	vadd.f32 v15, v14;
	_ =	sdelay $0x1  }
0x211: {  	v63 =	vld [tilespmem:s23+$0x20];
	[tilespmem:s23+$0x10] =	vst v14  }
0x212: {  	v14 =	vld [tilespmem:s2+$0x8920];
	_ =	sdelay $0x4  }
0x213: {  	v16 =	vmul.f32 $8.999999760e-01, v63;
	v14 =	vmul.f32 v14, v13;
	_ =	sdelay $0x1  }
0x214: {  	v14 =	vadd.f32 v14, v16;
	_ =	sdelay $0x1  }
0x215: {  	v15 =	vld [tilespmem:s23+$0x30];
	[tilespmem:s23+$0x20] =	vst v14  }
0x216: {  	v14 =	vld [tilespmem:s2+$0x8930];
	_ =	sdelay $0x4  }
0x217: {  	v15 =	vmul.f32 $8.999999760e-01, v15;
	v14 =	vmul.f32 v14, v13;
	_ =	sdelay $0x1  }
0x218: {  	v14 =	vadd.f32 v14, v15;
	_ =	sdelay $0x1  }
0x219: {  	[tilespmem:s23+$0x30] =	vst v14;
	v14 =	vld [tilespmem:s23+$0x40]  }
0x21a: {  	v15 =	vld [tilespmem:s2+$0x8940];
	_ =	sdelay $0x4  }
0x21b: {  	v14 =	vmul.f32 $8.999999760e-01, v14;
	v15 =	vmul.f32 v15, v13;
	_ =	sdelay $0x1  }
0x21c: {  	v14 =	vadd.f32 v15, v14;
	_ =	sdelay $0x1  }
0x21d: {  	[tilespmem:s23+$0x40] =	vst v14;
	v14 =	vld [tilespmem:s23+$0x50]  }
0x21e: {  	v15 =	vld [tilespmem:s2+$0x8950];
	_ =	sdelay $0x4  }
0x21f: {  	v14 =	vmul.f32 $8.999999760e-01, v14;
	v15 =	vmul.f32 v15, v13;
	_ =	sdelay $0x1  }
0x220: {  	v14 =	vadd.f32 v15, v14;
	_ =	sdelay $0x1  }
0x221: {  	[tilespmem:s23+$0x50] =	vst v14;
	v14 =	vld [tilespmem:s23+$0x60]  }
0x222: {  	v15 =	vld [tilespmem:s2+$0x8960];
	_ =	sdelay $0x4  }
0x223: {  	v14 =	vmul.f32 $8.999999760e-01, v14;
	v15 =	vmul.f32 v15, v13;
	_ =	sdelay $0x1  }
0x224: {  	v14 =	vadd.f32 v15, v14;
	_ =	sdelay $0x1  }
0x225: {  	[tilespmem:s23+$0x60] =	vst v14;
	v14 =	vld [tilespmem:s23+$0x70]  }
0x226: {  	v15 =	vld [tilespmem:s2+$0x8970];
	_ =	sdelay $0x4  }
0x227: {  	v14 =	vmul.f32 $8.999999760e-01, v14;
	v15 =	vmul.f32 v15, v13;
	_ =	sdelay $0x1  }
0x228: {  	v14 =	vadd.f32 v15, v14;
	_ =	sdelay $0x1  }
0x229: {  	[tilespmem:s23+$0x70] =	vst v14;
	v14 =	vld [tilespmem:s23+$0x400]  }
0x22a: {  	v15 =	vld [tilespmem:s2+$0x8D00];
	_ =	sdelay $0x4  }
0x22b: {  	v14 =	vmul.f32 $8.999999760e-01, v14;
	v15 =	vmul.f32 v15, v13;
	_ =	sdelay $0x1  }
0x22c: {  	v14 =	vadd.f32 v15, v14;
	_ =	sdelay $0x1  }
0x22d: {  	[tilespmem:s23+$0x400] =	vst v14;
	v14 =	vld [tilespmem:s23+$0x410]  }
0x22e: {  	v15 =	vld [tilespmem:s2+$0x8D10];
	_ =	sdelay $0x4  }
0x22f: {  	v14 =	vmul.f32 $8.999999760e-01, v14;
	v15 =	vmul.f32 v15, v13;
	_ =	sdelay $0x1  }
0x230: {  	v14 =	vadd.f32 v15, v14;
	_ =	sdelay $0x1  }
0x231: {  	[tilespmem:s23+$0x410] =	vst v14;
	v14 =	vld [tilespmem:s23+$0x420]  }
0x232: {  	v15 =	vld [tilespmem:s2+$0x8D20];
	_ =	sdelay $0x4  }
0x233: {  	v14 =	vmul.f32 $8.999999760e-01, v14;
	v15 =	vmul.f32 v15, v13;
	_ =	sdelay $0x1  }
0x234: {  	v14 =	vadd.f32 v15, v14;
	_ =	sdelay $0x1  }
0x235: {  	[tilespmem:s23+$0x420] =	vst v14;
	v14 =	vld [tilespmem:s23+$0x430]  }
0x236: {  	v15 =	vld [tilespmem:s2+$0x8D30];
	_ =	sdelay $0x4  }
0x237: {  	v14 =	vmul.f32 $8.999999760e-01, v14;
	v15 =	vmul.f32 v15, v13;
	_ =	sdelay $0x1  }
0x238: {  	v14 =	vadd.f32 v15, v14;
	_ =	sdelay $0x1  }
0x239: {  	[tilespmem:s23+$0x430] =	vst v14;
	v14 =	vld [tilespmem:s23+$0x440]  }
0x23a: {  	v15 =	vld [tilespmem:s2+$0x8D40];
	_ =	sdelay $0x4  }
0x23b: {  	v14 =	vmul.f32 $8.999999760e-01, v14;
	v15 =	vmul.f32 v15, v13;
	_ =	sdelay $0x1  }
0x23c: {  	v14 =	vadd.f32 v15, v14;
	_ =	sdelay $0x1  }
0x23d: {  	[tilespmem:s23+$0x440] =	vst v14;
	v14 =	vld [tilespmem:s23+$0x450]  }
0x23e: {  	v15 =	vld [tilespmem:s2+$0x8D50];
	_ =	sdelay $0x4  }
0x23f: {  	v14 =	vmul.f32 $8.999999760e-01, v14;
	v15 =	vmul.f32 v15, v13;
	_ =	sdelay $0x1  }
0x240: {  	v14 =	vadd.f32 v15, v14;
	_ =	sdelay $0x1  }
0x241: {  	[tilespmem:s23+$0x450] =	vst v14;
	v14 =	vld [tilespmem:s23+$0x460]  }
0x242: {  	v15 =	vld [tilespmem:s2+$0x8D60];
	_ =	sdelay $0x4  }
0x243: {  	v14 =	vmul.f32 $8.999999760e-01, v14;
	v15 =	vmul.f32 v15, v13;
	_ =	sdelay $0x1  }
0x244: {  	v14 =	vadd.f32 v15, v14;
	_ =	sdelay $0x1  }
0x245: {  	[tilespmem:s23+$0x460] =	vst v14;
	v14 =	vld [tilespmem:s23+$0x470]  }
0x246: {  	v15 =	vld [tilespmem:s2+$0x8D70];
	_ =	sdelay $0x2  }
0x247: {  	p1 =	sgt.s32 s30, $0x1;
	s2 =	smov.u32 s30  }
0x248: {  	s2 =	simm.s32 @!p1 $0x1  }
0x249: {  	s6 =	simm.s32 $0x100;
	s8 =	simm.s32 $0x0;
	s2 =	smin.u32 s2, $0x20;
	v14 =	vmul.f32 $8.999999760e-01, v14;
	v13 =	vmul.f32 v15, v13  }
.LBB2_26:
0x24a: {  	_ = 	snop  }
0x24b: {  	s8 =	sadd.s32 $0x80, s8;
	s7 =	sadd.s32 $0x1, s7;
	s4 =	sadd.s32 $0x1, s4;
	v13 =	vadd.f32 v13, v14  }
0x24c: {  	p1 =	sne.s32 s6, $0x1F00;
	s24 =	smov.u32 s6;
	s6 =	sadd.s32 $0x100, s6  }
0x24d: {  	[tilespmem:s23+$0x470] =	vst v13  }
0x24e: {  	v13 =	vld [tilespmem:s4+$0x0];
	_ =	sdelay $0x4  }
0x24f: {  	(v2sf) =	vpush v13, $0x0;
	_ =	sdelay $0xe  }
0x250: {  	s23 =	sand.u32 $0x380, s8;
	s11 =	spop (v2sf)  }
0x251: {  	s24 =	sand.u32 $0x1800, s24;
	s12 =	sshll.u32 s11, $0x8;
	s11 =	sshll.u32 s11, $0x7  }
0x252: {  	s13 =	sor.u32 s23, s24;
	s12 =	sand.u32 $0xFFFFF800, s12;
	s11 =	sand.u32 $0x380, s11;
	v13 =	vld.msk [tilespmem:s7+$0x0 ss:$0x0], $0xffff  }
0x253: {  	v14 =	vld [tilespmem:s13+$0x17D80];
	s24 =	sor.u32 s11, s12  }
0x254: {  	v15 =	vld [tilespmem:s24+$0x8900];
	_ =	sdelay $0x4  }
0x255: {  	v14 =	vmul.f32 $8.999999760e-01, v14;
	v15 =	vmul.f32 v15, v13;
	_ =	sdelay $0x1  }
0x256: {  	v14 =	vadd.f32 v15, v14;
	_ =	sdelay $0x1  }
0x257: {  	s23 =	sadd.s32 $0x17D80, s13;
	[tilespmem:s13+$0x17D80] =	vst v14  }
0x258: {  	v14 =	vld [tilespmem:s23+$0x10]  }
0x259: {  	v15 =	vld [tilespmem:s24+$0x8910]  }
0x25a: {  	v16 =	vld [tilespmem:s23+$0x20]  }
0x25b: {  	v17 =	vld [tilespmem:s23+$0x30];
	_ =	sdelay $0x1  }
0x25c: {  	v14 =	vmul.f32 $8.999999760e-01, v14  }
0x25d: {  	v15 =	vmul.f32 v15, v13;
	_ =	sdelay $0x1  }
0x25e: {  	v14 =	vadd.f32 v15, v14;
	_ =	sdelay $0x1  }
0x25f: {  	[tilespmem:s23+$0x10] =	vst v14  }
0x260: {  	v14 =	vld [tilespmem:s24+$0x8920];
	_ =	sdelay $0x3  }
0x261: {  	v15 =	vmul.f32 $8.999999760e-01, v16  }
0x262: {  	v14 =	vmul.f32 v14, v13;
	_ =	sdelay $0x1  }
0x263: {  	v14 =	vadd.f32 v14, v15;
	_ =	sdelay $0x1  }
0x264: {  	[tilespmem:s23+$0x20] =	vst v14  }
0x265: {  	v14 =	vld [tilespmem:s24+$0x8930];
	_ =	sdelay $0x3  }
0x266: {  	v15 =	vmul.f32 $8.999999760e-01, v17  }
0x267: {  	v14 =	vmul.f32 v14, v13;
	_ =	sdelay $0x1  }
0x268: {  	v14 =	vadd.f32 v14, v15;
	_ =	sdelay $0x1  }
0x269: {  	[tilespmem:s23+$0x30] =	vst v14;
	v14 =	vld [tilespmem:s23+$0x40]  }
0x26a: {  	v15 =	vld [tilespmem:s24+$0x8940];
	_ =	sdelay $0x3  }
0x26b: {  	v14 =	vmul.f32 $8.999999760e-01, v14  }
0x26c: {  	v15 =	vmul.f32 v15, v13;
	_ =	sdelay $0x1  }
0x26d: {  	v14 =	vadd.f32 v15, v14;
	_ =	sdelay $0x1  }
0x26e: {  	[tilespmem:s23+$0x40] =	vst v14;
	v14 =	vld [tilespmem:s23+$0x50]  }
0x26f: {  	v15 =	vld [tilespmem:s24+$0x8950];
	_ =	sdelay $0x3  }
0x270: {  	v14 =	vmul.f32 $8.999999760e-01, v14  }
0x271: {  	v15 =	vmul.f32 v15, v13;
	_ =	sdelay $0x1  }
0x272: {  	v14 =	vadd.f32 v15, v14;
	_ =	sdelay $0x1  }
0x273: {  	[tilespmem:s23+$0x50] =	vst v14;
	v14 =	vld [tilespmem:s23+$0x60]  }
0x274: {  	v15 =	vld [tilespmem:s24+$0x8960];
	_ =	sdelay $0x3  }
0x275: {  	v14 =	vmul.f32 $8.999999760e-01, v14  }
0x276: {  	v15 =	vmul.f32 v15, v13;
	_ =	sdelay $0x1  }
0x277: {  	v14 =	vadd.f32 v15, v14;
	_ =	sdelay $0x1  }
0x278: {  	[tilespmem:s23+$0x60] =	vst v14;
	v14 =	vld [tilespmem:s23+$0x70]  }
0x279: {  	v15 =	vld [tilespmem:s24+$0x8970];
	_ =	sdelay $0x3  }
0x27a: {  	v14 =	vmul.f32 $8.999999760e-01, v14  }
0x27b: {  	v15 =	vmul.f32 v15, v13;
	_ =	sdelay $0x1  }
0x27c: {  	v14 =	vadd.f32 v15, v14;
	_ =	sdelay $0x1  }
0x27d: {  	[tilespmem:s23+$0x70] =	vst v14;
	v14 =	vld [tilespmem:s23+$0x400]  }
0x27e: {  	v15 =	vld [tilespmem:s24+$0x8D00];
	_ =	sdelay $0x3  }
0x27f: {  	v14 =	vmul.f32 $8.999999760e-01, v14  }
0x280: {  	v15 =	vmul.f32 v15, v13;
	_ =	sdelay $0x1  }
0x281: {  	v14 =	vadd.f32 v15, v14;
	_ =	sdelay $0x1  }
0x282: {  	[tilespmem:s23+$0x400] =	vst v14;
	v14 =	vld [tilespmem:s23+$0x410]  }
0x283: {  	v15 =	vld [tilespmem:s24+$0x8D10];
	_ =	sdelay $0x3  }
0x284: {  	v14 =	vmul.f32 $8.999999760e-01, v14  }
0x285: {  	v15 =	vmul.f32 v15, v13;
	_ =	sdelay $0x1  }
0x286: {  	v14 =	vadd.f32 v15, v14;
	_ =	sdelay $0x1  }
0x287: {  	[tilespmem:s23+$0x410] =	vst v14;
	v14 =	vld [tilespmem:s23+$0x420]  }
0x288: {  	v15 =	vld [tilespmem:s24+$0x8D20];
	_ =	sdelay $0x3  }
0x289: {  	v14 =	vmul.f32 $8.999999760e-01, v14  }
0x28a: {  	v15 =	vmul.f32 v15, v13;
	_ =	sdelay $0x1  }
0x28b: {  	v14 =	vadd.f32 v15, v14;
	_ =	sdelay $0x1  }
0x28c: {  	[tilespmem:s23+$0x420] =	vst v14;
	v14 =	vld [tilespmem:s23+$0x430]  }
0x28d: {  	v15 =	vld [tilespmem:s24+$0x8D30];
	_ =	sdelay $0x3  }
0x28e: {  	v14 =	vmul.f32 $8.999999760e-01, v14  }
0x28f: {  	v15 =	vmul.f32 v15, v13;
	_ =	sdelay $0x1  }
0x290: {  	v14 =	vadd.f32 v15, v14;
	_ =	sdelay $0x1  }
0x291: {  	[tilespmem:s23+$0x430] =	vst v14;
	v14 =	vld [tilespmem:s23+$0x440]  }
0x292: {  	v15 =	vld [tilespmem:s24+$0x8D40];
	_ =	sdelay $0x3  }
0x293: {  	v14 =	vmul.f32 $8.999999760e-01, v14  }
0x294: {  	v15 =	vmul.f32 v15, v13;
	_ =	sdelay $0x1  }
0x295: {  	v14 =	vadd.f32 v15, v14;
	_ =	sdelay $0x1  }
0x296: {  	[tilespmem:s23+$0x440] =	vst v14;
	v14 =	vld [tilespmem:s23+$0x450]  }
0x297: {  	v15 =	vld [tilespmem:s24+$0x8D50];
	_ =	sdelay $0x3  }
0x298: {  	v14 =	vmul.f32 $8.999999760e-01, v14  }
0x299: {  	v15 =	vmul.f32 v15, v13;
	_ =	sdelay $0x1  }
0x29a: {  	v14 =	vadd.f32 v15, v14;
	_ =	sdelay $0x1  }
0x29b: {  	[tilespmem:s23+$0x450] =	vst v14;
	v14 =	vld [tilespmem:s23+$0x460]  }
0x29c: {  	v15 =	vld [tilespmem:s24+$0x8D60];
	_ =	sdelay $0x3  }
0x29d: {  	v14 =	vmul.f32 $8.999999760e-01, v14  }
0x29e: {  	v15 =	vmul.f32 v15, v13;
	_ =	sdelay $0x1  }
0x29f: {  	v14 =	vadd.f32 v15, v14;
	_ =	sdelay $0x1  }
0x2a0: {  	[tilespmem:s23+$0x460] =	vst v14;
	v14 =	vld [tilespmem:s23+$0x470]  }
0x2a1: {  	v15 =	vld [tilespmem:s24+$0x8D70]  }
.Ltmp19:
0x2a2: {  	(pc) =	sbr.rel @p1 .LBB2_26-.Ltmp19, $3  }
0x2a3: {  	_ =	sdelay $0x1  }
0x2a4: {  	v14 =	vmul.f32 $8.999999760e-01, v14  }
0x2a5: {  	v13 =	vmul.f32 v15, v13  }
0x2a6: {  	s0 =	ssub.s32 s28, s0  }
0x2a7: {  	p1 =	slt.s32 s0, $0x1  }
.Ltmp20:
0x2a8: {  	_ = 	snop;
	(pc) =	sbr.rel @p1 .LBB2_31-.Ltmp20, $3  }
0x2a9: {  	_ = 	snop  }
0x2aa: {  	v13 =	vadd.f32 v13, v14;
	_ =	sdelay $0x1  }
0x2ab: {  	s0 =	simm.s32 $0x19E00;
	[tilespmem:s23+$0x470] =	vst v13  }
0x2ac: {  	v13 =	vld [tilespmem:s0+$0x0];
	_ =	sdelay $0x4  }
0x2ad: {  	(v2sf) =	vpush v13, $0x0;
	_ =	sdelay $0xd  }
0x2ae: {  	p1 =	sne.s32 s2, $0x1  }
.Ltmp21:
0x2af: {  	s6 =	spop (v2sf);
	(pc) =	sbr.rel @!p1 .LBB2_30-.Ltmp21, $4  }
0x2b0: {  	s4 =	sshll.u32 s6, $0x8;
	s7 =	sshll.u32 s6, $0x7  }
0x2b1: {  	s4 =	sand.u32 $0xFFFFF800, s4;
	s7 =	sand.u32 $0x380, s7  }
0x2b2: {  	s4 =	sor.u32 s7, s4  }
0x2b3: {  	s2 =	sadd.s32 $0xFFFFFFFF, s2;
	s6 =	sshll.u32 s6, $0x6;
	[tilespmem:s4+$0x8D70] =	vst v3  }
.LBB2_29:
0x2b4: {  	p1 =	sne.s32 s2, $0x1;
	s2 =	sadd.s32 $0xFFFFFFFF, s2;
	[tilespmem:s4+$0x8D60] =	vst v3;
	s0 =	sadd.s32 $0x1, s0  }
0x2b5: {  	[tilespmem:s4+$0x8D50] =	vst v3  }
0x2b6: {  	[tilespmem:s4+$0x8D40] =	vst v3  }
0x2b7: {  	[tilespmem:s4+$0x8D30] =	vst v3  }
0x2b8: {  	[tilespmem:s4+$0x8D20] =	vst v3  }
0x2b9: {  	[tilespmem:s4+$0x8D10] =	vst v3  }
0x2ba: {  	[tilespmem:s4+$0x8D00] =	vst v3  }
0x2bb: {  	[tilespmem:s4+$0x8970] =	vst v3  }
0x2bc: {  	[tilespmem:s4+$0x8960] =	vst v3  }
0x2bd: {  	[tilespmem:s4+$0x8950] =	vst v3  }
0x2be: {  	[tilespmem:s4+$0x8940] =	vst v3  }
0x2bf: {  	[tilespmem:s4+$0x8930] =	vst v3  }
0x2c0: {  	[tilespmem:s4+$0x8920] =	vst v3  }
0x2c1: {  	s6 =	sshra.s32 s6, $0x2;
	[tilespmem:s4+$0x8900] =	vst v3  }
0x2c2: {  	[tilespmem:s4+$0x8910] =	vst v3  }
0x2c3: {  	[tilespmem:s6+$0x15100] =	vst v3  }
0x2c4: {  	v13 =	vld [tilespmem:s0+$0x0];
	_ =	sdelay $0x4  }
0x2c5: {  	(v2sf) =	vpush v13, $0x0;
	_ =	sdelay $0xe  }
.Ltmp22:
0x2c6: {  	s4 =	spop (v2sf);
	(pc) =	sbr.rel @p1 .LBB2_29-.Ltmp22, $4  }
0x2c7: {  	s7 =	sshll.u32 s4, $0x8;
	s8 =	sshll.u32 s4, $0x7;
	s6 =	sshll.u32 s4, $0x6  }
0x2c8: {  	s4 =	sand.u32 $0xFFFFF800, s7;
	s7 =	sand.u32 $0x380, s8  }
0x2c9: {  	s4 =	sor.u32 s7, s4  }
0x2ca: {  	[tilespmem:s4+$0x8D70] =	vst v3  }
.Ltmp23:
0x2cb: {  	_ = 	snop;
	(pc) =	sbr.rel .LBB2_30-.Ltmp23, $1  }
0x2cc: {  	_ =	sdelay $0x3  }
.LBB2_12:
.Ltmp24:
0x2cd: {  	(pc) =	sbr.rel .LBB2_16-.Ltmp24, $2  }
0x2ce: {  	_ =	sdelay $0x2  }
0x2cf: {  	s4 =	simm.s32 $0x0;
	s2 =	simm.s32 $0x0  }
.LBB2_14:
.Ltmp25:
0x2d0: {  	(pc) =	sbr.rel .LBB2_16-.Ltmp25, $2  }
0x2d1: {  	_ =	sdelay $0x2  }
0x2d2: {  	s4 =	simm.s32 $0x0;
	s2 =	simm.s32 $0x0  }
.LBB2_35:
0x2d3: {  	_ =	sfence.sel $0x180000  }
0x2d4: {  	[bflag:$0x0] =	sbarrier.arrive $0xFFFF  }
0x2d5: {  	_ =	strace $0x90000047  }
0x2d6: {  	s0 =	stileid.u32;
	[bflag:$0x2] =	sbarrier.arrive $0xFFFF  }
0x2d7: {  	p0 =	sne.s32 s0, $0x0;
	s0 =	rddreg [dreg:$0x3]  }
0x2d8: {  	s0 =	sadd.s32 @!p0 $0x100000, s0  }
0x2d9: {  	[sflag:s0] =	ssyncadd.tile.s32 @!p0 $0x1;
	_ =	shalt  }
.Lfunc_end2:
_tile_overlayer_lowered:
.L_overlay_start_2:
0x2da: {  	(tag) =	ssettag $0x2  }
0x2db: {  	s0 =	rddreg [dreg:$0x0];
	s2 =	stileid.u32  }
0x2dc: {  	s1 =	rddreg [dreg:$0x1];
	p0 =	sne.s32 s2, $0x0  }
0x2dd: {  	s3 =	rddreg [dreg:$0x2];
	[bflag:$0x3] =	sbarrier.arrive $0xFFFF;
	s2 =	simm.s32 @!p0 $0x1C03  }
0x2de: {  	[timem:s3], [sflag:s2] =	dma.local @!p0 [hbm:s0], s1  }
0x2df: {  	s0 =	simm.s32 @!p0 $0x3  }
0x2e0: {  	_ =	swait.ge @!p0 [sflag:s0], s1  }
0x2e1: {  	s1 =	ssub.s32 @!p0 $0x0, s1;
	[sflag:s0] =	ssyncset.done @!p0 $0x0  }
0x2e2: {  	[sflag:s0] =	ssyncadd.s32 @!p0 s1  }
0x2e3: {  	[bflag:$0x3] =	sbarrier.arrive $0xFFFF  }
0x2e4: {  	_ =	shalt  }

</sc_bundles>
